<compile_context>
chip_gen: v7x
topology: tpu7x:2x2x1
jax: 0.10.2.dev20260603
libtpu: 0.0.44.dev20260713+nightly
codegen_flags: <defaults>
</compile_context>

<pallas_src>
import functools

import jax
import jax.numpy as jnp
from jax import lax
from jax.experimental import pallas as pl
from jax.experimental.pallas import tpu as pltpu
from jax.experimental.pallas import tpu_sc as plsc

LON_MIN, LON_MAX = 36.838, 70.092
LAT_MIN, LAT_MAX = -10.474, 31.586
BINS = 100
EMBED_DIM = 128
L = 16
GCHUNK = 128
NBUF = 4

LAT_INV = float((BINS - 2) / (LAT_MAX - LAT_MIN))
LON_INV = float((BINS - 2) / (LON_MAX - LON_MIN))


def _digitize16(x, bins_ref, b0, inv, off):
    t = (x - b0) * inv
    t = jnp.minimum(jnp.maximum(t, -1.0), float(BINS))
    g = jnp.minimum(jnp.maximum(t.astype(jnp.int32) + 1, 0), BINS - 1)
    lo = plsc.load_gather(bins_ref, [g + off])
    hi = plsc.load_gather(bins_ref, [g + off + 1])
    one = jnp.full((L,), 1, jnp.int32)
    zero = jnp.full((L,), 0, jnp.int32)
    idx = g - 1 + jnp.where(x >= lo, one, zero) + jnp.where(x >= hi, one, zero)
    return jnp.minimum(jnp.maximum(idx, 0), BINS - 1)


@functools.partial(jax.jit, static_argnames=("batch",))
def _sc_embed(lon, lat, lat_table, lon_table, bins_pad, *, batch):
    info = plsc.get_sparse_core_info()
    nw = info.num_cores * info.num_subcores
    rows_w = 2 * batch // nw
    elems_w = batch // nw
    nchunks = rows_w // GCHUNK
    mesh = plsc.VectorSubcoreMesh(core_axis_name="c", subcore_axis_name="s")

    @functools.partial(
        pl.kernel,
        out_type=jax.ShapeDtypeStruct((2 * batch, EMBED_DIM), jnp.float32),
        mesh=mesh,
        scratch_types=[
            pltpu.VMEM((elems_w,), jnp.float32),
            pltpu.VMEM((elems_w,), jnp.float32),
            pltpu.VMEM_SHARED((2 * BINS, EMBED_DIM), jnp.float32),
            pltpu.VMEM((256,), jnp.float32),
            pltpu.VMEM((nchunks, GCHUNK), jnp.int32),
            pltpu.VMEM((NBUF, GCHUNK, EMBED_DIM), jnp.float32),
            pltpu.SemaphoreType.DMA,
            pltpu.SemaphoreType.DMA,
            pltpu.SemaphoreType.DMA,
        ],
        compiler_params=pltpu.CompilerParams(needs_layout_passes=False),
    )
    def k(lon_hbm, lat_hbm, lat_t_hbm, lon_t_hbm, bins_hbm, out_hbm,
          lon_v, lat_v, tbl_v, bins_v, idx_v, bufs, insem, gsem, wsem):
        wid = lax.axis_index("s") * info.num_cores + lax.axis_index("c")
        cin = []
        for src, dst in ((lon_hbm, lon_v), (lat_hbm, lat_v)):
            c = pltpu.make_async_copy(
                src.at[pl.ds(wid * elems_w, elems_w)], dst, insem)
            c.start()
            cin.append(c)
        cb = pltpu.make_async_copy(bins_hbm, bins_v, insem)
        cb.start()
        cin.append(cb)

        @pl.when(lax.axis_index("s") == 0)
        def _stage_lat():
            pltpu.sync_copy(lat_t_hbm, tbl_v.at[pl.ds(0, BINS)])

        @pl.when(lax.axis_index("s") == 1)
        def _stage_lon():
            pltpu.sync_copy(lon_t_hbm, tbl_v.at[pl.ds(BINS, BINS)])

        for c in cin:
            c.wait()

        lane = lax.iota(jnp.int32, L)
        epc = GCHUNK // 2 // L

        def compute_idx(j):
            def body(cc, _):
                c = epc * j + cc
                i = L * c + lane
                lon_x = lon_v[pl.ds(L * c, L)]
                lat_x = lat_v[pl.ds(L * c, L)]
                lat_i = _digitize16(lat_x, bins_v, LAT_MIN, LAT_INV, 0)
                lon_i = _digitize16(lon_x, bins_v, LON_MIN, LON_INV, 128)
                q = ((i >> 3) << 4) + (i & 7)
                gsh = GCHUNK.bit_length() - 1
                plsc.store_scatter(idx_v, [q >> gsh, q & (GCHUNK - 1)], lat_i)
                plsc.store_scatter(idx_v,
                                   [(q + 8) >> gsh, (q + 8) & (GCHUNK - 1)],
                                   lon_i + BINS)
                return _

            lax.fori_loop(0, epc, body, None)

        def write_out(j):
            w = pltpu.make_async_copy(
                bufs.at[j % NBUF],
                out_hbm.at[pl.ds(wid * rows_w + GCHUNK * j, GCHUNK)], wsem)
            w.start()
            return w

        gathers = [None] * nchunks
        writes = [None] * nchunks
        for j in range(nchunks):
            compute_idx(j)
            if j == 0:
                plsc.subcore_barrier()
            if j >= NBUF:
                writes[j - NBUF].wait()
            g = pltpu.make_async_copy(tbl_v.at[idx_v.at[j]], bufs.at[j % NBUF],
                                      gsem)
            g.start()
            gathers[j] = g
            if j >= 1:
                gathers[j - 1].wait()
                writes[j - 1] = write_out(j - 1)
        gathers[nchunks - 1].wait()
        writes[nchunks - 1] = write_out(nchunks - 1)
        for j in range(max(0, nchunks - NBUF), nchunks):
            writes[j].wait()

    return k(lon, lat, lat_table, lon_table, bins_pad)


def kernel(crs, lat_table, lon_table):
    batch = crs.shape[0]
    lat_bins = jnp.linspace(LAT_MIN, LAT_MAX, BINS - 1)
    lon_bins = jnp.linspace(LON_MIN, LON_MAX, BINS - 1)
    ninf = jnp.float32(-jnp.inf)
    bins_pad = jnp.full((256,), jnp.inf, jnp.float32)
    bins_pad = bins_pad.at[0].set(ninf).at[1:BINS].set(lat_bins)
    bins_pad = bins_pad.at[128].set(ninf).at[129:128 + BINS].set(lon_bins)
    out = _sc_embed(crs[:, 0], crs[:, 1], lat_table, lon_table, bins_pad,
                    batch=batch)
    out = out.reshape(batch // 8, 2, 8, EMBED_DIM).transpose(0, 2, 1, 3)
    return out.reshape(batch, 2 * EMBED_DIM)

# --- scband reference (transcript-rebuilt; emitter-appended) ---
"""Pipeline reference for scband-embedding-layer-58463094833697 (READ-ONLY COPY).

The authoritative reference and input builder live on the scoring server;
editing this copy changes nothing except your own understanding.
"""

import jax, jax.numpy as jnp
import numpy as np

LON_MIN, LON_MAX = 36.838, 70.092
LAT_MIN, LAT_MAX = -10.474, 31.586
BINS = 100
EMBED_DIM = 128
BATCH = 16384


def setup_inputs(seed: int = 0) -> dict:
    key = jax.random.key(seed)
    k1, k2, k3 = jax.random.split(key, 3)
    crs = jax.random.normal(k1, (BATCH, 2), dtype=jnp.float32)
    lat_table = jax.random.normal(k2, (BINS, EMBED_DIM), dtype=jnp.float32) * 0.02
    lon_table = jax.random.normal(k3, (BINS, EMBED_DIM), dtype=jnp.float32) * 0.02
    return {"crs": crs, "lat_table": lat_table, "lon_table": lon_table}


def reference(crs, lat_table, lon_table):
    # input_fn: digitize lon (col 0) and lat (col 1) into 100 buckets each
    lon = crs[:, 0]
    lat = crs[:, 1]
    lat_buckets = jnp.linspace(LAT_MIN, LAT_MAX, BINS - 1)
    lon_buckets = jnp.linspace(LON_MIN, LON_MAX, BINS - 1)
    lat_idx = jnp.digitize(lat, lat_buckets)
    lon_idx = jnp.digitize(lon, lon_buckets)
    # LatLongEmbedding.forward: gather from each table, concat on last dim
    lat_embeds = jnp.take(lat_table, lat_idx, axis=0)
    lon_embeds = jnp.take(lon_table, lon_idx, axis=0)
    combined = jnp.concatenate([lat_embeds, lon_embeds], axis=-1)
    return combined

if __name__ == "__main__":
    import jax
    _d = setup_inputs()
    print(jax.jit(kernel)(*tuple(_d.values())))

</pallas_src>

<mosaic_0001>
#map = affine_map<(d0, d1) -> (0)>
#map1 = affine_map<(d0, d1) -> (0, 0)>
module attributes {stable_mosaic.version = 14 : i64} {
  func.func @k(%arg0: i32, %arg1: i32, %arg2: memref<16384xf32, #tpu.memory_space<hbm>>, %arg3: memref<16384xf32, #tpu.memory_space<hbm>>, %arg4: memref<100x128xf32, #tpu.memory_space<hbm>>, %arg5: memref<100x128xf32, #tpu.memory_space<hbm>>, %arg6: memref<256xf32, #tpu.memory_space<hbm>>, %arg7: memref<32768x128xf32, #tpu.memory_space<hbm>>, %arg8: memref<512xf32, #tpu.memory_space<vmem>>, %arg9: memref<512xf32, #tpu.memory_space<vmem>>, %arg10: memref<200x128xf32, #tpu.memory_space<vmem_shared>>, %arg11: memref<256xf32, #tpu.memory_space<vmem>>, %arg12: memref<8x128xi32, #tpu.memory_space<vmem>>, %arg13: memref<4x128x128xf32, #tpu.memory_space<vmem>>, %arg14: memref<!tpu.dma_semaphore, #tpu.memory_space<semaphore_mem>>, %arg15: memref<!tpu.dma_semaphore, #tpu.memory_space<semaphore_mem>>, %arg16: memref<!tpu.dma_semaphore, #tpu.memory_space<semaphore_mem>>) attributes {dimension_semantics = [#tpu.dimension_semantics<core_parallel>, #tpu.dimension_semantics<subcore_parallel>], iteration_bounds = array<i64: 2, 16>, scalar_prefetch = 0 : i64, scratch_operands = 9 : i64, tpu.core_type = #tpu.core_type<sc_vector_subcore>, window_params = [{transform_indices = #map}, {transform_indices = #map}, {transform_indices = #map1}, {transform_indices = #map1}, {transform_indices = #map}, {transform_indices = #map1}]} {
    %mul3A = arith.constant 2 : i32
    %mul3A_0 = arith.muli %arg1, %mul3A : i32
    %add3A = arith.addi %mul3A_0, %arg0 : i32
    %mul3A_1 = arith.constant 512 : i32
    %mul3A_2 = arith.muli %add3A, %mul3A_1 : i32
    %dma_start3A = tpu.memref_slice %arg2[%mul3A_2] : memref<16384xf32, #tpu.memory_space<hbm>> -> memref<512xf32, #tpu.memory_space<hbm>>
    %dma_start3A_3 = tpu.memref_slice %arg2[%mul3A_2] : memref<16384xf32, #tpu.memory_space<hbm>> -> memref<512xf32, #tpu.memory_space<hbm>>
    tpu.enqueue_dma source(%dma_start3A_3 : memref<512xf32, #tpu.memory_space<hbm>>) target(%arg8 : memref<512xf32, #tpu.memory_space<vmem>>) target_semaphore(%arg14 : memref<!tpu.dma_semaphore, #tpu.memory_space<semaphore_mem>>)
    %mul3A_4 = arith.constant 512 : i32
    %mul3A_5 = arith.muli %add3A, %mul3A_4 : i32
    %dma_start3A_6 = tpu.memref_slice %arg3[%mul3A_5] : memref<16384xf32, #tpu.memory_space<hbm>> -> memref<512xf32, #tpu.memory_space<hbm>>
    %dma_start3A_7 = tpu.memref_slice %arg3[%mul3A_5] : memref<16384xf32, #tpu.memory_space<hbm>> -> memref<512xf32, #tpu.memory_space<hbm>>
    tpu.enqueue_dma source(%dma_start3A_7 : memref<512xf32, #tpu.memory_space<hbm>>) target(%arg9 : memref<512xf32, #tpu.memory_space<vmem>>) target_semaphore(%arg14 : memref<!tpu.dma_semaphore, #tpu.memory_space<semaphore_mem>>)
    tpu.enqueue_dma source(%arg6 : memref<256xf32, #tpu.memory_space<hbm>>) target(%arg11 : memref<256xf32, #tpu.memory_space<vmem>>) target_semaphore(%arg14 : memref<!tpu.dma_semaphore, #tpu.memory_space<semaphore_mem>>)
    %eq3A = arith.constant 0 : i32
    %eq3A_8 = arith.cmpi eq, %arg1, %eq3A : i32
    %convert_element_type3A = arith.extui %eq3A_8 : i1 to i32
    %cond3A = arith.constant 0 : i32
    %cond3A_9 = arith.cmpi ne, %convert_element_type3A, %cond3A : i32
    scf.if %cond3A_9 {
      "tpu.region"() ({
        %run_scoped3A = tpu.sem_alloc : memref<!tpu.dma_semaphore, #tpu.memory_space<semaphore_mem>>
        %dma_start3A_489 = arith.constant 0 : i32
        %dma_start3A_490 = arith.constant 0 : i32
        %dma_start3A_491 = tpu.memref_slice %arg10[%dma_start3A_489, %dma_start3A_490] : memref<200x128xf32, #tpu.memory_space<vmem_shared>> -> memref<100x128xf32, #tpu.memory_space<vmem_shared>>
        tpu.enqueue_dma source(%arg4 : memref<100x128xf32, #tpu.memory_space<hbm>>) target(%dma_start3A_491 : memref<100x128xf32, #tpu.memory_space<vmem_shared>>) target_semaphore(%run_scoped3A : memref<!tpu.dma_semaphore, #tpu.memory_space<semaphore_mem>>)
        %dma_wait3A_492 = arith.constant 0 : i32
        %dma_wait3A_493 = arith.constant 0 : i32
        %dma_wait3A_494 = tpu.memref_slice %arg10[%dma_wait3A_492, %dma_wait3A_493] : memref<200x128xf32, #tpu.memory_space<vmem_shared>> -> memref<100x128xf32, #tpu.memory_space<vmem_shared>>
        tpu.wait_dma2 semaphore(%run_scoped3A : memref<!tpu.dma_semaphore, #tpu.memory_space<semaphore_mem>>) src(%arg4 : memref<100x128xf32, #tpu.memory_space<hbm>>) dst(%dma_wait3A_494 : memref<100x128xf32, #tpu.memory_space<vmem_shared>>)
        tpu.yield
      }) : () -> ()
    } else {
    }
    %eq3A_10 = arith.constant 1 : i32
    %eq3A_11 = arith.cmpi eq, %arg1, %eq3A_10 : i32
    %convert_element_type3A_12 = arith.extui %eq3A_11 : i1 to i32
    %cond3A_13 = arith.constant 0 : i32
    %cond3A_14 = arith.cmpi ne, %convert_element_type3A_12, %cond3A_13 : i32
    scf.if %cond3A_14 {
      "tpu.region"() ({
        %run_scoped3A = tpu.sem_alloc : memref<!tpu.dma_semaphore, #tpu.memory_space<semaphore_mem>>
        %dma_start3A_489 = arith.constant 100 : i32
        %dma_start3A_490 = arith.constant 0 : i32
        %dma_start3A_491 = tpu.memref_slice %arg10[%dma_start3A_489, %dma_start3A_490] : memref<200x128xf32, #tpu.memory_space<vmem_shared>> -> memref<100x128xf32, #tpu.memory_space<vmem_shared>>
        tpu.enqueue_dma source(%arg5 : memref<100x128xf32, #tpu.memory_space<hbm>>) target(%dma_start3A_491 : memref<100x128xf32, #tpu.memory_space<vmem_shared>>) target_semaphore(%run_scoped3A : memref<!tpu.dma_semaphore, #tpu.memory_space<semaphore_mem>>)
        %dma_wait3A_492 = arith.constant 100 : i32
        %dma_wait3A_493 = arith.constant 0 : i32
        %dma_wait3A_494 = tpu.memref_slice %arg10[%dma_wait3A_492, %dma_wait3A_493] : memref<200x128xf32, #tpu.memory_space<vmem_shared>> -> memref<100x128xf32, #tpu.memory_space<vmem_shared>>
        tpu.wait_dma2 semaphore(%run_scoped3A : memref<!tpu.dma_semaphore, #tpu.memory_space<semaphore_mem>>) src(%arg5 : memref<100x128xf32, #tpu.memory_space<hbm>>) dst(%dma_wait3A_494 : memref<100x128xf32, #tpu.memory_space<vmem_shared>>)
        tpu.yield
      }) : () -> ()
    } else {
    }
    %dma_wait3A = tpu.memref_slice %arg2[%mul3A_2] : memref<16384xf32, #tpu.memory_space<hbm>> -> memref<512xf32, #tpu.memory_space<hbm>>
    %dma_wait3A_15 = tpu.memref_slice %arg2[%mul3A_2] : memref<16384xf32, #tpu.memory_space<hbm>> -> memref<512xf32, #tpu.memory_space<hbm>>
    tpu.wait_dma2 semaphore(%arg14 : memref<!tpu.dma_semaphore, #tpu.memory_space<semaphore_mem>>) src(%dma_wait3A_15 : memref<512xf32, #tpu.memory_space<hbm>>) dst(%arg8 : memref<512xf32, #tpu.memory_space<vmem>>)
    %dma_wait3A_16 = tpu.memref_slice %arg3[%mul3A_5] : memref<16384xf32, #tpu.memory_space<hbm>> -> memref<512xf32, #tpu.memory_space<hbm>>
    %dma_wait3A_17 = tpu.memref_slice %arg3[%mul3A_5] : memref<16384xf32, #tpu.memory_space<hbm>> -> memref<512xf32, #tpu.memory_space<hbm>>
    tpu.wait_dma2 semaphore(%arg14 : memref<!tpu.dma_semaphore, #tpu.memory_space<semaphore_mem>>) src(%dma_wait3A_17 : memref<512xf32, #tpu.memory_space<hbm>>) dst(%arg9 : memref<512xf32, #tpu.memory_space<vmem>>)
    tpu.wait_dma2 semaphore(%arg14 : memref<!tpu.dma_semaphore, #tpu.memory_space<semaphore_mem>>) src(%arg6 : memref<256xf32, #tpu.memory_space<hbm>>) dst(%arg11 : memref<256xf32, #tpu.memory_space<vmem>>)
    %iota3A = tpu.iota {dimensions = array<i32: 0>} : vector<16xi32>
    %scan3A = arith.constant 0 : i32
    %scan3A_18 = arith.constant 4 : i32
    %scan3A_19 = arith.addi %scan3A, %scan3A_18 : i32
    %scan3A_20 = arith.constant 1 : i32
    scf.for %scan3A_489 = %scan3A to %scan3A_19 step %scan3A_20  : i32 {
      %add3A_490 = arith.constant 0 : i32
      %add3A_491 = arith.addi %add3A_490, %scan3A_489 : i32
      %mul3A_492 = arith.constant 16 : i32
      %mul3A_493 = arith.muli %mul3A_492, %add3A_491 : i32
      %add3A_494 = vector.broadcast %mul3A_493 : i32 to vector<16xi32>
      %add3A_495 = arith.addi %add3A_494, %iota3A : vector<16xi32>
      %mul3A_496 = arith.constant 16 : i32
      %mul3A_497 = arith.muli %mul3A_496, %add3A_491 : i32
      %get3A = arith.index_cast %mul3A_497 : i32 to index
      %get3A_498 = tpu.vector_load %arg8[%get3A] {strides = array<i32>} : memref<512xf32, #tpu.memory_space<vmem>>, vector<16xf32>,
      %mul3A_499 = arith.constant 16 : i32
      %mul3A_500 = arith.muli %mul3A_499, %add3A_491 : i32
      %get3A_501 = arith.index_cast %mul3A_500 : i32 to index
      %get3A_502 = tpu.vector_load %arg9[%get3A_501] {strides = array<i32>} : memref<512xf32, #tpu.memory_space<vmem>>, vector<16xf32>,
      %sub3A = arith.constant -1.047400e+01 : f32
      %sub3A_503 = vector.broadcast %sub3A : f32 to vector<16xf32>
      %sub3A_504 = arith.subf %get3A_502, %sub3A_503 : vector<16xf32>
      %mul3A_505 = arith.constant 2.33000469 : f32
      %mul3A_506 = vector.broadcast %mul3A_505 : f32 to vector<16xf32>
      %mul3A_507 = arith.mulf %sub3A_504, %mul3A_506 : vector<16xf32>
      %max3A = arith.constant -1.000000e+00 : f32
      %max3A_508 = vector.broadcast %max3A : f32 to vector<16xf32>
      %max3A_509 = arith.maximumf %mul3A_507, %max3A_508 : vector<16xf32>
      %min3A = arith.constant 1.000000e+02 : f32
      %min3A_510 = vector.broadcast %min3A : f32 to vector<16xf32>
      %min3A_511 = arith.minimumf %max3A_509, %min3A_510 : vector<16xf32>
      %convert_element_type3A_512 = arith.fptosi %min3A_511 : vector<16xf32> to vector<16xi32>
      %add3A_513 = arith.constant 1 : i32
      %add3A_514 = vector.broadcast %add3A_513 : i32 to vector<16xi32>
      %add3A_515 = arith.addi %convert_element_type3A_512, %add3A_514 : vector<16xi32>
      %max3A_516 = arith.constant 0 : i32
      %max3A_517 = vector.broadcast %max3A_516 : i32 to vector<16xi32>
      %max3A_518 = arith.maxsi %add3A_515, %max3A_517 : vector<16xi32>
      %min3A_519 = arith.constant 99 : i32
      %min3A_520 = vector.broadcast %min3A_519 : i32 to vector<16xi32>
      %min3A_521 = arith.minsi %max3A_518, %min3A_520 : vector<16xi32>
      %add3A_522 = arith.constant 0 : i32
      %add3A_523 = vector.broadcast %add3A_522 : i32 to vector<16xi32>
      %add3A_524 = arith.addi %min3A_521, %add3A_523 : vector<16xi32>
      %gather3A = tpu.vector_load_idx %arg11[%add3A_524] : memref<256xf32, #tpu.memory_space<vmem>>[vector<16xi32>], vector<16xf32>,
      %add3A_525 = arith.constant 0 : i32
      %add3A_526 = vector.broadcast %add3A_525 : i32 to vector<16xi32>
      %add3A_527 = arith.addi %min3A_521, %add3A_526 : vector<16xi32>
      %add3A_528 = arith.constant 1 : i32
      %add3A_529 = vector.broadcast %add3A_528 : i32 to vector<16xi32>
      %add3A_530 = arith.addi %add3A_527, %add3A_529 : vector<16xi32>
      %gather3A_531 = tpu.vector_load_idx %arg11[%add3A_530] : memref<256xf32, #tpu.memory_space<vmem>>[vector<16xi32>], vector<16xf32>,
      %broadcast_in_dim3A = arith.constant 1 : i32
      %broadcast_in_dim3A_532 = vector.broadcast %broadcast_in_dim3A : i32 to vector<16xi32>
      %broadcast_in_dim3A_533 = arith.constant 0 : i32
      %broadcast_in_dim3A_534 = vector.broadcast %broadcast_in_dim3A_533 : i32 to vector<16xi32>
      %sub3A_535 = arith.constant 1 : i32
      %sub3A_536 = vector.broadcast %sub3A_535 : i32 to vector<16xi32>
      %sub3A_537 = arith.subi %min3A_521, %sub3A_536 : vector<16xi32>
      %ge3A = arith.cmpf oge, %get3A_502, %gather3A : vector<16xf32>
      %select_n3A = arith.select %ge3A, %broadcast_in_dim3A_532, %broadcast_in_dim3A_534 : vector<16xi1>, vector<16xi32>
      %add3A_538 = arith.addi %sub3A_537, %select_n3A : vector<16xi32>
      %ge3A_539 = arith.cmpf oge, %get3A_502, %gather3A_531 : vector<16xf32>
      %select_n3A_540 = arith.select %ge3A_539, %broadcast_in_dim3A_532, %broadcast_in_dim3A_534 : vector<16xi1>, vector<16xi32>
      %add3A_541 = arith.addi %add3A_538, %select_n3A_540 : vector<16xi32>
      %max3A_542 = arith.constant 0 : i32
      %max3A_543 = vector.broadcast %max3A_542 : i32 to vector<16xi32>
      %max3A_544 = arith.maxsi %add3A_541, %max3A_543 : vector<16xi32>
      %min3A_545 = arith.constant 99 : i32
      %min3A_546 = vector.broadcast %min3A_545 : i32 to vector<16xi32>
      %min3A_547 = arith.minsi %max3A_544, %min3A_546 : vector<16xi32>
      %sub3A_548 = arith.constant 3.683800e+01 : f32
      %sub3A_549 = vector.broadcast %sub3A_548 : f32 to vector<16xf32>
      %sub3A_550 = arith.subf %get3A_498, %sub3A_549 : vector<16xf32>
      %mul3A_551 = arith.constant 2.94701385 : f32
      %mul3A_552 = vector.broadcast %mul3A_551 : f32 to vector<16xf32>
      %mul3A_553 = arith.mulf %sub3A_550, %mul3A_552 : vector<16xf32>
      %max3A_554 = arith.constant -1.000000e+00 : f32
      %max3A_555 = vector.broadcast %max3A_554 : f32 to vector<16xf32>
      %max3A_556 = arith.maximumf %mul3A_553, %max3A_555 : vector<16xf32>
      %min3A_557 = arith.constant 1.000000e+02 : f32
      %min3A_558 = vector.broadcast %min3A_557 : f32 to vector<16xf32>
      %min3A_559 = arith.minimumf %max3A_556, %min3A_558 : vector<16xf32>
      %convert_element_type3A_560 = arith.fptosi %min3A_559 : vector<16xf32> to vector<16xi32>
      %add3A_561 = arith.constant 1 : i32
      %add3A_562 = vector.broadcast %add3A_561 : i32 to vector<16xi32>
      %add3A_563 = arith.addi %convert_element_type3A_560, %add3A_562 : vector<16xi32>
      %max3A_564 = arith.constant 0 : i32
      %max3A_565 = vector.broadcast %max3A_564 : i32 to vector<16xi32>
      %max3A_566 = arith.maxsi %add3A_563, %max3A_565 : vector<16xi32>
      %min3A_567 = arith.constant 99 : i32
      %min3A_568 = vector.broadcast %min3A_567 : i32 to vector<16xi32>
      %min3A_569 = arith.minsi %max3A_566, %min3A_568 : vector<16xi32>
      %add3A_570 = arith.constant 128 : i32
      %add3A_571 = vector.broadcast %add3A_570 : i32 to vector<16xi32>
      %add3A_572 = arith.addi %min3A_569, %add3A_571 : vector<16xi32>
      %gather3A_573 = tpu.vector_load_idx %arg11[%add3A_572] : memref<256xf32, #tpu.memory_space<vmem>>[vector<16xi32>], vector<16xf32>,
      %add3A_574 = arith.constant 128 : i32
      %add3A_575 = vector.broadcast %add3A_574 : i32 to vector<16xi32>
      %add3A_576 = arith.addi %min3A_569, %add3A_575 : vector<16xi32>
      %add3A_577 = arith.constant 1 : i32
      %add3A_578 = vector.broadcast %add3A_577 : i32 to vector<16xi32>
      %add3A_579 = arith.addi %add3A_576, %add3A_578 : vector<16xi32>
      %gather3A_580 = tpu.vector_load_idx %arg11[%add3A_579] : memref<256xf32, #tpu.memory_space<vmem>>[vector<16xi32>], vector<16xf32>,
      %broadcast_in_dim3A_581 = arith.constant 1 : i32
      %broadcast_in_dim3A_582 = vector.broadcast %broadcast_in_dim3A_581 : i32 to vector<16xi32>
      %broadcast_in_dim3A_583 = arith.constant 0 : i32
      %broadcast_in_dim3A_584 = vector.broadcast %broadcast_in_dim3A_583 : i32 to vector<16xi32>
      %sub3A_585 = arith.constant 1 : i32
      %sub3A_586 = vector.broadcast %sub3A_585 : i32 to vector<16xi32>
      %sub3A_587 = arith.subi %min3A_569, %sub3A_586 : vector<16xi32>
      %ge3A_588 = arith.cmpf oge, %get3A_498, %gather3A_573 : vector<16xf32>
      %select_n3A_589 = arith.select %ge3A_588, %broadcast_in_dim3A_582, %broadcast_in_dim3A_584 : vector<16xi1>, vector<16xi32>
      %add3A_590 = arith.addi %sub3A_587, %select_n3A_589 : vector<16xi32>
      %ge3A_591 = arith.cmpf oge, %get3A_498, %gather3A_580 : vector<16xf32>
      %select_n3A_592 = arith.select %ge3A_591, %broadcast_in_dim3A_582, %broadcast_in_dim3A_584 : vector<16xi1>, vector<16xi32>
      %add3A_593 = arith.addi %add3A_590, %select_n3A_592 : vector<16xi32>
      %max3A_594 = arith.constant 0 : i32
      %max3A_595 = vector.broadcast %max3A_594 : i32 to vector<16xi32>
      %max3A_596 = arith.maxsi %add3A_593, %max3A_595 : vector<16xi32>
      %min3A_597 = arith.constant 99 : i32
      %min3A_598 = vector.broadcast %min3A_597 : i32 to vector<16xi32>
      %min3A_599 = arith.minsi %max3A_596, %min3A_598 : vector<16xi32>
      %shift_right_arithmetic3A = arith.constant 3 : i32
      %shift_right_arithmetic3A_600 = vector.broadcast %shift_right_arithmetic3A : i32 to vector<16xi32>
      %shift_right_arithmetic3A_601 = arith.shrsi %add3A_495, %shift_right_arithmetic3A_600 : vector<16xi32>
      %shift_left3A = arith.constant 4 : i32
      %shift_left3A_602 = vector.broadcast %shift_left3A : i32 to vector<16xi32>
      %shift_left3A_603 = arith.shli %shift_right_arithmetic3A_601, %shift_left3A_602 : vector<16xi32>
      %and3A = arith.constant 7 : i32
      %and3A_604 = vector.broadcast %and3A : i32 to vector<16xi32>
      %and3A_605 = arith.andi %add3A_495, %and3A_604 : vector<16xi32>
      %add3A_606 = arith.addi %shift_left3A_603, %and3A_605 : vector<16xi32>
      %shift_right_arithmetic3A_607 = arith.constant 7 : i32
      %shift_right_arithmetic3A_608 = vector.broadcast %shift_right_arithmetic3A_607 : i32 to vector<16xi32>
      %shift_right_arithmetic3A_609 = arith.shrsi %add3A_606, %shift_right_arithmetic3A_608 : vector<16xi32>
      %and3A_610 = arith.constant 127 : i32
      %and3A_611 = vector.broadcast %and3A_610 : i32 to vector<16xi32>
      %and3A_612 = arith.andi %add3A_606, %and3A_611 : vector<16xi32>
      tpu.vector_store_idx %arg12[%shift_right_arithmetic3A_609, %and3A_612], %min3A_547 : memref<8x128xi32, #tpu.memory_space<vmem>>[vector<16xi32>, vector<16xi32>], vector<16xi32>,
      %add3A_613 = arith.constant 8 : i32
      %add3A_614 = vector.broadcast %add3A_613 : i32 to vector<16xi32>
      %add3A_615 = arith.addi %add3A_606, %add3A_614 : vector<16xi32>
      %shift_right_arithmetic3A_616 = arith.constant 7 : i32
      %shift_right_arithmetic3A_617 = vector.broadcast %shift_right_arithmetic3A_616 : i32 to vector<16xi32>
      %shift_right_arithmetic3A_618 = arith.shrsi %add3A_615, %shift_right_arithmetic3A_617 : vector<16xi32>
      %add3A_619 = arith.constant 8 : i32
      %add3A_620 = vector.broadcast %add3A_619 : i32 to vector<16xi32>
      %add3A_621 = arith.addi %add3A_606, %add3A_620 : vector<16xi32>
      %and3A_622 = arith.constant 127 : i32
      %and3A_623 = vector.broadcast %and3A_622 : i32 to vector<16xi32>
      %and3A_624 = arith.andi %add3A_621, %and3A_623 : vector<16xi32>
      %add3A_625 = arith.constant 100 : i32
      %add3A_626 = vector.broadcast %add3A_625 : i32 to vector<16xi32>
      %add3A_627 = arith.addi %min3A_599, %add3A_626 : vector<16xi32>
      tpu.vector_store_idx %arg12[%shift_right_arithmetic3A_618, %and3A_624], %add3A_627 : memref<8x128xi32, #tpu.memory_space<vmem>>[vector<16xi32>, vector<16xi32>], vector<16xi32>,
    }
    %scan3A_21 = arith.constant 4 : i32
    %barrier3A = arith.constant 0 : index
    tpu.barrier barrier_id(%barrier3A)
    %dma_start3A_22 = arith.constant 0 : i32
    %dma_start3A_23 = arith.constant 0 : i32
    %dma_start3A_24 = arith.constant 0 : i32
    %dma_start3A_25 = arith.constant 0 : i32
    %dma_start3A_26 = tpu.memref_slice %arg13[%dma_start3A_23, %dma_start3A_24, %dma_start3A_25] : memref<4x128x128xf32, #tpu.memory_space<vmem>> -> memref<1x128x128xf32, #tpu.memory_space<vmem>>
    %dma_start3A_27 = tpu.memref_squeeze %dma_start3A_26 : memref<1x128x128xf32, #tpu.memory_space<vmem>> -> memref<128x128xf32, #tpu.memory_space<vmem>>
    %dma_start3A_28 = arith.constant 0 : i32
    %dma_start3A_29 = tpu.memref_slice %arg12[%dma_start3A_22, %dma_start3A_28] : memref<8x128xi32, #tpu.memory_space<vmem>> -> memref<1x128xi32, #tpu.memory_space<vmem>>
    %dma_start3A_30 = tpu.memref_squeeze %dma_start3A_29 : memref<1x128xi32, #tpu.memory_space<vmem>> -> memref<128xi32, #tpu.memory_space<vmem>>
    %dma_start3A_31 = arith.constant 0 : i32
    %dma_start3A_32 = arith.constant 0 : i32
    %dma_start3A_33 = tpu.memref_slice %arg10[%dma_start3A_31, %dma_start3A_32] : memref<200x128xf32, #tpu.memory_space<vmem_shared>> -> memref<200x128xf32, #tpu.memory_space<vmem_shared>>
    tpu.enqueue_indirect_dma source(%dma_start3A_33 : memref<200x128xf32, #tpu.memory_space<vmem_shared>>) target(%dma_start3A_27 : memref<128x128xf32, #tpu.memory_space<vmem>>) offsets(%dma_start3A_30 : memref<128xi32, #tpu.memory_space<vmem>>) semaphore(%arg15 : memref<!tpu.dma_semaphore, #tpu.memory_space<semaphore_mem>>)
    %scan3A_34 = arith.constant 0 : i32
    %scan3A_35 = arith.constant 4 : i32
    %scan3A_36 = arith.addi %scan3A_34, %scan3A_35 : i32
    %scan3A_37 = arith.constant 1 : i32
    scf.for %scan3A_489 = %scan3A_34 to %scan3A_36 step %scan3A_37  : i32 {
      %add3A_490 = arith.constant 4 : i32
      %add3A_491 = arith.addi %add3A_490, %scan3A_489 : i32
      %mul3A_492 = arith.constant 16 : i32
      %mul3A_493 = arith.muli %mul3A_492, %add3A_491 : i32
      %add3A_494 = vector.broadcast %mul3A_493 : i32 to vector<16xi32>
      %add3A_495 = arith.addi %add3A_494, %iota3A : vector<16xi32>
      %mul3A_496 = arith.constant 16 : i32
      %mul3A_497 = arith.muli %mul3A_496, %add3A_491 : i32
      %get3A = arith.index_cast %mul3A_497 : i32 to index
      %get3A_498 = tpu.vector_load %arg8[%get3A] {strides = array<i32>} : memref<512xf32, #tpu.memory_space<vmem>>, vector<16xf32>,
      %mul3A_499 = arith.constant 16 : i32
      %mul3A_500 = arith.muli %mul3A_499, %add3A_491 : i32
      %get3A_501 = arith.index_cast %mul3A_500 : i32 to index
      %get3A_502 = tpu.vector_load %arg9[%get3A_501] {strides = array<i32>} : memref<512xf32, #tpu.memory_space<vmem>>, vector<16xf32>,
      %sub3A = arith.constant -1.047400e+01 : f32
      %sub3A_503 = vector.broadcast %sub3A : f32 to vector<16xf32>
      %sub3A_504 = arith.subf %get3A_502, %sub3A_503 : vector<16xf32>
      %mul3A_505 = arith.constant 2.33000469 : f32
      %mul3A_506 = vector.broadcast %mul3A_505 : f32 to vector<16xf32>
      %mul3A_507 = arith.mulf %sub3A_504, %mul3A_506 : vector<16xf32>
      %max3A = arith.constant -1.000000e+00 : f32
      %max3A_508 = vector.broadcast %max3A : f32 to vector<16xf32>
      %max3A_509 = arith.maximumf %mul3A_507, %max3A_508 : vector<16xf32>
      %min3A = arith.constant 1.000000e+02 : f32
      %min3A_510 = vector.broadcast %min3A : f32 to vector<16xf32>
      %min3A_511 = arith.minimumf %max3A_509, %min3A_510 : vector<16xf32>
      %convert_element_type3A_512 = arith.fptosi %min3A_511 : vector<16xf32> to vector<16xi32>
      %add3A_513 = arith.constant 1 : i32
      %add3A_514 = vector.broadcast %add3A_513 : i32 to vector<16xi32>
      %add3A_515 = arith.addi %convert_element_type3A_512, %add3A_514 : vector<16xi32>
      %max3A_516 = arith.constant 0 : i32
      %max3A_517 = vector.broadcast %max3A_516 : i32 to vector<16xi32>
      %max3A_518 = arith.maxsi %add3A_515, %max3A_517 : vector<16xi32>
      %min3A_519 = arith.constant 99 : i32
      %min3A_520 = vector.broadcast %min3A_519 : i32 to vector<16xi32>
      %min3A_521 = arith.minsi %max3A_518, %min3A_520 : vector<16xi32>
      %add3A_522 = arith.constant 0 : i32
      %add3A_523 = vector.broadcast %add3A_522 : i32 to vector<16xi32>
      %add3A_524 = arith.addi %min3A_521, %add3A_523 : vector<16xi32>
      %gather3A = tpu.vector_load_idx %arg11[%add3A_524] : memref<256xf32, #tpu.memory_space<vmem>>[vector<16xi32>], vector<16xf32>,
      %add3A_525 = arith.constant 0 : i32
      %add3A_526 = vector.broadcast %add3A_525 : i32 to vector<16xi32>
      %add3A_527 = arith.addi %min3A_521, %add3A_526 : vector<16xi32>
      %add3A_528 = arith.constant 1 : i32
      %add3A_529 = vector.broadcast %add3A_528 : i32 to vector<16xi32>
      %add3A_530 = arith.addi %add3A_527, %add3A_529 : vector<16xi32>
      %gather3A_531 = tpu.vector_load_idx %arg11[%add3A_530] : memref<256xf32, #tpu.memory_space<vmem>>[vector<16xi32>], vector<16xf32>,
      %broadcast_in_dim3A = arith.constant 1 : i32
      %broadcast_in_dim3A_532 = vector.broadcast %broadcast_in_dim3A : i32 to vector<16xi32>
      %broadcast_in_dim3A_533 = arith.constant 0 : i32
      %broadcast_in_dim3A_534 = vector.broadcast %broadcast_in_dim3A_533 : i32 to vector<16xi32>
      %sub3A_535 = arith.constant 1 : i32
      %sub3A_536 = vector.broadcast %sub3A_535 : i32 to vector<16xi32>
      %sub3A_537 = arith.subi %min3A_521, %sub3A_536 : vector<16xi32>
      %ge3A = arith.cmpf oge, %get3A_502, %gather3A : vector<16xf32>
      %select_n3A = arith.select %ge3A, %broadcast_in_dim3A_532, %broadcast_in_dim3A_534 : vector<16xi1>, vector<16xi32>
      %add3A_538 = arith.addi %sub3A_537, %select_n3A : vector<16xi32>
      %ge3A_539 = arith.cmpf oge, %get3A_502, %gather3A_531 : vector<16xf32>
      %select_n3A_540 = arith.select %ge3A_539, %broadcast_in_dim3A_532, %broadcast_in_dim3A_534 : vector<16xi1>, vector<16xi32>
      %add3A_541 = arith.addi %add3A_538, %select_n3A_540 : vector<16xi32>
      %max3A_542 = arith.constant 0 : i32
      %max3A_543 = vector.broadcast %max3A_542 : i32 to vector<16xi32>
      %max3A_544 = arith.maxsi %add3A_541, %max3A_543 : vector<16xi32>
      %min3A_545 = arith.constant 99 : i32
      %min3A_546 = vector.broadcast %min3A_545 : i32 to vector<16xi32>
      %min3A_547 = arith.minsi %max3A_544, %min3A_546 : vector<16xi32>
      %sub3A_548 = arith.constant 3.683800e+01 : f32
      %sub3A_549 = vector.broadcast %sub3A_548 : f32 to vector<16xf32>
      %sub3A_550 = arith.subf %get3A_498, %sub3A_549 : vector<16xf32>
      %mul3A_551 = arith.constant 2.94701385 : f32
      %mul3A_552 = vector.broadcast %mul3A_551 : f32 to vector<16xf32>
      %mul3A_553 = arith.mulf %sub3A_550, %mul3A_552 : vector<16xf32>
      %max3A_554 = arith.constant -1.000000e+00 : f32
      %max3A_555 = vector.broadcast %max3A_554 : f32 to vector<16xf32>
      %max3A_556 = arith.maximumf %mul3A_553, %max3A_555 : vector<16xf32>
      %min3A_557 = arith.constant 1.000000e+02 : f32
      %min3A_558 = vector.broadcast %min3A_557 : f32 to vector<16xf32>
      %min3A_559 = arith.minimumf %max3A_556, %min3A_558 : vector<16xf32>
      %convert_element_type3A_560 = arith.fptosi %min3A_559 : vector<16xf32> to vector<16xi32>
      %add3A_561 = arith.constant 1 : i32
      %add3A_562 = vector.broadcast %add3A_561 : i32 to vector<16xi32>
      %add3A_563 = arith.addi %convert_element_type3A_560, %add3A_562 : vector<16xi32>
      %max3A_564 = arith.constant 0 : i32
      %max3A_565 = vector.broadcast %max3A_564 : i32 to vector<16xi32>
      %max3A_566 = arith.maxsi %add3A_563, %max3A_565 : vector<16xi32>
      %min3A_567 = arith.constant 99 : i32
      %min3A_568 = vector.broadcast %min3A_567 : i32 to vector<16xi32>
      %min3A_569 = arith.minsi %max3A_566, %min3A_568 : vector<16xi32>
      %add3A_570 = arith.constant 128 : i32
      %add3A_571 = vector.broadcast %add3A_570 : i32 to vector<16xi32>
      %add3A_572 = arith.addi %min3A_569, %add3A_571 : vector<16xi32>
      %gather3A_573 = tpu.vector_load_idx %arg11[%add3A_572] : memref<256xf32, #tpu.memory_space<vmem>>[vector<16xi32>], vector<16xf32>,
      %add3A_574 = arith.constant 128 : i32
      %add3A_575 = vector.broadcast %add3A_574 : i32 to vector<16xi32>
      %add3A_576 = arith.addi %min3A_569, %add3A_575 : vector<16xi32>
      %add3A_577 = arith.constant 1 : i32
      %add3A_578 = vector.broadcast %add3A_577 : i32 to vector<16xi32>
      %add3A_579 = arith.addi %add3A_576, %add3A_578 : vector<16xi32>
      %gather3A_580 = tpu.vector_load_idx %arg11[%add3A_579] : memref<256xf32, #tpu.memory_space<vmem>>[vector<16xi32>], vector<16xf32>,
      %broadcast_in_dim3A_581 = arith.constant 1 : i32
      %broadcast_in_dim3A_582 = vector.broadcast %broadcast_in_dim3A_581 : i32 to vector<16xi32>
      %broadcast_in_dim3A_583 = arith.constant 0 : i32
      %broadcast_in_dim3A_584 = vector.broadcast %broadcast_in_dim3A_583 : i32 to vector<16xi32>
      %sub3A_585 = arith.constant 1 : i32
      %sub3A_586 = vector.broadcast %sub3A_585 : i32 to vector<16xi32>
      %sub3A_587 = arith.subi %min3A_569, %sub3A_586 : vector<16xi32>
      %ge3A_588 = arith.cmpf oge, %get3A_498, %gather3A_573 : vector<16xf32>
      %select_n3A_589 = arith.select %ge3A_588, %broadcast_in_dim3A_582, %broadcast_in_dim3A_584 : vector<16xi1>, vector<16xi32>
      %add3A_590 = arith.addi %sub3A_587, %select_n3A_589 : vector<16xi32>
      %ge3A_591 = arith.cmpf oge, %get3A_498, %gather3A_580 : vector<16xf32>
      %select_n3A_592 = arith.select %ge3A_591, %broadcast_in_dim3A_582, %broadcast_in_dim3A_584 : vector<16xi1>, vector<16xi32>
      %add3A_593 = arith.addi %add3A_590, %select_n3A_592 : vector<16xi32>
      %max3A_594 = arith.constant 0 : i32
      %max3A_595 = vector.broadcast %max3A_594 : i32 to vector<16xi32>
      %max3A_596 = arith.maxsi %add3A_593, %max3A_595 : vector<16xi32>
      %min3A_597 = arith.constant 99 : i32
      %min3A_598 = vector.broadcast %min3A_597 : i32 to vector<16xi32>
      %min3A_599 = arith.minsi %max3A_596, %min3A_598 : vector<16xi32>
      %shift_right_arithmetic3A = arith.constant 3 : i32
      %shift_right_arithmetic3A_600 = vector.broadcast %shift_right_arithmetic3A : i32 to vector<16xi32>
      %shift_right_arithmetic3A_601 = arith.shrsi %add3A_495, %shift_right_arithmetic3A_600 : vector<16xi32>
      %shift_left3A = arith.constant 4 : i32
      %shift_left3A_602 = vector.broadcast %shift_left3A : i32 to vector<16xi32>
      %shift_left3A_603 = arith.shli %shift_right_arithmetic3A_601, %shift_left3A_602 : vector<16xi32>
      %and3A = arith.constant 7 : i32
      %and3A_604 = vector.broadcast %and3A : i32 to vector<16xi32>
      %and3A_605 = arith.andi %add3A_495, %and3A_604 : vector<16xi32>
      %add3A_606 = arith.addi %shift_left3A_603, %and3A_605 : vector<16xi32>
      %shift_right_arithmetic3A_607 = arith.constant 7 : i32
      %shift_right_arithmetic3A_608 = vector.broadcast %shift_right_arithmetic3A_607 : i32 to vector<16xi32>
      %shift_right_arithmetic3A_609 = arith.shrsi %add3A_606, %shift_right_arithmetic3A_608 : vector<16xi32>
      %and3A_610 = arith.constant 127 : i32
      %and3A_611 = vector.broadcast %and3A_610 : i32 to vector<16xi32>
      %and3A_612 = arith.andi %add3A_606, %and3A_611 : vector<16xi32>
      tpu.vector_store_idx %arg12[%shift_right_arithmetic3A_609, %and3A_612], %min3A_547 : memref<8x128xi32, #tpu.memory_space<vmem>>[vector<16xi32>, vector<16xi32>], vector<16xi32>,
      %add3A_613 = arith.constant 8 : i32
      %add3A_614 = vector.broadcast %add3A_613 : i32 to vector<16xi32>
      %add3A_615 = arith.addi %add3A_606, %add3A_614 : vector<16xi32>
      %shift_right_arithmetic3A_616 = arith.constant 7 : i32
      %shift_right_arithmetic3A_617 = vector.broadcast %shift_right_arithmetic3A_616 : i32 to vector<16xi32>
      %shift_right_arithmetic3A_618 = arith.shrsi %add3A_615, %shift_right_arithmetic3A_617 : vector<16xi32>
      %add3A_619 = arith.constant 8 : i32
      %add3A_620 = vector.broadcast %add3A_619 : i32 to vector<16xi32>
      %add3A_621 = arith.addi %add3A_606, %add3A_620 : vector<16xi32>
      %and3A_622 = arith.constant 127 : i32
      %and3A_623 = vector.broadcast %and3A_622 : i32 to vector<16xi32>
      %and3A_624 = arith.andi %add3A_621, %and3A_623 : vector<16xi32>
      %add3A_625 = arith.constant 100 : i32
      %add3A_626 = vector.broadcast %add3A_625 : i32 to vector<16xi32>
      %add3A_627 = arith.addi %min3A_599, %add3A_626 : vector<16xi32>
      tpu.vector_store_idx %arg12[%shift_right_arithmetic3A_618, %and3A_624], %add3A_627 : memref<8x128xi32, #tpu.memory_space<vmem>>[vector<16xi32>, vector<16xi32>], vector<16xi32>,
    }
    %scan3A_38 = arith.constant 4 : i32
    %dma_start3A_39 = arith.constant 1 : i32
    %dma_start3A_40 = arith.constant 1 : i32
    %dma_start3A_41 = arith.constant 0 : i32
    %dma_start3A_42 = arith.constant 0 : i32
    %dma_start3A_43 = tpu.memref_slice %arg13[%dma_start3A_40, %dma_start3A_41, %dma_start3A_42] : memref<4x128x128xf32, #tpu.memory_space<vmem>> -> memref<1x128x128xf32, #tpu.memory_space<vmem>>
    %dma_start3A_44 = tpu.memref_squeeze %dma_start3A_43 : memref<1x128x128xf32, #tpu.memory_space<vmem>> -> memref<128x128xf32, #tpu.memory_space<vmem>>
    %dma_start3A_45 = arith.constant 0 : i32
    %dma_start3A_46 = tpu.memref_slice %arg12[%dma_start3A_39, %dma_start3A_45] : memref<8x128xi32, #tpu.memory_space<vmem>> -> memref<1x128xi32, #tpu.memory_space<vmem>>
    %dma_start3A_47 = tpu.memref_squeeze %dma_start3A_46 : memref<1x128xi32, #tpu.memory_space<vmem>> -> memref<128xi32, #tpu.memory_space<vmem>>
    %dma_start3A_48 = arith.constant 0 : i32
    %dma_start3A_49 = arith.constant 0 : i32
    %dma_start3A_50 = tpu.memref_slice %arg10[%dma_start3A_48, %dma_start3A_49] : memref<200x128xf32, #tpu.memory_space<vmem_shared>> -> memref<200x128xf32, #tpu.memory_space<vmem_shared>>
    tpu.enqueue_indirect_dma source(%dma_start3A_50 : memref<200x128xf32, #tpu.memory_space<vmem_shared>>) target(%dma_start3A_44 : memref<128x128xf32, #tpu.memory_space<vmem>>) offsets(%dma_start3A_47 : memref<128xi32, #tpu.memory_space<vmem>>) semaphore(%arg15 : memref<!tpu.dma_semaphore, #tpu.memory_space<semaphore_mem>>)
    %dma_wait3A_51 = arith.constant 0 : i32
    %dma_wait3A_52 = arith.constant 0 : i32
    %dma_wait3A_53 = arith.constant 0 : i32
    %dma_wait3A_54 = arith.constant 0 : i32
    %dma_wait3A_55 = tpu.memref_slice %arg13[%dma_wait3A_52, %dma_wait3A_53, %dma_wait3A_54] : memref<4x128x128xf32, #tpu.memory_space<vmem>> -> memref<1x128x128xf32, #tpu.memory_space<vmem>>
    %dma_wait3A_56 = tpu.memref_squeeze %dma_wait3A_55 : memref<1x128x128xf32, #tpu.memory_space<vmem>> -> memref<128x128xf32, #tpu.memory_space<vmem>>
    %dma_wait3A_57 = arith.constant 0 : i32
    %dma_wait3A_58 = tpu.memref_slice %arg12[%dma_wait3A_51, %dma_wait3A_57] : memref<8x128xi32, #tpu.memory_space<vmem>> -> memref<1x128xi32, #tpu.memory_space<vmem>>
    %dma_wait3A_59 = tpu.memref_squeeze %dma_wait3A_58 : memref<1x128xi32, #tpu.memory_space<vmem>> -> memref<128xi32, #tpu.memory_space<vmem>>
    %dma_wait3A_60 = arith.constant 0 : i32
    %dma_wait3A_61 = arith.constant 0 : i32
    %dma_wait3A_62 = tpu.memref_slice %arg10[%dma_wait3A_60, %dma_wait3A_61] : memref<200x128xf32, #tpu.memory_space<vmem_shared>> -> memref<200x128xf32, #tpu.memory_space<vmem_shared>>
    tpu.wait_indirect_dma semaphore(%arg15 : memref<!tpu.dma_semaphore, #tpu.memory_space<semaphore_mem>>) src(%dma_wait3A_62 : memref<200x128xf32, #tpu.memory_space<vmem_shared>>) dst(%dma_wait3A_56 : memref<128x128xf32, #tpu.memory_space<vmem>>)
    %mul3A_63 = arith.constant 1024 : i32
    %mul3A_64 = arith.muli %add3A, %mul3A_63 : i32
    %add3A_65 = arith.constant 0 : i32
    %add3A_66 = arith.addi %mul3A_64, %add3A_65 : i32
    %dma_start3A_67 = arith.constant 0 : i32
    %dma_start3A_68 = arith.constant 0 : i32
    %dma_start3A_69 = arith.constant 0 : i32
    %dma_start3A_70 = tpu.memref_slice %arg13[%dma_start3A_67, %dma_start3A_68, %dma_start3A_69] : memref<4x128x128xf32, #tpu.memory_space<vmem>> -> memref<1x128x128xf32, #tpu.memory_space<vmem>>
    %dma_start3A_71 = tpu.memref_squeeze %dma_start3A_70 : memref<1x128x128xf32, #tpu.memory_space<vmem>> -> memref<128x128xf32, #tpu.memory_space<vmem>>
    %dma_start3A_72 = arith.constant 0 : i32
    %dma_start3A_73 = tpu.memref_slice %arg7[%add3A_66, %dma_start3A_72] : memref<32768x128xf32, #tpu.memory_space<hbm>> -> memref<128x128xf32, #tpu.memory_space<hbm>>
    %dma_start3A_74 = arith.constant 0 : i32
    %dma_start3A_75 = tpu.memref_slice %arg7[%add3A_66, %dma_start3A_74] : memref<32768x128xf32, #tpu.memory_space<hbm>> -> memref<128x128xf32, #tpu.memory_space<hbm>>
    %dma_start3A_76 = arith.constant 0 : i32
    %dma_start3A_77 = arith.constant 0 : i32
    %dma_start3A_78 = tpu.memref_slice %arg13[%dma_start3A_67, %dma_start3A_76, %dma_start3A_77] : memref<4x128x128xf32, #tpu.memory_space<vmem>> -> memref<1x128x128xf32, #tpu.memory_space<vmem>>
    %dma_start3A_79 = tpu.memref_squeeze %dma_start3A_78 : memref<1x128x128xf32, #tpu.memory_space<vmem>> -> memref<128x128xf32, #tpu.memory_space<vmem>>
    tpu.enqueue_dma source(%dma_start3A_79 : memref<128x128xf32, #tpu.memory_space<vmem>>) target(%dma_start3A_75 : memref<128x128xf32, #tpu.memory_space<hbm>>) target_semaphore(%arg16 : memref<!tpu.dma_semaphore, #tpu.memory_space<semaphore_mem>>)
    %scan3A_80 = arith.constant 0 : i32
    %scan3A_81 = arith.constant 4 : i32
    %scan3A_82 = arith.addi %scan3A_80, %scan3A_81 : i32
    %scan3A_83 = arith.constant 1 : i32
    scf.for %scan3A_489 = %scan3A_80 to %scan3A_82 step %scan3A_83  : i32 {
      %add3A_490 = arith.constant 8 : i32
      %add3A_491 = arith.addi %add3A_490, %scan3A_489 : i32
      %mul3A_492 = arith.constant 16 : i32
      %mul3A_493 = arith.muli %mul3A_492, %add3A_491 : i32
      %add3A_494 = vector.broadcast %mul3A_493 : i32 to vector<16xi32>
      %add3A_495 = arith.addi %add3A_494, %iota3A : vector<16xi32>
      %mul3A_496 = arith.constant 16 : i32
      %mul3A_497 = arith.muli %mul3A_496, %add3A_491 : i32
      %get3A = arith.index_cast %mul3A_497 : i32 to index
      %get3A_498 = tpu.vector_load %arg8[%get3A] {strides = array<i32>} : memref<512xf32, #tpu.memory_space<vmem>>, vector<16xf32>,
      %mul3A_499 = arith.constant 16 : i32
      %mul3A_500 = arith.muli %mul3A_499, %add3A_491 : i32
      %get3A_501 = arith.index_cast %mul3A_500 : i32 to index
      %get3A_502 = tpu.vector_load %arg9[%get3A_501] {strides = array<i32>} : memref<512xf32, #tpu.memory_space<vmem>>, vector<16xf32>,
      %sub3A = arith.constant -1.047400e+01 : f32
      %sub3A_503 = vector.broadcast %sub3A : f32 to vector<16xf32>
      %sub3A_504 = arith.subf %get3A_502, %sub3A_503 : vector<16xf32>
      %mul3A_505 = arith.constant 2.33000469 : f32
      %mul3A_506 = vector.broadcast %mul3A_505 : f32 to vector<16xf32>
      %mul3A_507 = arith.mulf %sub3A_504, %mul3A_506 : vector<16xf32>
      %max3A = arith.constant -1.000000e+00 : f32
      %max3A_508 = vector.broadcast %max3A : f32 to vector<16xf32>
      %max3A_509 = arith.maximumf %mul3A_507, %max3A_508 : vector<16xf32>
      %min3A = arith.constant 1.000000e+02 : f32
      %min3A_510 = vector.broadcast %min3A : f32 to vector<16xf32>
      %min3A_511 = arith.minimumf %max3A_509, %min3A_510 : vector<16xf32>
      %convert_element_type3A_512 = arith.fptosi %min3A_511 : vector<16xf32> to vector<16xi32>
      %add3A_513 = arith.constant 1 : i32
      %add3A_514 = vector.broadcast %add3A_513 : i32 to vector<16xi32>
      %add3A_515 = arith.addi %convert_element_type3A_512, %add3A_514 : vector<16xi32>
      %max3A_516 = arith.constant 0 : i32
      %max3A_517 = vector.broadcast %max3A_516 : i32 to vector<16xi32>
      %max3A_518 = arith.maxsi %add3A_515, %max3A_517 : vector<16xi32>
      %min3A_519 = arith.constant 99 : i32
      %min3A_520 = vector.broadcast %min3A_519 : i32 to vector<16xi32>
      %min3A_521 = arith.minsi %max3A_518, %min3A_520 : vector<16xi32>
      %add3A_522 = arith.constant 0 : i32
      %add3A_523 = vector.broadcast %add3A_522 : i32 to vector<16xi32>
      %add3A_524 = arith.addi %min3A_521, %add3A_523 : vector<16xi32>
      %gather3A = tpu.vector_load_idx %arg11[%add3A_524] : memref<256xf32, #tpu.memory_space<vmem>>[vector<16xi32>], vector<16xf32>,
      %add3A_525 = arith.constant 0 : i32
      %add3A_526 = vector.broadcast %add3A_525 : i32 to vector<16xi32>
      %add3A_527 = arith.addi %min3A_521, %add3A_526 : vector<16xi32>
      %add3A_528 = arith.constant 1 : i32
      %add3A_529 = vector.broadcast %add3A_528 : i32 to vector<16xi32>
      %add3A_530 = arith.addi %add3A_527, %add3A_529 : vector<16xi32>
      %gather3A_531 = tpu.vector_load_idx %arg11[%add3A_530] : memref<256xf32, #tpu.memory_space<vmem>>[vector<16xi32>], vector<16xf32>,
      %broadcast_in_dim3A = arith.constant 1 : i32
      %broadcast_in_dim3A_532 = vector.broadcast %broadcast_in_dim3A : i32 to vector<16xi32>
      %broadcast_in_dim3A_533 = arith.constant 0 : i32
      %broadcast_in_dim3A_534 = vector.broadcast %broadcast_in_dim3A_533 : i32 to vector<16xi32>
      %sub3A_535 = arith.constant 1 : i32
      %sub3A_536 = vector.broadcast %sub3A_535 : i32 to vector<16xi32>
      %sub3A_537 = arith.subi %min3A_521, %sub3A_536 : vector<16xi32>
      %ge3A = arith.cmpf oge, %get3A_502, %gather3A : vector<16xf32>
      %select_n3A = arith.select %ge3A, %broadcast_in_dim3A_532, %broadcast_in_dim3A_534 : vector<16xi1>, vector<16xi32>
      %add3A_538 = arith.addi %sub3A_537, %select_n3A : vector<16xi32>
      %ge3A_539 = arith.cmpf oge, %get3A_502, %gather3A_531 : vector<16xf32>
      %select_n3A_540 = arith.select %ge3A_539, %broadcast_in_dim3A_532, %broadcast_in_dim3A_534 : vector<16xi1>, vector<16xi32>
      %add3A_541 = arith.addi %add3A_538, %select_n3A_540 : vector<16xi32>
      %max3A_542 = arith.constant 0 : i32
      %max3A_543 = vector.broadcast %max3A_542 : i32 to vector<16xi32>
      %max3A_544 = arith.maxsi %add3A_541, %max3A_543 : vector<16xi32>
      %min3A_545 = arith.constant 99 : i32
      %min3A_546 = vector.broadcast %min3A_545 : i32 to vector<16xi32>
      %min3A_547 = arith.minsi %max3A_544, %min3A_546 : vector<16xi32>
      %sub3A_548 = arith.constant 3.683800e+01 : f32
      %sub3A_549 = vector.broadcast %sub3A_548 : f32 to vector<16xf32>
      %sub3A_550 = arith.subf %get3A_498, %sub3A_549 : vector<16xf32>
      %mul3A_551 = arith.constant 2.94701385 : f32
      %mul3A_552 = vector.broadcast %mul3A_551 : f32 to vector<16xf32>
      %mul3A_553 = arith.mulf %sub3A_550, %mul3A_552 : vector<16xf32>
      %max3A_554 = arith.constant -1.000000e+00 : f32
      %max3A_555 = vector.broadcast %max3A_554 : f32 to vector<16xf32>
      %max3A_556 = arith.maximumf %mul3A_553, %max3A_555 : vector<16xf32>
      %min3A_557 = arith.constant 1.000000e+02 : f32
      %min3A_558 = vector.broadcast %min3A_557 : f32 to vector<16xf32>
      %min3A_559 = arith.minimumf %max3A_556, %min3A_558 : vector<16xf32>
      %convert_element_type3A_560 = arith.fptosi %min3A_559 : vector<16xf32> to vector<16xi32>
      %add3A_561 = arith.constant 1 : i32
      %add3A_562 = vector.broadcast %add3A_561 : i32 to vector<16xi32>
      %add3A_563 = arith.addi %convert_element_type3A_560, %add3A_562 : vector<16xi32>
      %max3A_564 = arith.constant 0 : i32
      %max3A_565 = vector.broadcast %max3A_564 : i32 to vector<16xi32>
      %max3A_566 = arith.maxsi %add3A_563, %max3A_565 : vector<16xi32>
      %min3A_567 = arith.constant 99 : i32
      %min3A_568 = vector.broadcast %min3A_567 : i32 to vector<16xi32>
      %min3A_569 = arith.minsi %max3A_566, %min3A_568 : vector<16xi32>
      %add3A_570 = arith.constant 128 : i32
      %add3A_571 = vector.broadcast %add3A_570 : i32 to vector<16xi32>
      %add3A_572 = arith.addi %min3A_569, %add3A_571 : vector<16xi32>
      %gather3A_573 = tpu.vector_load_idx %arg11[%add3A_572] : memref<256xf32, #tpu.memory_space<vmem>>[vector<16xi32>], vector<16xf32>,
      %add3A_574 = arith.constant 128 : i32
      %add3A_575 = vector.broadcast %add3A_574 : i32 to vector<16xi32>
      %add3A_576 = arith.addi %min3A_569, %add3A_575 : vector<16xi32>
      %add3A_577 = arith.constant 1 : i32
      %add3A_578 = vector.broadcast %add3A_577 : i32 to vector<16xi32>
      %add3A_579 = arith.addi %add3A_576, %add3A_578 : vector<16xi32>
      %gather3A_580 = tpu.vector_load_idx %arg11[%add3A_579] : memref<256xf32, #tpu.memory_space<vmem>>[vector<16xi32>], vector<16xf32>,
      %broadcast_in_dim3A_581 = arith.constant 1 : i32
      %broadcast_in_dim3A_582 = vector.broadcast %broadcast_in_dim3A_581 : i32 to vector<16xi32>
      %broadcast_in_dim3A_583 = arith.constant 0 : i32
      %broadcast_in_dim3A_584 = vector.broadcast %broadcast_in_dim3A_583 : i32 to vector<16xi32>
      %sub3A_585 = arith.constant 1 : i32
      %sub3A_586 = vector.broadcast %sub3A_585 : i32 to vector<16xi32>
      %sub3A_587 = arith.subi %min3A_569, %sub3A_586 : vector<16xi32>
      %ge3A_588 = arith.cmpf oge, %get3A_498, %gather3A_573 : vector<16xf32>
      %select_n3A_589 = arith.select %ge3A_588, %broadcast_in_dim3A_582, %broadcast_in_dim3A_584 : vector<16xi1>, vector<16xi32>
      %add3A_590 = arith.addi %sub3A_587, %select_n3A_589 : vector<16xi32>
      %ge3A_591 = arith.cmpf oge, %get3A_498, %gather3A_580 : vector<16xf32>
      %select_n3A_592 = arith.select %ge3A_591, %broadcast_in_dim3A_582, %broadcast_in_dim3A_584 : vector<16xi1>, vector<16xi32>
      %add3A_593 = arith.addi %add3A_590, %select_n3A_592 : vector<16xi32>
      %max3A_594 = arith.constant 0 : i32
      %max3A_595 = vector.broadcast %max3A_594 : i32 to vector<16xi32>
      %max3A_596 = arith.maxsi %add3A_593, %max3A_595 : vector<16xi32>
      %min3A_597 = arith.constant 99 : i32
      %min3A_598 = vector.broadcast %min3A_597 : i32 to vector<16xi32>
      %min3A_599 = arith.minsi %max3A_596, %min3A_598 : vector<16xi32>
      %shift_right_arithmetic3A = arith.constant 3 : i32
      %shift_right_arithmetic3A_600 = vector.broadcast %shift_right_arithmetic3A : i32 to vector<16xi32>
      %shift_right_arithmetic3A_601 = arith.shrsi %add3A_495, %shift_right_arithmetic3A_600 : vector<16xi32>
      %shift_left3A = arith.constant 4 : i32
      %shift_left3A_602 = vector.broadcast %shift_left3A : i32 to vector<16xi32>
      %shift_left3A_603 = arith.shli %shift_right_arithmetic3A_601, %shift_left3A_602 : vector<16xi32>
      %and3A = arith.constant 7 : i32
      %and3A_604 = vector.broadcast %and3A : i32 to vector<16xi32>
      %and3A_605 = arith.andi %add3A_495, %and3A_604 : vector<16xi32>
      %add3A_606 = arith.addi %shift_left3A_603, %and3A_605 : vector<16xi32>
      %shift_right_arithmetic3A_607 = arith.constant 7 : i32
      %shift_right_arithmetic3A_608 = vector.broadcast %shift_right_arithmetic3A_607 : i32 to vector<16xi32>
      %shift_right_arithmetic3A_609 = arith.shrsi %add3A_606, %shift_right_arithmetic3A_608 : vector<16xi32>
      %and3A_610 = arith.constant 127 : i32
      %and3A_611 = vector.broadcast %and3A_610 : i32 to vector<16xi32>
      %and3A_612 = arith.andi %add3A_606, %and3A_611 : vector<16xi32>
      tpu.vector_store_idx %arg12[%shift_right_arithmetic3A_609, %and3A_612], %min3A_547 : memref<8x128xi32, #tpu.memory_space<vmem>>[vector<16xi32>, vector<16xi32>], vector<16xi32>,
      %add3A_613 = arith.constant 8 : i32
      %add3A_614 = vector.broadcast %add3A_613 : i32 to vector<16xi32>
      %add3A_615 = arith.addi %add3A_606, %add3A_614 : vector<16xi32>
      %shift_right_arithmetic3A_616 = arith.constant 7 : i32
      %shift_right_arithmetic3A_617 = vector.broadcast %shift_right_arithmetic3A_616 : i32 to vector<16xi32>
      %shift_right_arithmetic3A_618 = arith.shrsi %add3A_615, %shift_right_arithmetic3A_617 : vector<16xi32>
      %add3A_619 = arith.constant 8 : i32
      %add3A_620 = vector.broadcast %add3A_619 : i32 to vector<16xi32>
      %add3A_621 = arith.addi %add3A_606, %add3A_620 : vector<16xi32>
      %and3A_622 = arith.constant 127 : i32
      %and3A_623 = vector.broadcast %and3A_622 : i32 to vector<16xi32>
      %and3A_624 = arith.andi %add3A_621, %and3A_623 : vector<16xi32>
      %add3A_625 = arith.constant 100 : i32
      %add3A_626 = vector.broadcast %add3A_625 : i32 to vector<16xi32>
      %add3A_627 = arith.addi %min3A_599, %add3A_626 : vector<16xi32>
      tpu.vector_store_idx %arg12[%shift_right_arithmetic3A_618, %and3A_624], %add3A_627 : memref<8x128xi32, #tpu.memory_space<vmem>>[vector<16xi32>, vector<16xi32>], vector<16xi32>,
    }
    %scan3A_84 = arith.constant 4 : i32
    %dma_start3A_85 = arith.constant 2 : i32
    %dma_start3A_86 = arith.constant 2 : i32
    %dma_start3A_87 = arith.constant 0 : i32
    %dma_start3A_88 = arith.constant 0 : i32
    %dma_start3A_89 = tpu.memref_slice %arg13[%dma_start3A_86, %dma_start3A_87, %dma_start3A_88] : memref<4x128x128xf32, #tpu.memory_space<vmem>> -> memref<1x128x128xf32, #tpu.memory_space<vmem>>
    %dma_start3A_90 = tpu.memref_squeeze %dma_start3A_89 : memref<1x128x128xf32, #tpu.memory_space<vmem>> -> memref<128x128xf32, #tpu.memory_space<vmem>>
    %dma_start3A_91 = arith.constant 0 : i32
    %dma_start3A_92 = tpu.memref_slice %arg12[%dma_start3A_85, %dma_start3A_91] : memref<8x128xi32, #tpu.memory_space<vmem>> -> memref<1x128xi32, #tpu.memory_space<vmem>>
    %dma_start3A_93 = tpu.memref_squeeze %dma_start3A_92 : memref<1x128xi32, #tpu.memory_space<vmem>> -> memref<128xi32, #tpu.memory_space<vmem>>
    %dma_start3A_94 = arith.constant 0 : i32
    %dma_start3A_95 = arith.constant 0 : i32
    %dma_start3A_96 = tpu.memref_slice %arg10[%dma_start3A_94, %dma_start3A_95] : memref<200x128xf32, #tpu.memory_space<vmem_shared>> -> memref<200x128xf32, #tpu.memory_space<vmem_shared>>
    tpu.enqueue_indirect_dma source(%dma_start3A_96 : memref<200x128xf32, #tpu.memory_space<vmem_shared>>) target(%dma_start3A_90 : memref<128x128xf32, #tpu.memory_space<vmem>>) offsets(%dma_start3A_93 : memref<128xi32, #tpu.memory_space<vmem>>) semaphore(%arg15 : memref<!tpu.dma_semaphore, #tpu.memory_space<semaphore_mem>>)
    %dma_wait3A_97 = arith.constant 1 : i32
    %dma_wait3A_98 = arith.constant 1 : i32
    %dma_wait3A_99 = arith.constant 0 : i32
    %dma_wait3A_100 = arith.constant 0 : i32
    %dma_wait3A_101 = tpu.memref_slice %arg13[%dma_wait3A_98, %dma_wait3A_99, %dma_wait3A_100] : memref<4x128x128xf32, #tpu.memory_space<vmem>> -> memref<1x128x128xf32, #tpu.memory_space<vmem>>
    %dma_wait3A_102 = tpu.memref_squeeze %dma_wait3A_101 : memref<1x128x128xf32, #tpu.memory_space<vmem>> -> memref<128x128xf32, #tpu.memory_space<vmem>>
    %dma_wait3A_103 = arith.constant 0 : i32
    %dma_wait3A_104 = tpu.memref_slice %arg12[%dma_wait3A_97, %dma_wait3A_103] : memref<8x128xi32, #tpu.memory_space<vmem>> -> memref<1x128xi32, #tpu.memory_space<vmem>>
    %dma_wait3A_105 = tpu.memref_squeeze %dma_wait3A_104 : memref<1x128xi32, #tpu.memory_space<vmem>> -> memref<128xi32, #tpu.memory_space<vmem>>
    %dma_wait3A_106 = arith.constant 0 : i32
    %dma_wait3A_107 = arith.constant 0 : i32
    %dma_wait3A_108 = tpu.memref_slice %arg10[%dma_wait3A_106, %dma_wait3A_107] : memref<200x128xf32, #tpu.memory_space<vmem_shared>> -> memref<200x128xf32, #tpu.memory_space<vmem_shared>>
    tpu.wait_indirect_dma semaphore(%arg15 : memref<!tpu.dma_semaphore, #tpu.memory_space<semaphore_mem>>) src(%dma_wait3A_108 : memref<200x128xf32, #tpu.memory_space<vmem_shared>>) dst(%dma_wait3A_102 : memref<128x128xf32, #tpu.memory_space<vmem>>)
    %mul3A_109 = arith.constant 1024 : i32
    %mul3A_110 = arith.muli %add3A, %mul3A_109 : i32
    %add3A_111 = arith.constant 128 : i32
    %add3A_112 = arith.addi %mul3A_110, %add3A_111 : i32
    %dma_start3A_113 = arith.constant 1 : i32
    %dma_start3A_114 = arith.constant 0 : i32
    %dma_start3A_115 = arith.constant 0 : i32
    %dma_start3A_116 = tpu.memref_slice %arg13[%dma_start3A_113, %dma_start3A_114, %dma_start3A_115] : memref<4x128x128xf32, #tpu.memory_space<vmem>> -> memref<1x128x128xf32, #tpu.memory_space<vmem>>
    %dma_start3A_117 = tpu.memref_squeeze %dma_start3A_116 : memref<1x128x128xf32, #tpu.memory_space<vmem>> -> memref<128x128xf32, #tpu.memory_space<vmem>>
    %dma_start3A_118 = arith.constant 0 : i32
    %dma_start3A_119 = tpu.memref_slice %arg7[%add3A_112, %dma_start3A_118] : memref<32768x128xf32, #tpu.memory_space<hbm>> -> memref<128x128xf32, #tpu.memory_space<hbm>>
    %dma_start3A_120 = arith.constant 0 : i32
    %dma_start3A_121 = tpu.memref_slice %arg7[%add3A_112, %dma_start3A_120] : memref<32768x128xf32, #tpu.memory_space<hbm>> -> memref<128x128xf32, #tpu.memory_space<hbm>>
    %dma_start3A_122 = arith.constant 0 : i32
    %dma_start3A_123 = arith.constant 0 : i32
    %dma_start3A_124 = tpu.memref_slice %arg13[%dma_start3A_113, %dma_start3A_122, %dma_start3A_123] : memref<4x128x128xf32, #tpu.memory_space<vmem>> -> memref<1x128x128xf32, #tpu.memory_space<vmem>>
    %dma_start3A_125 = tpu.memref_squeeze %dma_start3A_124 : memref<1x128x128xf32, #tpu.memory_space<vmem>> -> memref<128x128xf32, #tpu.memory_space<vmem>>
    tpu.enqueue_dma source(%dma_start3A_125 : memref<128x128xf32, #tpu.memory_space<vmem>>) target(%dma_start3A_121 : memref<128x128xf32, #tpu.memory_space<hbm>>) target_semaphore(%arg16 : memref<!tpu.dma_semaphore, #tpu.memory_space<semaphore_mem>>)
    %scan3A_126 = arith.constant 0 : i32
    %scan3A_127 = arith.constant 4 : i32
    %scan3A_128 = arith.addi %scan3A_126, %scan3A_127 : i32
    %scan3A_129 = arith.constant 1 : i32
    scf.for %scan3A_489 = %scan3A_126 to %scan3A_128 step %scan3A_129  : i32 {
      %add3A_490 = arith.constant 12 : i32
      %add3A_491 = arith.addi %add3A_490, %scan3A_489 : i32
      %mul3A_492 = arith.constant 16 : i32
      %mul3A_493 = arith.muli %mul3A_492, %add3A_491 : i32
      %add3A_494 = vector.broadcast %mul3A_493 : i32 to vector<16xi32>
      %add3A_495 = arith.addi %add3A_494, %iota3A : vector<16xi32>
      %mul3A_496 = arith.constant 16 : i32
      %mul3A_497 = arith.muli %mul3A_496, %add3A_491 : i32
      %get3A = arith.index_cast %mul3A_497 : i32 to index
      %get3A_498 = tpu.vector_load %arg8[%get3A] {strides = array<i32>} : memref<512xf32, #tpu.memory_space<vmem>>, vector<16xf32>,
      %mul3A_499 = arith.constant 16 : i32
      %mul3A_500 = arith.muli %mul3A_499, %add3A_491 : i32
      %get3A_501 = arith.index_cast %mul3A_500 : i32 to index
      %get3A_502 = tpu.vector_load %arg9[%get3A_501] {strides = array<i32>} : memref<512xf32, #tpu.memory_space<vmem>>, vector<16xf32>,
      %sub3A = arith.constant -1.047400e+01 : f32
      %sub3A_503 = vector.broadcast %sub3A : f32 to vector<16xf32>
      %sub3A_504 = arith.subf %get3A_502, %sub3A_503 : vector<16xf32>
      %mul3A_505 = arith.constant 2.33000469 : f32
      %mul3A_506 = vector.broadcast %mul3A_505 : f32 to vector<16xf32>
      %mul3A_507 = arith.mulf %sub3A_504, %mul3A_506 : vector<16xf32>
      %max3A = arith.constant -1.000000e+00 : f32
      %max3A_508 = vector.broadcast %max3A : f32 to vector<16xf32>
      %max3A_509 = arith.maximumf %mul3A_507, %max3A_508 : vector<16xf32>
      %min3A = arith.constant 1.000000e+02 : f32
      %min3A_510 = vector.broadcast %min3A : f32 to vector<16xf32>
      %min3A_511 = arith.minimumf %max3A_509, %min3A_510 : vector<16xf32>
      %convert_element_type3A_512 = arith.fptosi %min3A_511 : vector<16xf32> to vector<16xi32>
      %add3A_513 = arith.constant 1 : i32
      %add3A_514 = vector.broadcast %add3A_513 : i32 to vector<16xi32>
      %add3A_515 = arith.addi %convert_element_type3A_512, %add3A_514 : vector<16xi32>
      %max3A_516 = arith.constant 0 : i32
      %max3A_517 = vector.broadcast %max3A_516 : i32 to vector<16xi32>
      %max3A_518 = arith.maxsi %add3A_515, %max3A_517 : vector<16xi32>
      %min3A_519 = arith.constant 99 : i32
      %min3A_520 = vector.broadcast %min3A_519 : i32 to vector<16xi32>
      %min3A_521 = arith.minsi %max3A_518, %min3A_520 : vector<16xi32>
      %add3A_522 = arith.constant 0 : i32
      %add3A_523 = vector.broadcast %add3A_522 : i32 to vector<16xi32>
      %add3A_524 = arith.addi %min3A_521, %add3A_523 : vector<16xi32>
      %gather3A = tpu.vector_load_idx %arg11[%add3A_524] : memref<256xf32, #tpu.memory_space<vmem>>[vector<16xi32>], vector<16xf32>,
      %add3A_525 = arith.constant 0 : i32
      %add3A_526 = vector.broadcast %add3A_525 : i32 to vector<16xi32>
      %add3A_527 = arith.addi %min3A_521, %add3A_526 : vector<16xi32>
      %add3A_528 = arith.constant 1 : i32
      %add3A_529 = vector.broadcast %add3A_528 : i32 to vector<16xi32>
      %add3A_530 = arith.addi %add3A_527, %add3A_529 : vector<16xi32>
      %gather3A_531 = tpu.vector_load_idx %arg11[%add3A_530] : memref<256xf32, #tpu.memory_space<vmem>>[vector<16xi32>], vector<16xf32>,
      %broadcast_in_dim3A = arith.constant 1 : i32
      %broadcast_in_dim3A_532 = vector.broadcast %broadcast_in_dim3A : i32 to vector<16xi32>
      %broadcast_in_dim3A_533 = arith.constant 0 : i32
      %broadcast_in_dim3A_534 = vector.broadcast %broadcast_in_dim3A_533 : i32 to vector<16xi32>
      %sub3A_535 = arith.constant 1 : i32
      %sub3A_536 = vector.broadcast %sub3A_535 : i32 to vector<16xi32>
      %sub3A_537 = arith.subi %min3A_521, %sub3A_536 : vector<16xi32>
      %ge3A = arith.cmpf oge, %get3A_502, %gather3A : vector<16xf32>
      %select_n3A = arith.select %ge3A, %broadcast_in_dim3A_532, %broadcast_in_dim3A_534 : vector<16xi1>, vector<16xi32>
      %add3A_538 = arith.addi %sub3A_537, %select_n3A : vector<16xi32>
      %ge3A_539 = arith.cmpf oge, %get3A_502, %gather3A_531 : vector<16xf32>
      %select_n3A_540 = arith.select %ge3A_539, %broadcast_in_dim3A_532, %broadcast_in_dim3A_534 : vector<16xi1>, vector<16xi32>
      %add3A_541 = arith.addi %add3A_538, %select_n3A_540 : vector<16xi32>
      %max3A_542 = arith.constant 0 : i32
      %max3A_543 = vector.broadcast %max3A_542 : i32 to vector<16xi32>
      %max3A_544 = arith.maxsi %add3A_541, %max3A_543 : vector<16xi32>
      %min3A_545 = arith.constant 99 : i32
      %min3A_546 = vector.broadcast %min3A_545 : i32 to vector<16xi32>
      %min3A_547 = arith.minsi %max3A_544, %min3A_546 : vector<16xi32>
      %sub3A_548 = arith.constant 3.683800e+01 : f32
      %sub3A_549 = vector.broadcast %sub3A_548 : f32 to vector<16xf32>
      %sub3A_550 = arith.subf %get3A_498, %sub3A_549 : vector<16xf32>
      %mul3A_551 = arith.constant 2.94701385 : f32
      %mul3A_552 = vector.broadcast %mul3A_551 : f32 to vector<16xf32>
      %mul3A_553 = arith.mulf %sub3A_550, %mul3A_552 : vector<16xf32>
      %max3A_554 = arith.constant -1.000000e+00 : f32
      %max3A_555 = vector.broadcast %max3A_554 : f32 to vector<16xf32>
      %max3A_556 = arith.maximumf %mul3A_553, %max3A_555 : vector<16xf32>
      %min3A_557 = arith.constant 1.000000e+02 : f32
      %min3A_558 = vector.broadcast %min3A_557 : f32 to vector<16xf32>
      %min3A_559 = arith.minimumf %max3A_556, %min3A_558 : vector<16xf32>
      %convert_element_type3A_560 = arith.fptosi %min3A_559 : vector<16xf32> to vector<16xi32>
      %add3A_561 = arith.constant 1 : i32
      %add3A_562 = vector.broadcast %add3A_561 : i32 to vector<16xi32>
      %add3A_563 = arith.addi %convert_element_type3A_560, %add3A_562 : vector<16xi32>
      %max3A_564 = arith.constant 0 : i32
      %max3A_565 = vector.broadcast %max3A_564 : i32 to vector<16xi32>
      %max3A_566 = arith.maxsi %add3A_563, %max3A_565 : vector<16xi32>
      %min3A_567 = arith.constant 99 : i32
      %min3A_568 = vector.broadcast %min3A_567 : i32 to vector<16xi32>
      %min3A_569 = arith.minsi %max3A_566, %min3A_568 : vector<16xi32>
      %add3A_570 = arith.constant 128 : i32
      %add3A_571 = vector.broadcast %add3A_570 : i32 to vector<16xi32>
      %add3A_572 = arith.addi %min3A_569, %add3A_571 : vector<16xi32>
      %gather3A_573 = tpu.vector_load_idx %arg11[%add3A_572] : memref<256xf32, #tpu.memory_space<vmem>>[vector<16xi32>], vector<16xf32>,
      %add3A_574 = arith.constant 128 : i32
      %add3A_575 = vector.broadcast %add3A_574 : i32 to vector<16xi32>
      %add3A_576 = arith.addi %min3A_569, %add3A_575 : vector<16xi32>
      %add3A_577 = arith.constant 1 : i32
      %add3A_578 = vector.broadcast %add3A_577 : i32 to vector<16xi32>
      %add3A_579 = arith.addi %add3A_576, %add3A_578 : vector<16xi32>
      %gather3A_580 = tpu.vector_load_idx %arg11[%add3A_579] : memref<256xf32, #tpu.memory_space<vmem>>[vector<16xi32>], vector<16xf32>,
      %broadcast_in_dim3A_581 = arith.constant 1 : i32
      %broadcast_in_dim3A_582 = vector.broadcast %broadcast_in_dim3A_581 : i32 to vector<16xi32>
      %broadcast_in_dim3A_583 = arith.constant 0 : i32
      %broadcast_in_dim3A_584 = vector.broadcast %broadcast_in_dim3A_583 : i32 to vector<16xi32>
      %sub3A_585 = arith.constant 1 : i32
      %sub3A_586 = vector.broadcast %sub3A_585 : i32 to vector<16xi32>
      %sub3A_587 = arith.subi %min3A_569, %sub3A_586 : vector<16xi32>
      %ge3A_588 = arith.cmpf oge, %get3A_498, %gather3A_573 : vector<16xf32>
      %select_n3A_589 = arith.select %ge3A_588, %broadcast_in_dim3A_582, %broadcast_in_dim3A_584 : vector<16xi1>, vector<16xi32>
      %add3A_590 = arith.addi %sub3A_587, %select_n3A_589 : vector<16xi32>
      %ge3A_591 = arith.cmpf oge, %get3A_498, %gather3A_580 : vector<16xf32>
      %select_n3A_592 = arith.select %ge3A_591, %broadcast_in_dim3A_582, %broadcast_in_dim3A_584 : vector<16xi1>, vector<16xi32>
      %add3A_593 = arith.addi %add3A_590, %select_n3A_592 : vector<16xi32>
      %max3A_594 = arith.constant 0 : i32
      %max3A_595 = vector.broadcast %max3A_594 : i32 to vector<16xi32>
      %max3A_596 = arith.maxsi %add3A_593, %max3A_595 : vector<16xi32>
      %min3A_597 = arith.constant 99 : i32
      %min3A_598 = vector.broadcast %min3A_597 : i32 to vector<16xi32>
      %min3A_599 = arith.minsi %max3A_596, %min3A_598 : vector<16xi32>
      %shift_right_arithmetic3A = arith.constant 3 : i32
      %shift_right_arithmetic3A_600 = vector.broadcast %shift_right_arithmetic3A : i32 to vector<16xi32>
      %shift_right_arithmetic3A_601 = arith.shrsi %add3A_495, %shift_right_arithmetic3A_600 : vector<16xi32>
      %shift_left3A = arith.constant 4 : i32
      %shift_left3A_602 = vector.broadcast %shift_left3A : i32 to vector<16xi32>
      %shift_left3A_603 = arith.shli %shift_right_arithmetic3A_601, %shift_left3A_602 : vector<16xi32>
      %and3A = arith.constant 7 : i32
      %and3A_604 = vector.broadcast %and3A : i32 to vector<16xi32>
      %and3A_605 = arith.andi %add3A_495, %and3A_604 : vector<16xi32>
      %add3A_606 = arith.addi %shift_left3A_603, %and3A_605 : vector<16xi32>
      %shift_right_arithmetic3A_607 = arith.constant 7 : i32
      %shift_right_arithmetic3A_608 = vector.broadcast %shift_right_arithmetic3A_607 : i32 to vector<16xi32>
      %shift_right_arithmetic3A_609 = arith.shrsi %add3A_606, %shift_right_arithmetic3A_608 : vector<16xi32>
      %and3A_610 = arith.constant 127 : i32
      %and3A_611 = vector.broadcast %and3A_610 : i32 to vector<16xi32>
      %and3A_612 = arith.andi %add3A_606, %and3A_611 : vector<16xi32>
      tpu.vector_store_idx %arg12[%shift_right_arithmetic3A_609, %and3A_612], %min3A_547 : memref<8x128xi32, #tpu.memory_space<vmem>>[vector<16xi32>, vector<16xi32>], vector<16xi32>,
      %add3A_613 = arith.constant 8 : i32
      %add3A_614 = vector.broadcast %add3A_613 : i32 to vector<16xi32>
      %add3A_615 = arith.addi %add3A_606, %add3A_614 : vector<16xi32>
      %shift_right_arithmetic3A_616 = arith.constant 7 : i32
      %shift_right_arithmetic3A_617 = vector.broadcast %shift_right_arithmetic3A_616 : i32 to vector<16xi32>
      %shift_right_arithmetic3A_618 = arith.shrsi %add3A_615, %shift_right_arithmetic3A_617 : vector<16xi32>
      %add3A_619 = arith.constant 8 : i32
      %add3A_620 = vector.broadcast %add3A_619 : i32 to vector<16xi32>
      %add3A_621 = arith.addi %add3A_606, %add3A_620 : vector<16xi32>
      %and3A_622 = arith.constant 127 : i32
      %and3A_623 = vector.broadcast %and3A_622 : i32 to vector<16xi32>
      %and3A_624 = arith.andi %add3A_621, %and3A_623 : vector<16xi32>
      %add3A_625 = arith.constant 100 : i32
      %add3A_626 = vector.broadcast %add3A_625 : i32 to vector<16xi32>
      %add3A_627 = arith.addi %min3A_599, %add3A_626 : vector<16xi32>
      tpu.vector_store_idx %arg12[%shift_right_arithmetic3A_618, %and3A_624], %add3A_627 : memref<8x128xi32, #tpu.memory_space<vmem>>[vector<16xi32>, vector<16xi32>], vector<16xi32>,
    }
    %scan3A_130 = arith.constant 4 : i32
    %dma_start3A_131 = arith.constant 3 : i32
    %dma_start3A_132 = arith.constant 3 : i32
    %dma_start3A_133 = arith.constant 0 : i32
    %dma_start3A_134 = arith.constant 0 : i32
    %dma_start3A_135 = tpu.memref_slice %arg13[%dma_start3A_132, %dma_start3A_133, %dma_start3A_134] : memref<4x128x128xf32, #tpu.memory_space<vmem>> -> memref<1x128x128xf32, #tpu.memory_space<vmem>>
    %dma_start3A_136 = tpu.memref_squeeze %dma_start3A_135 : memref<1x128x128xf32, #tpu.memory_space<vmem>> -> memref<128x128xf32, #tpu.memory_space<vmem>>
    %dma_start3A_137 = arith.constant 0 : i32
    %dma_start3A_138 = tpu.memref_slice %arg12[%dma_start3A_131, %dma_start3A_137] : memref<8x128xi32, #tpu.memory_space<vmem>> -> memref<1x128xi32, #tpu.memory_space<vmem>>
    %dma_start3A_139 = tpu.memref_squeeze %dma_start3A_138 : memref<1x128xi32, #tpu.memory_space<vmem>> -> memref<128xi32, #tpu.memory_space<vmem>>
    %dma_start3A_140 = arith.constant 0 : i32
    %dma_start3A_141 = arith.constant 0 : i32
    %dma_start3A_142 = tpu.memref_slice %arg10[%dma_start3A_140, %dma_start3A_141] : memref<200x128xf32, #tpu.memory_space<vmem_shared>> -> memref<200x128xf32, #tpu.memory_space<vmem_shared>>
    tpu.enqueue_indirect_dma source(%dma_start3A_142 : memref<200x128xf32, #tpu.memory_space<vmem_shared>>) target(%dma_start3A_136 : memref<128x128xf32, #tpu.memory_space<vmem>>) offsets(%dma_start3A_139 : memref<128xi32, #tpu.memory_space<vmem>>) semaphore(%arg15 : memref<!tpu.dma_semaphore, #tpu.memory_space<semaphore_mem>>)
    %dma_wait3A_143 = arith.constant 2 : i32
    %dma_wait3A_144 = arith.constant 2 : i32
    %dma_wait3A_145 = arith.constant 0 : i32
    %dma_wait3A_146 = arith.constant 0 : i32
    %dma_wait3A_147 = tpu.memref_slice %arg13[%dma_wait3A_144, %dma_wait3A_145, %dma_wait3A_146] : memref<4x128x128xf32, #tpu.memory_space<vmem>> -> memref<1x128x128xf32, #tpu.memory_space<vmem>>
    %dma_wait3A_148 = tpu.memref_squeeze %dma_wait3A_147 : memref<1x128x128xf32, #tpu.memory_space<vmem>> -> memref<128x128xf32, #tpu.memory_space<vmem>>
    %dma_wait3A_149 = arith.constant 0 : i32
    %dma_wait3A_150 = tpu.memref_slice %arg12[%dma_wait3A_143, %dma_wait3A_149] : memref<8x128xi32, #tpu.memory_space<vmem>> -> memref<1x128xi32, #tpu.memory_space<vmem>>
    %dma_wait3A_151 = tpu.memref_squeeze %dma_wait3A_150 : memref<1x128xi32, #tpu.memory_space<vmem>> -> memref<128xi32, #tpu.memory_space<vmem>>
    %dma_wait3A_152 = arith.constant 0 : i32
    %dma_wait3A_153 = arith.constant 0 : i32
    %dma_wait3A_154 = tpu.memref_slice %arg10[%dma_wait3A_152, %dma_wait3A_153] : memref<200x128xf32, #tpu.memory_space<vmem_shared>> -> memref<200x128xf32, #tpu.memory_space<vmem_shared>>
    tpu.wait_indirect_dma semaphore(%arg15 : memref<!tpu.dma_semaphore, #tpu.memory_space<semaphore_mem>>) src(%dma_wait3A_154 : memref<200x128xf32, #tpu.memory_space<vmem_shared>>) dst(%dma_wait3A_148 : memref<128x128xf32, #tpu.memory_space<vmem>>)
    %mul3A_155 = arith.constant 1024 : i32
    %mul3A_156 = arith.muli %add3A, %mul3A_155 : i32
    %add3A_157 = arith.constant 256 : i32
    %add3A_158 = arith.addi %mul3A_156, %add3A_157 : i32
    %dma_start3A_159 = arith.constant 2 : i32
    %dma_start3A_160 = arith.constant 0 : i32
    %dma_start3A_161 = arith.constant 0 : i32
    %dma_start3A_162 = tpu.memref_slice %arg13[%dma_start3A_159, %dma_start3A_160, %dma_start3A_161] : memref<4x128x128xf32, #tpu.memory_space<vmem>> -> memref<1x128x128xf32, #tpu.memory_space<vmem>>
    %dma_start3A_163 = tpu.memref_squeeze %dma_start3A_162 : memref<1x128x128xf32, #tpu.memory_space<vmem>> -> memref<128x128xf32, #tpu.memory_space<vmem>>
    %dma_start3A_164 = arith.constant 0 : i32
    %dma_start3A_165 = tpu.memref_slice %arg7[%add3A_158, %dma_start3A_164] : memref<32768x128xf32, #tpu.memory_space<hbm>> -> memref<128x128xf32, #tpu.memory_space<hbm>>
    %dma_start3A_166 = arith.constant 0 : i32
    %dma_start3A_167 = tpu.memref_slice %arg7[%add3A_158, %dma_start3A_166] : memref<32768x128xf32, #tpu.memory_space<hbm>> -> memref<128x128xf32, #tpu.memory_space<hbm>>
    %dma_start3A_168 = arith.constant 0 : i32
    %dma_start3A_169 = arith.constant 0 : i32
    %dma_start3A_170 = tpu.memref_slice %arg13[%dma_start3A_159, %dma_start3A_168, %dma_start3A_169] : memref<4x128x128xf32, #tpu.memory_space<vmem>> -> memref<1x128x128xf32, #tpu.memory_space<vmem>>
    %dma_start3A_171 = tpu.memref_squeeze %dma_start3A_170 : memref<1x128x128xf32, #tpu.memory_space<vmem>> -> memref<128x128xf32, #tpu.memory_space<vmem>>
    tpu.enqueue_dma source(%dma_start3A_171 : memref<128x128xf32, #tpu.memory_space<vmem>>) target(%dma_start3A_167 : memref<128x128xf32, #tpu.memory_space<hbm>>) target_semaphore(%arg16 : memref<!tpu.dma_semaphore, #tpu.memory_space<semaphore_mem>>)
    %scan3A_172 = arith.constant 0 : i32
    %scan3A_173 = arith.constant 4 : i32
    %scan3A_174 = arith.addi %scan3A_172, %scan3A_173 : i32
    %scan3A_175 = arith.constant 1 : i32
    scf.for %scan3A_489 = %scan3A_172 to %scan3A_174 step %scan3A_175  : i32 {
      %add3A_490 = arith.constant 16 : i32
      %add3A_491 = arith.addi %add3A_490, %scan3A_489 : i32
      %mul3A_492 = arith.constant 16 : i32
      %mul3A_493 = arith.muli %mul3A_492, %add3A_491 : i32
      %add3A_494 = vector.broadcast %mul3A_493 : i32 to vector<16xi32>
      %add3A_495 = arith.addi %add3A_494, %iota3A : vector<16xi32>
      %mul3A_496 = arith.constant 16 : i32
      %mul3A_497 = arith.muli %mul3A_496, %add3A_491 : i32
      %get3A = arith.index_cast %mul3A_497 : i32 to index
      %get3A_498 = tpu.vector_load %arg8[%get3A] {strides = array<i32>} : memref<512xf32, #tpu.memory_space<vmem>>, vector<16xf32>,
      %mul3A_499 = arith.constant 16 : i32
      %mul3A_500 = arith.muli %mul3A_499, %add3A_491 : i32
      %get3A_501 = arith.index_cast %mul3A_500 : i32 to index
      %get3A_502 = tpu.vector_load %arg9[%get3A_501] {strides = array<i32>} : memref<512xf32, #tpu.memory_space<vmem>>, vector<16xf32>,
      %sub3A = arith.constant -1.047400e+01 : f32
      %sub3A_503 = vector.broadcast %sub3A : f32 to vector<16xf32>
      %sub3A_504 = arith.subf %get3A_502, %sub3A_503 : vector<16xf32>
      %mul3A_505 = arith.constant 2.33000469 : f32
      %mul3A_506 = vector.broadcast %mul3A_505 : f32 to vector<16xf32>
      %mul3A_507 = arith.mulf %sub3A_504, %mul3A_506 : vector<16xf32>
      %max3A = arith.constant -1.000000e+00 : f32
      %max3A_508 = vector.broadcast %max3A : f32 to vector<16xf32>
      %max3A_509 = arith.maximumf %mul3A_507, %max3A_508 : vector<16xf32>
      %min3A = arith.constant 1.000000e+02 : f32
      %min3A_510 = vector.broadcast %min3A : f32 to vector<16xf32>
      %min3A_511 = arith.minimumf %max3A_509, %min3A_510 : vector<16xf32>
      %convert_element_type3A_512 = arith.fptosi %min3A_511 : vector<16xf32> to vector<16xi32>
      %add3A_513 = arith.constant 1 : i32
      %add3A_514 = vector.broadcast %add3A_513 : i32 to vector<16xi32>
      %add3A_515 = arith.addi %convert_element_type3A_512, %add3A_514 : vector<16xi32>
      %max3A_516 = arith.constant 0 : i32
      %max3A_517 = vector.broadcast %max3A_516 : i32 to vector<16xi32>
      %max3A_518 = arith.maxsi %add3A_515, %max3A_517 : vector<16xi32>
      %min3A_519 = arith.constant 99 : i32
      %min3A_520 = vector.broadcast %min3A_519 : i32 to vector<16xi32>
      %min3A_521 = arith.minsi %max3A_518, %min3A_520 : vector<16xi32>
      %add3A_522 = arith.constant 0 : i32
      %add3A_523 = vector.broadcast %add3A_522 : i32 to vector<16xi32>
      %add3A_524 = arith.addi %min3A_521, %add3A_523 : vector<16xi32>
      %gather3A = tpu.vector_load_idx %arg11[%add3A_524] : memref<256xf32, #tpu.memory_space<vmem>>[vector<16xi32>], vector<16xf32>,
      %add3A_525 = arith.constant 0 : i32
      %add3A_526 = vector.broadcast %add3A_525 : i32 to vector<16xi32>
      %add3A_527 = arith.addi %min3A_521, %add3A_526 : vector<16xi32>
      %add3A_528 = arith.constant 1 : i32
      %add3A_529 = vector.broadcast %add3A_528 : i32 to vector<16xi32>
      %add3A_530 = arith.addi %add3A_527, %add3A_529 : vector<16xi32>
      %gather3A_531 = tpu.vector_load_idx %arg11[%add3A_530] : memref<256xf32, #tpu.memory_space<vmem>>[vector<16xi32>], vector<16xf32>,
      %broadcast_in_dim3A = arith.constant 1 : i32
      %broadcast_in_dim3A_532 = vector.broadcast %broadcast_in_dim3A : i32 to vector<16xi32>
      %broadcast_in_dim3A_533 = arith.constant 0 : i32
      %broadcast_in_dim3A_534 = vector.broadcast %broadcast_in_dim3A_533 : i32 to vector<16xi32>
      %sub3A_535 = arith.constant 1 : i32
      %sub3A_536 = vector.broadcast %sub3A_535 : i32 to vector<16xi32>
      %sub3A_537 = arith.subi %min3A_521, %sub3A_536 : vector<16xi32>
      %ge3A = arith.cmpf oge, %get3A_502, %gather3A : vector<16xf32>
      %select_n3A = arith.select %ge3A, %broadcast_in_dim3A_532, %broadcast_in_dim3A_534 : vector<16xi1>, vector<16xi32>
      %add3A_538 = arith.addi %sub3A_537, %select_n3A : vector<16xi32>
      %ge3A_539 = arith.cmpf oge, %get3A_502, %gather3A_531 : vector<16xf32>
      %select_n3A_540 = arith.select %ge3A_539, %broadcast_in_dim3A_532, %broadcast_in_dim3A_534 : vector<16xi1>, vector<16xi32>
      %add3A_541 = arith.addi %add3A_538, %select_n3A_540 : vector<16xi32>
      %max3A_542 = arith.constant 0 : i32
      %max3A_543 = vector.broadcast %max3A_542 : i32 to vector<16xi32>
      %max3A_544 = arith.maxsi %add3A_541, %max3A_543 : vector<16xi32>
      %min3A_545 = arith.constant 99 : i32
      %min3A_546 = vector.broadcast %min3A_545 : i32 to vector<16xi32>
      %min3A_547 = arith.minsi %max3A_544, %min3A_546 : vector<16xi32>
      %sub3A_548 = arith.constant 3.683800e+01 : f32
      %sub3A_549 = vector.broadcast %sub3A_548 : f32 to vector<16xf32>
      %sub3A_550 = arith.subf %get3A_498, %sub3A_549 : vector<16xf32>
      %mul3A_551 = arith.constant 2.94701385 : f32
      %mul3A_552 = vector.broadcast %mul3A_551 : f32 to vector<16xf32>
      %mul3A_553 = arith.mulf %sub3A_550, %mul3A_552 : vector<16xf32>
      %max3A_554 = arith.constant -1.000000e+00 : f32
      %max3A_555 = vector.broadcast %max3A_554 : f32 to vector<16xf32>
      %max3A_556 = arith.maximumf %mul3A_553, %max3A_555 : vector<16xf32>
      %min3A_557 = arith.constant 1.000000e+02 : f32
      %min3A_558 = vector.broadcast %min3A_557 : f32 to vector<16xf32>
      %min3A_559 = arith.minimumf %max3A_556, %min3A_558 : vector<16xf32>
      %convert_element_type3A_560 = arith.fptosi %min3A_559 : vector<16xf32> to vector<16xi32>
      %add3A_561 = arith.constant 1 : i32
      %add3A_562 = vector.broadcast %add3A_561 : i32 to vector<16xi32>
      %add3A_563 = arith.addi %convert_element_type3A_560, %add3A_562 : vector<16xi32>
      %max3A_564 = arith.constant 0 : i32
      %max3A_565 = vector.broadcast %max3A_564 : i32 to vector<16xi32>
      %max3A_566 = arith.maxsi %add3A_563, %max3A_565 : vector<16xi32>
      %min3A_567 = arith.constant 99 : i32
      %min3A_568 = vector.broadcast %min3A_567 : i32 to vector<16xi32>
      %min3A_569 = arith.minsi %max3A_566, %min3A_568 : vector<16xi32>
      %add3A_570 = arith.constant 128 : i32
      %add3A_571 = vector.broadcast %add3A_570 : i32 to vector<16xi32>
      %add3A_572 = arith.addi %min3A_569, %add3A_571 : vector<16xi32>
      %gather3A_573 = tpu.vector_load_idx %arg11[%add3A_572] : memref<256xf32, #tpu.memory_space<vmem>>[vector<16xi32>], vector<16xf32>,
      %add3A_574 = arith.constant 128 : i32
      %add3A_575 = vector.broadcast %add3A_574 : i32 to vector<16xi32>
      %add3A_576 = arith.addi %min3A_569, %add3A_575 : vector<16xi32>
      %add3A_577 = arith.constant 1 : i32
      %add3A_578 = vector.broadcast %add3A_577 : i32 to vector<16xi32>
      %add3A_579 = arith.addi %add3A_576, %add3A_578 : vector<16xi32>
      %gather3A_580 = tpu.vector_load_idx %arg11[%add3A_579] : memref<256xf32, #tpu.memory_space<vmem>>[vector<16xi32>], vector<16xf32>,
      %broadcast_in_dim3A_581 = arith.constant 1 : i32
      %broadcast_in_dim3A_582 = vector.broadcast %broadcast_in_dim3A_581 : i32 to vector<16xi32>
      %broadcast_in_dim3A_583 = arith.constant 0 : i32
      %broadcast_in_dim3A_584 = vector.broadcast %broadcast_in_dim3A_583 : i32 to vector<16xi32>
      %sub3A_585 = arith.constant 1 : i32
      %sub3A_586 = vector.broadcast %sub3A_585 : i32 to vector<16xi32>
      %sub3A_587 = arith.subi %min3A_569, %sub3A_586 : vector<16xi32>
      %ge3A_588 = arith.cmpf oge, %get3A_498, %gather3A_573 : vector<16xf32>
      %select_n3A_589 = arith.select %ge3A_588, %broadcast_in_dim3A_582, %broadcast_in_dim3A_584 : vector<16xi1>, vector<16xi32>
      %add3A_590 = arith.addi %sub3A_587, %select_n3A_589 : vector<16xi32>
      %ge3A_591 = arith.cmpf oge, %get3A_498, %gather3A_580 : vector<16xf32>
      %select_n3A_592 = arith.select %ge3A_591, %broadcast_in_dim3A_582, %broadcast_in_dim3A_584 : vector<16xi1>, vector<16xi32>
      %add3A_593 = arith.addi %add3A_590, %select_n3A_592 : vector<16xi32>
      %max3A_594 = arith.constant 0 : i32
      %max3A_595 = vector.broadcast %max3A_594 : i32 to vector<16xi32>
      %max3A_596 = arith.maxsi %add3A_593, %max3A_595 : vector<16xi32>
      %min3A_597 = arith.constant 99 : i32
      %min3A_598 = vector.broadcast %min3A_597 : i32 to vector<16xi32>
      %min3A_599 = arith.minsi %max3A_596, %min3A_598 : vector<16xi32>
      %shift_right_arithmetic3A = arith.constant 3 : i32
      %shift_right_arithmetic3A_600 = vector.broadcast %shift_right_arithmetic3A : i32 to vector<16xi32>
      %shift_right_arithmetic3A_601 = arith.shrsi %add3A_495, %shift_right_arithmetic3A_600 : vector<16xi32>
      %shift_left3A = arith.constant 4 : i32
      %shift_left3A_602 = vector.broadcast %shift_left3A : i32 to vector<16xi32>
      %shift_left3A_603 = arith.shli %shift_right_arithmetic3A_601, %shift_left3A_602 : vector<16xi32>
      %and3A = arith.constant 7 : i32
      %and3A_604 = vector.broadcast %and3A : i32 to vector<16xi32>
      %and3A_605 = arith.andi %add3A_495, %and3A_604 : vector<16xi32>
      %add3A_606 = arith.addi %shift_left3A_603, %and3A_605 : vector<16xi32>
      %shift_right_arithmetic3A_607 = arith.constant 7 : i32
      %shift_right_arithmetic3A_608 = vector.broadcast %shift_right_arithmetic3A_607 : i32 to vector<16xi32>
      %shift_right_arithmetic3A_609 = arith.shrsi %add3A_606, %shift_right_arithmetic3A_608 : vector<16xi32>
      %and3A_610 = arith.constant 127 : i32
      %and3A_611 = vector.broadcast %and3A_610 : i32 to vector<16xi32>
      %and3A_612 = arith.andi %add3A_606, %and3A_611 : vector<16xi32>
      tpu.vector_store_idx %arg12[%shift_right_arithmetic3A_609, %and3A_612], %min3A_547 : memref<8x128xi32, #tpu.memory_space<vmem>>[vector<16xi32>, vector<16xi32>], vector<16xi32>,
      %add3A_613 = arith.constant 8 : i32
      %add3A_614 = vector.broadcast %add3A_613 : i32 to vector<16xi32>
      %add3A_615 = arith.addi %add3A_606, %add3A_614 : vector<16xi32>
      %shift_right_arithmetic3A_616 = arith.constant 7 : i32
      %shift_right_arithmetic3A_617 = vector.broadcast %shift_right_arithmetic3A_616 : i32 to vector<16xi32>
      %shift_right_arithmetic3A_618 = arith.shrsi %add3A_615, %shift_right_arithmetic3A_617 : vector<16xi32>
      %add3A_619 = arith.constant 8 : i32
      %add3A_620 = vector.broadcast %add3A_619 : i32 to vector<16xi32>
      %add3A_621 = arith.addi %add3A_606, %add3A_620 : vector<16xi32>
      %and3A_622 = arith.constant 127 : i32
      %and3A_623 = vector.broadcast %and3A_622 : i32 to vector<16xi32>
      %and3A_624 = arith.andi %add3A_621, %and3A_623 : vector<16xi32>
      %add3A_625 = arith.constant 100 : i32
      %add3A_626 = vector.broadcast %add3A_625 : i32 to vector<16xi32>
      %add3A_627 = arith.addi %min3A_599, %add3A_626 : vector<16xi32>
      tpu.vector_store_idx %arg12[%shift_right_arithmetic3A_618, %and3A_624], %add3A_627 : memref<8x128xi32, #tpu.memory_space<vmem>>[vector<16xi32>, vector<16xi32>], vector<16xi32>,
    }
    %scan3A_176 = arith.constant 4 : i32
    %dma_wait3A_177 = arith.constant 0 : i32
    %dma_wait3A_178 = arith.constant 0 : i32
    %dma_wait3A_179 = arith.constant 0 : i32
    %dma_wait3A_180 = tpu.memref_slice %arg13[%dma_wait3A_177, %dma_wait3A_178, %dma_wait3A_179] : memref<4x128x128xf32, #tpu.memory_space<vmem>> -> memref<1x128x128xf32, #tpu.memory_space<vmem>>
    %dma_wait3A_181 = tpu.memref_squeeze %dma_wait3A_180 : memref<1x128x128xf32, #tpu.memory_space<vmem>> -> memref<128x128xf32, #tpu.memory_space<vmem>>
    %dma_wait3A_182 = arith.constant 0 : i32
    %dma_wait3A_183 = tpu.memref_slice %arg7[%add3A_66, %dma_wait3A_182] : memref<32768x128xf32, #tpu.memory_space<hbm>> -> memref<128x128xf32, #tpu.memory_space<hbm>>
    %dma_wait3A_184 = arith.constant 0 : i32
    %dma_wait3A_185 = tpu.memref_slice %arg7[%add3A_66, %dma_wait3A_184] : memref<32768x128xf32, #tpu.memory_space<hbm>> -> memref<128x128xf32, #tpu.memory_space<hbm>>
    %dma_wait3A_186 = arith.constant 0 : i32
    %dma_wait3A_187 = arith.constant 0 : i32
    %dma_wait3A_188 = tpu.memref_slice %arg13[%dma_wait3A_177, %dma_wait3A_186, %dma_wait3A_187] : memref<4x128x128xf32, #tpu.memory_space<vmem>> -> memref<1x128x128xf32, #tpu.memory_space<vmem>>
    %dma_wait3A_189 = tpu.memref_squeeze %dma_wait3A_188 : memref<1x128x128xf32, #tpu.memory_space<vmem>> -> memref<128x128xf32, #tpu.memory_space<vmem>>
    tpu.wait_dma2 semaphore(%arg16 : memref<!tpu.dma_semaphore, #tpu.memory_space<semaphore_mem>>) src(%dma_wait3A_189 : memref<128x128xf32, #tpu.memory_space<vmem>>) dst(%dma_wait3A_185 : memref<128x128xf32, #tpu.memory_space<hbm>>)
    %dma_start3A_190 = arith.constant 4 : i32
    %dma_start3A_191 = arith.constant 0 : i32
    %dma_start3A_192 = arith.constant 0 : i32
    %dma_start3A_193 = arith.constant 0 : i32
    %dma_start3A_194 = tpu.memref_slice %arg13[%dma_start3A_191, %dma_start3A_192, %dma_start3A_193] : memref<4x128x128xf32, #tpu.memory_space<vmem>> -> memref<1x128x128xf32, #tpu.memory_space<vmem>>
    %dma_start3A_195 = tpu.memref_squeeze %dma_start3A_194 : memref<1x128x128xf32, #tpu.memory_space<vmem>> -> memref<128x128xf32, #tpu.memory_space<vmem>>
    %dma_start3A_196 = arith.constant 0 : i32
    %dma_start3A_197 = tpu.memref_slice %arg12[%dma_start3A_190, %dma_start3A_196] : memref<8x128xi32, #tpu.memory_space<vmem>> -> memref<1x128xi32, #tpu.memory_space<vmem>>
    %dma_start3A_198 = tpu.memref_squeeze %dma_start3A_197 : memref<1x128xi32, #tpu.memory_space<vmem>> -> memref<128xi32, #tpu.memory_space<vmem>>
    %dma_start3A_199 = arith.constant 0 : i32
    %dma_start3A_200 = arith.constant 0 : i32
    %dma_start3A_201 = tpu.memref_slice %arg10[%dma_start3A_199, %dma_start3A_200] : memref<200x128xf32, #tpu.memory_space<vmem_shared>> -> memref<200x128xf32, #tpu.memory_space<vmem_shared>>
    tpu.enqueue_indirect_dma source(%dma_start3A_201 : memref<200x128xf32, #tpu.memory_space<vmem_shared>>) target(%dma_start3A_195 : memref<128x128xf32, #tpu.memory_space<vmem>>) offsets(%dma_start3A_198 : memref<128xi32, #tpu.memory_space<vmem>>) semaphore(%arg15 : memref<!tpu.dma_semaphore, #tpu.memory_space<semaphore_mem>>)
    %dma_wait3A_202 = arith.constant 3 : i32
    %dma_wait3A_203 = arith.constant 3 : i32
    %dma_wait3A_204 = arith.constant 0 : i32
    %dma_wait3A_205 = arith.constant 0 : i32
    %dma_wait3A_206 = tpu.memref_slice %arg13[%dma_wait3A_203, %dma_wait3A_204, %dma_wait3A_205] : memref<4x128x128xf32, #tpu.memory_space<vmem>> -> memref<1x128x128xf32, #tpu.memory_space<vmem>>
    %dma_wait3A_207 = tpu.memref_squeeze %dma_wait3A_206 : memref<1x128x128xf32, #tpu.memory_space<vmem>> -> memref<128x128xf32, #tpu.memory_space<vmem>>
    %dma_wait3A_208 = arith.constant 0 : i32
    %dma_wait3A_209 = tpu.memref_slice %arg12[%dma_wait3A_202, %dma_wait3A_208] : memref<8x128xi32, #tpu.memory_space<vmem>> -> memref<1x128xi32, #tpu.memory_space<vmem>>
    %dma_wait3A_210 = tpu.memref_squeeze %dma_wait3A_209 : memref<1x128xi32, #tpu.memory_space<vmem>> -> memref<128xi32, #tpu.memory_space<vmem>>
    %dma_wait3A_211 = arith.constant 0 : i32
    %dma_wait3A_212 = arith.constant 0 : i32
    %dma_wait3A_213 = tpu.memref_slice %arg10[%dma_wait3A_211, %dma_wait3A_212] : memref<200x128xf32, #tpu.memory_space<vmem_shared>> -> memref<200x128xf32, #tpu.memory_space<vmem_shared>>
    tpu.wait_indirect_dma semaphore(%arg15 : memref<!tpu.dma_semaphore, #tpu.memory_space<semaphore_mem>>) src(%dma_wait3A_213 : memref<200x128xf32, #tpu.memory_space<vmem_shared>>) dst(%dma_wait3A_207 : memref<128x128xf32, #tpu.memory_space<vmem>>)
    %mul3A_214 = arith.constant 1024 : i32
    %mul3A_215 = arith.muli %add3A, %mul3A_214 : i32
    %add3A_216 = arith.constant 384 : i32
    %add3A_217 = arith.addi %mul3A_215, %add3A_216 : i32
    %dma_start3A_218 = arith.constant 3 : i32
    %dma_start3A_219 = arith.constant 0 : i32
    %dma_start3A_220 = arith.constant 0 : i32
    %dma_start3A_221 = tpu.memref_slice %arg13[%dma_start3A_218, %dma_start3A_219, %dma_start3A_220] : memref<4x128x128xf32, #tpu.memory_space<vmem>> -> memref<1x128x128xf32, #tpu.memory_space<vmem>>
    %dma_start3A_222 = tpu.memref_squeeze %dma_start3A_221 : memref<1x128x128xf32, #tpu.memory_space<vmem>> -> memref<128x128xf32, #tpu.memory_space<vmem>>
    %dma_start3A_223 = arith.constant 0 : i32
    %dma_start3A_224 = tpu.memref_slice %arg7[%add3A_217, %dma_start3A_223] : memref<32768x128xf32, #tpu.memory_space<hbm>> -> memref<128x128xf32, #tpu.memory_space<hbm>>
    %dma_start3A_225 = arith.constant 0 : i32
    %dma_start3A_226 = tpu.memref_slice %arg7[%add3A_217, %dma_start3A_225] : memref<32768x128xf32, #tpu.memory_space<hbm>> -> memref<128x128xf32, #tpu.memory_space<hbm>>
    %dma_start3A_227 = arith.constant 0 : i32
    %dma_start3A_228 = arith.constant 0 : i32
    %dma_start3A_229 = tpu.memref_slice %arg13[%dma_start3A_218, %dma_start3A_227, %dma_start3A_228] : memref<4x128x128xf32, #tpu.memory_space<vmem>> -> memref<1x128x128xf32, #tpu.memory_space<vmem>>
    %dma_start3A_230 = tpu.memref_squeeze %dma_start3A_229 : memref<1x128x128xf32, #tpu.memory_space<vmem>> -> memref<128x128xf32, #tpu.memory_space<vmem>>
    tpu.enqueue_dma source(%dma_start3A_230 : memref<128x128xf32, #tpu.memory_space<vmem>>) target(%dma_start3A_226 : memref<128x128xf32, #tpu.memory_space<hbm>>) target_semaphore(%arg16 : memref<!tpu.dma_semaphore, #tpu.memory_space<semaphore_mem>>)
    %scan3A_231 = arith.constant 0 : i32
    %scan3A_232 = arith.constant 4 : i32
    %scan3A_233 = arith.addi %scan3A_231, %scan3A_232 : i32
    %scan3A_234 = arith.constant 1 : i32
    scf.for %scan3A_489 = %scan3A_231 to %scan3A_233 step %scan3A_234  : i32 {
      %add3A_490 = arith.constant 20 : i32
      %add3A_491 = arith.addi %add3A_490, %scan3A_489 : i32
      %mul3A_492 = arith.constant 16 : i32
      %mul3A_493 = arith.muli %mul3A_492, %add3A_491 : i32
      %add3A_494 = vector.broadcast %mul3A_493 : i32 to vector<16xi32>
      %add3A_495 = arith.addi %add3A_494, %iota3A : vector<16xi32>
      %mul3A_496 = arith.constant 16 : i32
      %mul3A_497 = arith.muli %mul3A_496, %add3A_491 : i32
      %get3A = arith.index_cast %mul3A_497 : i32 to index
      %get3A_498 = tpu.vector_load %arg8[%get3A] {strides = array<i32>} : memref<512xf32, #tpu.memory_space<vmem>>, vector<16xf32>,
      %mul3A_499 = arith.constant 16 : i32
      %mul3A_500 = arith.muli %mul3A_499, %add3A_491 : i32
      %get3A_501 = arith.index_cast %mul3A_500 : i32 to index
      %get3A_502 = tpu.vector_load %arg9[%get3A_501] {strides = array<i32>} : memref<512xf32, #tpu.memory_space<vmem>>, vector<16xf32>,
      %sub3A = arith.constant -1.047400e+01 : f32
      %sub3A_503 = vector.broadcast %sub3A : f32 to vector<16xf32>
      %sub3A_504 = arith.subf %get3A_502, %sub3A_503 : vector<16xf32>
      %mul3A_505 = arith.constant 2.33000469 : f32
      %mul3A_506 = vector.broadcast %mul3A_505 : f32 to vector<16xf32>
      %mul3A_507 = arith.mulf %sub3A_504, %mul3A_506 : vector<16xf32>
      %max3A = arith.constant -1.000000e+00 : f32
      %max3A_508 = vector.broadcast %max3A : f32 to vector<16xf32>
      %max3A_509 = arith.maximumf %mul3A_507, %max3A_508 : vector<16xf32>
      %min3A = arith.constant 1.000000e+02 : f32
      %min3A_510 = vector.broadcast %min3A : f32 to vector<16xf32>
      %min3A_511 = arith.minimumf %max3A_509, %min3A_510 : vector<16xf32>
      %convert_element_type3A_512 = arith.fptosi %min3A_511 : vector<16xf32> to vector<16xi32>
      %add3A_513 = arith.constant 1 : i32
      %add3A_514 = vector.broadcast %add3A_513 : i32 to vector<16xi32>
      %add3A_515 = arith.addi %convert_element_type3A_512, %add3A_514 : vector<16xi32>
      %max3A_516 = arith.constant 0 : i32
      %max3A_517 = vector.broadcast %max3A_516 : i32 to vector<16xi32>
      %max3A_518 = arith.maxsi %add3A_515, %max3A_517 : vector<16xi32>
      %min3A_519 = arith.constant 99 : i32
      %min3A_520 = vector.broadcast %min3A_519 : i32 to vector<16xi32>
      %min3A_521 = arith.minsi %max3A_518, %min3A_520 : vector<16xi32>
      %add3A_522 = arith.constant 0 : i32
      %add3A_523 = vector.broadcast %add3A_522 : i32 to vector<16xi32>
      %add3A_524 = arith.addi %min3A_521, %add3A_523 : vector<16xi32>
      %gather3A = tpu.vector_load_idx %arg11[%add3A_524] : memref<256xf32, #tpu.memory_space<vmem>>[vector<16xi32>], vector<16xf32>,
      %add3A_525 = arith.constant 0 : i32
      %add3A_526 = vector.broadcast %add3A_525 : i32 to vector<16xi32>
      %add3A_527 = arith.addi %min3A_521, %add3A_526 : vector<16xi32>
      %add3A_528 = arith.constant 1 : i32
      %add3A_529 = vector.broadcast %add3A_528 : i32 to vector<16xi32>
      %add3A_530 = arith.addi %add3A_527, %add3A_529 : vector<16xi32>
      %gather3A_531 = tpu.vector_load_idx %arg11[%add3A_530] : memref<256xf32, #tpu.memory_space<vmem>>[vector<16xi32>], vector<16xf32>,
      %broadcast_in_dim3A = arith.constant 1 : i32
      %broadcast_in_dim3A_532 = vector.broadcast %broadcast_in_dim3A : i32 to vector<16xi32>
      %broadcast_in_dim3A_533 = arith.constant 0 : i32
      %broadcast_in_dim3A_534 = vector.broadcast %broadcast_in_dim3A_533 : i32 to vector<16xi32>
      %sub3A_535 = arith.constant 1 : i32
      %sub3A_536 = vector.broadcast %sub3A_535 : i32 to vector<16xi32>
      %sub3A_537 = arith.subi %min3A_521, %sub3A_536 : vector<16xi32>
      %ge3A = arith.cmpf oge, %get3A_502, %gather3A : vector<16xf32>
      %select_n3A = arith.select %ge3A, %broadcast_in_dim3A_532, %broadcast_in_dim3A_534 : vector<16xi1>, vector<16xi32>
      %add3A_538 = arith.addi %sub3A_537, %select_n3A : vector<16xi32>
      %ge3A_539 = arith.cmpf oge, %get3A_502, %gather3A_531 : vector<16xf32>
      %select_n3A_540 = arith.select %ge3A_539, %broadcast_in_dim3A_532, %broadcast_in_dim3A_534 : vector<16xi1>, vector<16xi32>
      %add3A_541 = arith.addi %add3A_538, %select_n3A_540 : vector<16xi32>
      %max3A_542 = arith.constant 0 : i32
      %max3A_543 = vector.broadcast %max3A_542 : i32 to vector<16xi32>
      %max3A_544 = arith.maxsi %add3A_541, %max3A_543 : vector<16xi32>
      %min3A_545 = arith.constant 99 : i32
      %min3A_546 = vector.broadcast %min3A_545 : i32 to vector<16xi32>
      %min3A_547 = arith.minsi %max3A_544, %min3A_546 : vector<16xi32>
      %sub3A_548 = arith.constant 3.683800e+01 : f32
      %sub3A_549 = vector.broadcast %sub3A_548 : f32 to vector<16xf32>
      %sub3A_550 = arith.subf %get3A_498, %sub3A_549 : vector<16xf32>
      %mul3A_551 = arith.constant 2.94701385 : f32
      %mul3A_552 = vector.broadcast %mul3A_551 : f32 to vector<16xf32>
      %mul3A_553 = arith.mulf %sub3A_550, %mul3A_552 : vector<16xf32>
      %max3A_554 = arith.constant -1.000000e+00 : f32
      %max3A_555 = vector.broadcast %max3A_554 : f32 to vector<16xf32>
      %max3A_556 = arith.maximumf %mul3A_553, %max3A_555 : vector<16xf32>
      %min3A_557 = arith.constant 1.000000e+02 : f32
      %min3A_558 = vector.broadcast %min3A_557 : f32 to vector<16xf32>
      %min3A_559 = arith.minimumf %max3A_556, %min3A_558 : vector<16xf32>
      %convert_element_type3A_560 = arith.fptosi %min3A_559 : vector<16xf32> to vector<16xi32>
      %add3A_561 = arith.constant 1 : i32
      %add3A_562 = vector.broadcast %add3A_561 : i32 to vector<16xi32>
      %add3A_563 = arith.addi %convert_element_type3A_560, %add3A_562 : vector<16xi32>
      %max3A_564 = arith.constant 0 : i32
      %max3A_565 = vector.broadcast %max3A_564 : i32 to vector<16xi32>
      %max3A_566 = arith.maxsi %add3A_563, %max3A_565 : vector<16xi32>
      %min3A_567 = arith.constant 99 : i32
      %min3A_568 = vector.broadcast %min3A_567 : i32 to vector<16xi32>
      %min3A_569 = arith.minsi %max3A_566, %min3A_568 : vector<16xi32>
      %add3A_570 = arith.constant 128 : i32
      %add3A_571 = vector.broadcast %add3A_570 : i32 to vector<16xi32>
      %add3A_572 = arith.addi %min3A_569, %add3A_571 : vector<16xi32>
      %gather3A_573 = tpu.vector_load_idx %arg11[%add3A_572] : memref<256xf32, #tpu.memory_space<vmem>>[vector<16xi32>], vector<16xf32>,
      %add3A_574 = arith.constant 128 : i32
      %add3A_575 = vector.broadcast %add3A_574 : i32 to vector<16xi32>
      %add3A_576 = arith.addi %min3A_569, %add3A_575 : vector<16xi32>
      %add3A_577 = arith.constant 1 : i32
      %add3A_578 = vector.broadcast %add3A_577 : i32 to vector<16xi32>
      %add3A_579 = arith.addi %add3A_576, %add3A_578 : vector<16xi32>
      %gather3A_580 = tpu.vector_load_idx %arg11[%add3A_579] : memref<256xf32, #tpu.memory_space<vmem>>[vector<16xi32>], vector<16xf32>,
      %broadcast_in_dim3A_581 = arith.constant 1 : i32
      %broadcast_in_dim3A_582 = vector.broadcast %broadcast_in_dim3A_581 : i32 to vector<16xi32>
      %broadcast_in_dim3A_583 = arith.constant 0 : i32
      %broadcast_in_dim3A_584 = vector.broadcast %broadcast_in_dim3A_583 : i32 to vector<16xi32>
      %sub3A_585 = arith.constant 1 : i32
      %sub3A_586 = vector.broadcast %sub3A_585 : i32 to vector<16xi32>
      %sub3A_587 = arith.subi %min3A_569, %sub3A_586 : vector<16xi32>
      %ge3A_588 = arith.cmpf oge, %get3A_498, %gather3A_573 : vector<16xf32>
      %select_n3A_589 = arith.select %ge3A_588, %broadcast_in_dim3A_582, %broadcast_in_dim3A_584 : vector<16xi1>, vector<16xi32>
      %add3A_590 = arith.addi %sub3A_587, %select_n3A_589 : vector<16xi32>
      %ge3A_591 = arith.cmpf oge, %get3A_498, %gather3A_580 : vector<16xf32>
      %select_n3A_592 = arith.select %ge3A_591, %broadcast_in_dim3A_582, %broadcast_in_dim3A_584 : vector<16xi1>, vector<16xi32>
      %add3A_593 = arith.addi %add3A_590, %select_n3A_592 : vector<16xi32>
      %max3A_594 = arith.constant 0 : i32
      %max3A_595 = vector.broadcast %max3A_594 : i32 to vector<16xi32>
      %max3A_596 = arith.maxsi %add3A_593, %max3A_595 : vector<16xi32>
      %min3A_597 = arith.constant 99 : i32
      %min3A_598 = vector.broadcast %min3A_597 : i32 to vector<16xi32>
      %min3A_599 = arith.minsi %max3A_596, %min3A_598 : vector<16xi32>
      %shift_right_arithmetic3A = arith.constant 3 : i32
      %shift_right_arithmetic3A_600 = vector.broadcast %shift_right_arithmetic3A : i32 to vector<16xi32>
      %shift_right_arithmetic3A_601 = arith.shrsi %add3A_495, %shift_right_arithmetic3A_600 : vector<16xi32>
      %shift_left3A = arith.constant 4 : i32
      %shift_left3A_602 = vector.broadcast %shift_left3A : i32 to vector<16xi32>
      %shift_left3A_603 = arith.shli %shift_right_arithmetic3A_601, %shift_left3A_602 : vector<16xi32>
      %and3A = arith.constant 7 : i32
      %and3A_604 = vector.broadcast %and3A : i32 to vector<16xi32>
      %and3A_605 = arith.andi %add3A_495, %and3A_604 : vector<16xi32>
      %add3A_606 = arith.addi %shift_left3A_603, %and3A_605 : vector<16xi32>
      %shift_right_arithmetic3A_607 = arith.constant 7 : i32
      %shift_right_arithmetic3A_608 = vector.broadcast %shift_right_arithmetic3A_607 : i32 to vector<16xi32>
      %shift_right_arithmetic3A_609 = arith.shrsi %add3A_606, %shift_right_arithmetic3A_608 : vector<16xi32>
      %and3A_610 = arith.constant 127 : i32
      %and3A_611 = vector.broadcast %and3A_610 : i32 to vector<16xi32>
      %and3A_612 = arith.andi %add3A_606, %and3A_611 : vector<16xi32>
      tpu.vector_store_idx %arg12[%shift_right_arithmetic3A_609, %and3A_612], %min3A_547 : memref<8x128xi32, #tpu.memory_space<vmem>>[vector<16xi32>, vector<16xi32>], vector<16xi32>,
      %add3A_613 = arith.constant 8 : i32
      %add3A_614 = vector.broadcast %add3A_613 : i32 to vector<16xi32>
      %add3A_615 = arith.addi %add3A_606, %add3A_614 : vector<16xi32>
      %shift_right_arithmetic3A_616 = arith.constant 7 : i32
      %shift_right_arithmetic3A_617 = vector.broadcast %shift_right_arithmetic3A_616 : i32 to vector<16xi32>
      %shift_right_arithmetic3A_618 = arith.shrsi %add3A_615, %shift_right_arithmetic3A_617 : vector<16xi32>
      %add3A_619 = arith.constant 8 : i32
      %add3A_620 = vector.broadcast %add3A_619 : i32 to vector<16xi32>
      %add3A_621 = arith.addi %add3A_606, %add3A_620 : vector<16xi32>
      %and3A_622 = arith.constant 127 : i32
      %and3A_623 = vector.broadcast %and3A_622 : i32 to vector<16xi32>
      %and3A_624 = arith.andi %add3A_621, %and3A_623 : vector<16xi32>
      %add3A_625 = arith.constant 100 : i32
      %add3A_626 = vector.broadcast %add3A_625 : i32 to vector<16xi32>
      %add3A_627 = arith.addi %min3A_599, %add3A_626 : vector<16xi32>
      tpu.vector_store_idx %arg12[%shift_right_arithmetic3A_618, %and3A_624], %add3A_627 : memref<8x128xi32, #tpu.memory_space<vmem>>[vector<16xi32>, vector<16xi32>], vector<16xi32>,
    }
    %scan3A_235 = arith.constant 4 : i32
    %dma_wait3A_236 = arith.constant 1 : i32
    %dma_wait3A_237 = arith.constant 0 : i32
    %dma_wait3A_238 = arith.constant 0 : i32
    %dma_wait3A_239 = tpu.memref_slice %arg13[%dma_wait3A_236, %dma_wait3A_237, %dma_wait3A_238] : memref<4x128x128xf32, #tpu.memory_space<vmem>> -> memref<1x128x128xf32, #tpu.memory_space<vmem>>
    %dma_wait3A_240 = tpu.memref_squeeze %dma_wait3A_239 : memref<1x128x128xf32, #tpu.memory_space<vmem>> -> memref<128x128xf32, #tpu.memory_space<vmem>>
    %dma_wait3A_241 = arith.constant 0 : i32
    %dma_wait3A_242 = tpu.memref_slice %arg7[%add3A_112, %dma_wait3A_241] : memref<32768x128xf32, #tpu.memory_space<hbm>> -> memref<128x128xf32, #tpu.memory_space<hbm>>
    %dma_wait3A_243 = arith.constant 0 : i32
    %dma_wait3A_244 = tpu.memref_slice %arg7[%add3A_112, %dma_wait3A_243] : memref<32768x128xf32, #tpu.memory_space<hbm>> -> memref<128x128xf32, #tpu.memory_space<hbm>>
    %dma_wait3A_245 = arith.constant 0 : i32
    %dma_wait3A_246 = arith.constant 0 : i32
    %dma_wait3A_247 = tpu.memref_slice %arg13[%dma_wait3A_236, %dma_wait3A_245, %dma_wait3A_246] : memref<4x128x128xf32, #tpu.memory_space<vmem>> -> memref<1x128x128xf32, #tpu.memory_space<vmem>>
    %dma_wait3A_248 = tpu.memref_squeeze %dma_wait3A_247 : memref<1x128x128xf32, #tpu.memory_space<vmem>> -> memref<128x128xf32, #tpu.memory_space<vmem>>
    tpu.wait_dma2 semaphore(%arg16 : memref<!tpu.dma_semaphore, #tpu.memory_space<semaphore_mem>>) src(%dma_wait3A_248 : memref<128x128xf32, #tpu.memory_space<vmem>>) dst(%dma_wait3A_244 : memref<128x128xf32, #tpu.memory_space<hbm>>)
    %dma_start3A_249 = arith.constant 5 : i32
    %dma_start3A_250 = arith.constant 1 : i32
    %dma_start3A_251 = arith.constant 0 : i32
    %dma_start3A_252 = arith.constant 0 : i32
    %dma_start3A_253 = tpu.memref_slice %arg13[%dma_start3A_250, %dma_start3A_251, %dma_start3A_252] : memref<4x128x128xf32, #tpu.memory_space<vmem>> -> memref<1x128x128xf32, #tpu.memory_space<vmem>>
    %dma_start3A_254 = tpu.memref_squeeze %dma_start3A_253 : memref<1x128x128xf32, #tpu.memory_space<vmem>> -> memref<128x128xf32, #tpu.memory_space<vmem>>
    %dma_start3A_255 = arith.constant 0 : i32
    %dma_start3A_256 = tpu.memref_slice %arg12[%dma_start3A_249, %dma_start3A_255] : memref<8x128xi32, #tpu.memory_space<vmem>> -> memref<1x128xi32, #tpu.memory_space<vmem>>
    %dma_start3A_257 = tpu.memref_squeeze %dma_start3A_256 : memref<1x128xi32, #tpu.memory_space<vmem>> -> memref<128xi32, #tpu.memory_space<vmem>>
    %dma_start3A_258 = arith.constant 0 : i32
    %dma_start3A_259 = arith.constant 0 : i32
    %dma_start3A_260 = tpu.memref_slice %arg10[%dma_start3A_258, %dma_start3A_259] : memref<200x128xf32, #tpu.memory_space<vmem_shared>> -> memref<200x128xf32, #tpu.memory_space<vmem_shared>>
    tpu.enqueue_indirect_dma source(%dma_start3A_260 : memref<200x128xf32, #tpu.memory_space<vmem_shared>>) target(%dma_start3A_254 : memref<128x128xf32, #tpu.memory_space<vmem>>) offsets(%dma_start3A_257 : memref<128xi32, #tpu.memory_space<vmem>>) semaphore(%arg15 : memref<!tpu.dma_semaphore, #tpu.memory_space<semaphore_mem>>)
    %dma_wait3A_261 = arith.constant 4 : i32
    %dma_wait3A_262 = arith.constant 0 : i32
    %dma_wait3A_263 = arith.constant 0 : i32
    %dma_wait3A_264 = arith.constant 0 : i32
    %dma_wait3A_265 = tpu.memref_slice %arg13[%dma_wait3A_262, %dma_wait3A_263, %dma_wait3A_264] : memref<4x128x128xf32, #tpu.memory_space<vmem>> -> memref<1x128x128xf32, #tpu.memory_space<vmem>>
    %dma_wait3A_266 = tpu.memref_squeeze %dma_wait3A_265 : memref<1x128x128xf32, #tpu.memory_space<vmem>> -> memref<128x128xf32, #tpu.memory_space<vmem>>
    %dma_wait3A_267 = arith.constant 0 : i32
    %dma_wait3A_268 = tpu.memref_slice %arg12[%dma_wait3A_261, %dma_wait3A_267] : memref<8x128xi32, #tpu.memory_space<vmem>> -> memref<1x128xi32, #tpu.memory_space<vmem>>
    %dma_wait3A_269 = tpu.memref_squeeze %dma_wait3A_268 : memref<1x128xi32, #tpu.memory_space<vmem>> -> memref<128xi32, #tpu.memory_space<vmem>>
    %dma_wait3A_270 = arith.constant 0 : i32
    %dma_wait3A_271 = arith.constant 0 : i32
    %dma_wait3A_272 = tpu.memref_slice %arg10[%dma_wait3A_270, %dma_wait3A_271] : memref<200x128xf32, #tpu.memory_space<vmem_shared>> -> memref<200x128xf32, #tpu.memory_space<vmem_shared>>
    tpu.wait_indirect_dma semaphore(%arg15 : memref<!tpu.dma_semaphore, #tpu.memory_space<semaphore_mem>>) src(%dma_wait3A_272 : memref<200x128xf32, #tpu.memory_space<vmem_shared>>) dst(%dma_wait3A_266 : memref<128x128xf32, #tpu.memory_space<vmem>>)
    %mul3A_273 = arith.constant 1024 : i32
    %mul3A_274 = arith.muli %add3A, %mul3A_273 : i32
    %add3A_275 = arith.constant 512 : i32
    %add3A_276 = arith.addi %mul3A_274, %add3A_275 : i32
    %dma_start3A_277 = arith.constant 0 : i32
    %dma_start3A_278 = arith.constant 0 : i32
    %dma_start3A_279 = arith.constant 0 : i32
    %dma_start3A_280 = tpu.memref_slice %arg13[%dma_start3A_277, %dma_start3A_278, %dma_start3A_279] : memref<4x128x128xf32, #tpu.memory_space<vmem>> -> memref<1x128x128xf32, #tpu.memory_space<vmem>>
    %dma_start3A_281 = tpu.memref_squeeze %dma_start3A_280 : memref<1x128x128xf32, #tpu.memory_space<vmem>> -> memref<128x128xf32, #tpu.memory_space<vmem>>
    %dma_start3A_282 = arith.constant 0 : i32
    %dma_start3A_283 = tpu.memref_slice %arg7[%add3A_276, %dma_start3A_282] : memref<32768x128xf32, #tpu.memory_space<hbm>> -> memref<128x128xf32, #tpu.memory_space<hbm>>
    %dma_start3A_284 = arith.constant 0 : i32
    %dma_start3A_285 = tpu.memref_slice %arg7[%add3A_276, %dma_start3A_284] : memref<32768x128xf32, #tpu.memory_space<hbm>> -> memref<128x128xf32, #tpu.memory_space<hbm>>
    %dma_start3A_286 = arith.constant 0 : i32
    %dma_start3A_287 = arith.constant 0 : i32
    %dma_start3A_288 = tpu.memref_slice %arg13[%dma_start3A_277, %dma_start3A_286, %dma_start3A_287] : memref<4x128x128xf32, #tpu.memory_space<vmem>> -> memref<1x128x128xf32, #tpu.memory_space<vmem>>
    %dma_start3A_289 = tpu.memref_squeeze %dma_start3A_288 : memref<1x128x128xf32, #tpu.memory_space<vmem>> -> memref<128x128xf32, #tpu.memory_space<vmem>>
    tpu.enqueue_dma source(%dma_start3A_289 : memref<128x128xf32, #tpu.memory_space<vmem>>) target(%dma_start3A_285 : memref<128x128xf32, #tpu.memory_space<hbm>>) target_semaphore(%arg16 : memref<!tpu.dma_semaphore, #tpu.memory_space<semaphore_mem>>)
    %scan3A_290 = arith.constant 0 : i32
    %scan3A_291 = arith.constant 4 : i32
    %scan3A_292 = arith.addi %scan3A_290, %scan3A_291 : i32
    %scan3A_293 = arith.constant 1 : i32
    scf.for %scan3A_489 = %scan3A_290 to %scan3A_292 step %scan3A_293  : i32 {
      %add3A_490 = arith.constant 24 : i32
      %add3A_491 = arith.addi %add3A_490, %scan3A_489 : i32
      %mul3A_492 = arith.constant 16 : i32
      %mul3A_493 = arith.muli %mul3A_492, %add3A_491 : i32
      %add3A_494 = vector.broadcast %mul3A_493 : i32 to vector<16xi32>
      %add3A_495 = arith.addi %add3A_494, %iota3A : vector<16xi32>
      %mul3A_496 = arith.constant 16 : i32
      %mul3A_497 = arith.muli %mul3A_496, %add3A_491 : i32
      %get3A = arith.index_cast %mul3A_497 : i32 to index
      %get3A_498 = tpu.vector_load %arg8[%get3A] {strides = array<i32>} : memref<512xf32, #tpu.memory_space<vmem>>, vector<16xf32>,
      %mul3A_499 = arith.constant 16 : i32
      %mul3A_500 = arith.muli %mul3A_499, %add3A_491 : i32
      %get3A_501 = arith.index_cast %mul3A_500 : i32 to index
      %get3A_502 = tpu.vector_load %arg9[%get3A_501] {strides = array<i32>} : memref<512xf32, #tpu.memory_space<vmem>>, vector<16xf32>,
      %sub3A = arith.constant -1.047400e+01 : f32
      %sub3A_503 = vector.broadcast %sub3A : f32 to vector<16xf32>
      %sub3A_504 = arith.subf %get3A_502, %sub3A_503 : vector<16xf32>
      %mul3A_505 = arith.constant 2.33000469 : f32
      %mul3A_506 = vector.broadcast %mul3A_505 : f32 to vector<16xf32>
      %mul3A_507 = arith.mulf %sub3A_504, %mul3A_506 : vector<16xf32>
      %max3A = arith.constant -1.000000e+00 : f32
      %max3A_508 = vector.broadcast %max3A : f32 to vector<16xf32>
      %max3A_509 = arith.maximumf %mul3A_507, %max3A_508 : vector<16xf32>
      %min3A = arith.constant 1.000000e+02 : f32
      %min3A_510 = vector.broadcast %min3A : f32 to vector<16xf32>
      %min3A_511 = arith.minimumf %max3A_509, %min3A_510 : vector<16xf32>
      %convert_element_type3A_512 = arith.fptosi %min3A_511 : vector<16xf32> to vector<16xi32>
      %add3A_513 = arith.constant 1 : i32
      %add3A_514 = vector.broadcast %add3A_513 : i32 to vector<16xi32>
      %add3A_515 = arith.addi %convert_element_type3A_512, %add3A_514 : vector<16xi32>
      %max3A_516 = arith.constant 0 : i32
      %max3A_517 = vector.broadcast %max3A_516 : i32 to vector<16xi32>
      %max3A_518 = arith.maxsi %add3A_515, %max3A_517 : vector<16xi32>
      %min3A_519 = arith.constant 99 : i32
      %min3A_520 = vector.broadcast %min3A_519 : i32 to vector<16xi32>
      %min3A_521 = arith.minsi %max3A_518, %min3A_520 : vector<16xi32>
      %add3A_522 = arith.constant 0 : i32
      %add3A_523 = vector.broadcast %add3A_522 : i32 to vector<16xi32>
      %add3A_524 = arith.addi %min3A_521, %add3A_523 : vector<16xi32>
      %gather3A = tpu.vector_load_idx %arg11[%add3A_524] : memref<256xf32, #tpu.memory_space<vmem>>[vector<16xi32>], vector<16xf32>,
      %add3A_525 = arith.constant 0 : i32
      %add3A_526 = vector.broadcast %add3A_525 : i32 to vector<16xi32>
      %add3A_527 = arith.addi %min3A_521, %add3A_526 : vector<16xi32>
      %add3A_528 = arith.constant 1 : i32
      %add3A_529 = vector.broadcast %add3A_528 : i32 to vector<16xi32>
      %add3A_530 = arith.addi %add3A_527, %add3A_529 : vector<16xi32>
      %gather3A_531 = tpu.vector_load_idx %arg11[%add3A_530] : memref<256xf32, #tpu.memory_space<vmem>>[vector<16xi32>], vector<16xf32>,
      %broadcast_in_dim3A = arith.constant 1 : i32
      %broadcast_in_dim3A_532 = vector.broadcast %broadcast_in_dim3A : i32 to vector<16xi32>
      %broadcast_in_dim3A_533 = arith.constant 0 : i32
      %broadcast_in_dim3A_534 = vector.broadcast %broadcast_in_dim3A_533 : i32 to vector<16xi32>
      %sub3A_535 = arith.constant 1 : i32
      %sub3A_536 = vector.broadcast %sub3A_535 : i32 to vector<16xi32>
      %sub3A_537 = arith.subi %min3A_521, %sub3A_536 : vector<16xi32>
      %ge3A = arith.cmpf oge, %get3A_502, %gather3A : vector<16xf32>
      %select_n3A = arith.select %ge3A, %broadcast_in_dim3A_532, %broadcast_in_dim3A_534 : vector<16xi1>, vector<16xi32>
      %add3A_538 = arith.addi %sub3A_537, %select_n3A : vector<16xi32>
      %ge3A_539 = arith.cmpf oge, %get3A_502, %gather3A_531 : vector<16xf32>
      %select_n3A_540 = arith.select %ge3A_539, %broadcast_in_dim3A_532, %broadcast_in_dim3A_534 : vector<16xi1>, vector<16xi32>
      %add3A_541 = arith.addi %add3A_538, %select_n3A_540 : vector<16xi32>
      %max3A_542 = arith.constant 0 : i32
      %max3A_543 = vector.broadcast %max3A_542 : i32 to vector<16xi32>
      %max3A_544 = arith.maxsi %add3A_541, %max3A_543 : vector<16xi32>
      %min3A_545 = arith.constant 99 : i32
      %min3A_546 = vector.broadcast %min3A_545 : i32 to vector<16xi32>
      %min3A_547 = arith.minsi %max3A_544, %min3A_546 : vector<16xi32>
      %sub3A_548 = arith.constant 3.683800e+01 : f32
      %sub3A_549 = vector.broadcast %sub3A_548 : f32 to vector<16xf32>
      %sub3A_550 = arith.subf %get3A_498, %sub3A_549 : vector<16xf32>
      %mul3A_551 = arith.constant 2.94701385 : f32
      %mul3A_552 = vector.broadcast %mul3A_551 : f32 to vector<16xf32>
      %mul3A_553 = arith.mulf %sub3A_550, %mul3A_552 : vector<16xf32>
      %max3A_554 = arith.constant -1.000000e+00 : f32
      %max3A_555 = vector.broadcast %max3A_554 : f32 to vector<16xf32>
      %max3A_556 = arith.maximumf %mul3A_553, %max3A_555 : vector<16xf32>
      %min3A_557 = arith.constant 1.000000e+02 : f32
      %min3A_558 = vector.broadcast %min3A_557 : f32 to vector<16xf32>
      %min3A_559 = arith.minimumf %max3A_556, %min3A_558 : vector<16xf32>
      %convert_element_type3A_560 = arith.fptosi %min3A_559 : vector<16xf32> to vector<16xi32>
      %add3A_561 = arith.constant 1 : i32
      %add3A_562 = vector.broadcast %add3A_561 : i32 to vector<16xi32>
      %add3A_563 = arith.addi %convert_element_type3A_560, %add3A_562 : vector<16xi32>
      %max3A_564 = arith.constant 0 : i32
      %max3A_565 = vector.broadcast %max3A_564 : i32 to vector<16xi32>
      %max3A_566 = arith.maxsi %add3A_563, %max3A_565 : vector<16xi32>
      %min3A_567 = arith.constant 99 : i32
      %min3A_568 = vector.broadcast %min3A_567 : i32 to vector<16xi32>
      %min3A_569 = arith.minsi %max3A_566, %min3A_568 : vector<16xi32>
      %add3A_570 = arith.constant 128 : i32
      %add3A_571 = vector.broadcast %add3A_570 : i32 to vector<16xi32>
      %add3A_572 = arith.addi %min3A_569, %add3A_571 : vector<16xi32>
      %gather3A_573 = tpu.vector_load_idx %arg11[%add3A_572] : memref<256xf32, #tpu.memory_space<vmem>>[vector<16xi32>], vector<16xf32>,
      %add3A_574 = arith.constant 128 : i32
      %add3A_575 = vector.broadcast %add3A_574 : i32 to vector<16xi32>
      %add3A_576 = arith.addi %min3A_569, %add3A_575 : vector<16xi32>
      %add3A_577 = arith.constant 1 : i32
      %add3A_578 = vector.broadcast %add3A_577 : i32 to vector<16xi32>
      %add3A_579 = arith.addi %add3A_576, %add3A_578 : vector<16xi32>
      %gather3A_580 = tpu.vector_load_idx %arg11[%add3A_579] : memref<256xf32, #tpu.memory_space<vmem>>[vector<16xi32>], vector<16xf32>,
      %broadcast_in_dim3A_581 = arith.constant 1 : i32
      %broadcast_in_dim3A_582 = vector.broadcast %broadcast_in_dim3A_581 : i32 to vector<16xi32>
      %broadcast_in_dim3A_583 = arith.constant 0 : i32
      %broadcast_in_dim3A_584 = vector.broadcast %broadcast_in_dim3A_583 : i32 to vector<16xi32>
      %sub3A_585 = arith.constant 1 : i32
      %sub3A_586 = vector.broadcast %sub3A_585 : i32 to vector<16xi32>
      %sub3A_587 = arith.subi %min3A_569, %sub3A_586 : vector<16xi32>
      %ge3A_588 = arith.cmpf oge, %get3A_498, %gather3A_573 : vector<16xf32>
      %select_n3A_589 = arith.select %ge3A_588, %broadcast_in_dim3A_582, %broadcast_in_dim3A_584 : vector<16xi1>, vector<16xi32>
      %add3A_590 = arith.addi %sub3A_587, %select_n3A_589 : vector<16xi32>
      %ge3A_591 = arith.cmpf oge, %get3A_498, %gather3A_580 : vector<16xf32>
      %select_n3A_592 = arith.select %ge3A_591, %broadcast_in_dim3A_582, %broadcast_in_dim3A_584 : vector<16xi1>, vector<16xi32>
      %add3A_593 = arith.addi %add3A_590, %select_n3A_592 : vector<16xi32>
      %max3A_594 = arith.constant 0 : i32
      %max3A_595 = vector.broadcast %max3A_594 : i32 to vector<16xi32>
      %max3A_596 = arith.maxsi %add3A_593, %max3A_595 : vector<16xi32>
      %min3A_597 = arith.constant 99 : i32
      %min3A_598 = vector.broadcast %min3A_597 : i32 to vector<16xi32>
      %min3A_599 = arith.minsi %max3A_596, %min3A_598 : vector<16xi32>
      %shift_right_arithmetic3A = arith.constant 3 : i32
      %shift_right_arithmetic3A_600 = vector.broadcast %shift_right_arithmetic3A : i32 to vector<16xi32>
      %shift_right_arithmetic3A_601 = arith.shrsi %add3A_495, %shift_right_arithmetic3A_600 : vector<16xi32>
      %shift_left3A = arith.constant 4 : i32
      %shift_left3A_602 = vector.broadcast %shift_left3A : i32 to vector<16xi32>
      %shift_left3A_603 = arith.shli %shift_right_arithmetic3A_601, %shift_left3A_602 : vector<16xi32>
      %and3A = arith.constant 7 : i32
      %and3A_604 = vector.broadcast %and3A : i32 to vector<16xi32>
      %and3A_605 = arith.andi %add3A_495, %and3A_604 : vector<16xi32>
      %add3A_606 = arith.addi %shift_left3A_603, %and3A_605 : vector<16xi32>
      %shift_right_arithmetic3A_607 = arith.constant 7 : i32
      %shift_right_arithmetic3A_608 = vector.broadcast %shift_right_arithmetic3A_607 : i32 to vector<16xi32>
      %shift_right_arithmetic3A_609 = arith.shrsi %add3A_606, %shift_right_arithmetic3A_608 : vector<16xi32>
      %and3A_610 = arith.constant 127 : i32
      %and3A_611 = vector.broadcast %and3A_610 : i32 to vector<16xi32>
      %and3A_612 = arith.andi %add3A_606, %and3A_611 : vector<16xi32>
      tpu.vector_store_idx %arg12[%shift_right_arithmetic3A_609, %and3A_612], %min3A_547 : memref<8x128xi32, #tpu.memory_space<vmem>>[vector<16xi32>, vector<16xi32>], vector<16xi32>,
      %add3A_613 = arith.constant 8 : i32
      %add3A_614 = vector.broadcast %add3A_613 : i32 to vector<16xi32>
      %add3A_615 = arith.addi %add3A_606, %add3A_614 : vector<16xi32>
      %shift_right_arithmetic3A_616 = arith.constant 7 : i32
      %shift_right_arithmetic3A_617 = vector.broadcast %shift_right_arithmetic3A_616 : i32 to vector<16xi32>
      %shift_right_arithmetic3A_618 = arith.shrsi %add3A_615, %shift_right_arithmetic3A_617 : vector<16xi32>
      %add3A_619 = arith.constant 8 : i32
      %add3A_620 = vector.broadcast %add3A_619 : i32 to vector<16xi32>
      %add3A_621 = arith.addi %add3A_606, %add3A_620 : vector<16xi32>
      %and3A_622 = arith.constant 127 : i32
      %and3A_623 = vector.broadcast %and3A_622 : i32 to vector<16xi32>
      %and3A_624 = arith.andi %add3A_621, %and3A_623 : vector<16xi32>
      %add3A_625 = arith.constant 100 : i32
      %add3A_626 = vector.broadcast %add3A_625 : i32 to vector<16xi32>
      %add3A_627 = arith.addi %min3A_599, %add3A_626 : vector<16xi32>
      tpu.vector_store_idx %arg12[%shift_right_arithmetic3A_618, %and3A_624], %add3A_627 : memref<8x128xi32, #tpu.memory_space<vmem>>[vector<16xi32>, vector<16xi32>], vector<16xi32>,
    }
    %scan3A_294 = arith.constant 4 : i32
    %dma_wait3A_295 = arith.constant 2 : i32
    %dma_wait3A_296 = arith.constant 0 : i32
    %dma_wait3A_297 = arith.constant 0 : i32
    %dma_wait3A_298 = tpu.memref_slice %arg13[%dma_wait3A_295, %dma_wait3A_296, %dma_wait3A_297] : memref<4x128x128xf32, #tpu.memory_space<vmem>> -> memref<1x128x128xf32, #tpu.memory_space<vmem>>
    %dma_wait3A_299 = tpu.memref_squeeze %dma_wait3A_298 : memref<1x128x128xf32, #tpu.memory_space<vmem>> -> memref<128x128xf32, #tpu.memory_space<vmem>>
    %dma_wait3A_300 = arith.constant 0 : i32
    %dma_wait3A_301 = tpu.memref_slice %arg7[%add3A_158, %dma_wait3A_300] : memref<32768x128xf32, #tpu.memory_space<hbm>> -> memref<128x128xf32, #tpu.memory_space<hbm>>
    %dma_wait3A_302 = arith.constant 0 : i32
    %dma_wait3A_303 = tpu.memref_slice %arg7[%add3A_158, %dma_wait3A_302] : memref<32768x128xf32, #tpu.memory_space<hbm>> -> memref<128x128xf32, #tpu.memory_space<hbm>>
    %dma_wait3A_304 = arith.constant 0 : i32
    %dma_wait3A_305 = arith.constant 0 : i32
    %dma_wait3A_306 = tpu.memref_slice %arg13[%dma_wait3A_295, %dma_wait3A_304, %dma_wait3A_305] : memref<4x128x128xf32, #tpu.memory_space<vmem>> -> memref<1x128x128xf32, #tpu.memory_space<vmem>>
    %dma_wait3A_307 = tpu.memref_squeeze %dma_wait3A_306 : memref<1x128x128xf32, #tpu.memory_space<vmem>> -> memref<128x128xf32, #tpu.memory_space<vmem>>
    tpu.wait_dma2 semaphore(%arg16 : memref<!tpu.dma_semaphore, #tpu.memory_space<semaphore_mem>>) src(%dma_wait3A_307 : memref<128x128xf32, #tpu.memory_space<vmem>>) dst(%dma_wait3A_303 : memref<128x128xf32, #tpu.memory_space<hbm>>)
    %dma_start3A_308 = arith.constant 6 : i32
    %dma_start3A_309 = arith.constant 2 : i32
    %dma_start3A_310 = arith.constant 0 : i32
    %dma_start3A_311 = arith.constant 0 : i32
    %dma_start3A_312 = tpu.memref_slice %arg13[%dma_start3A_309, %dma_start3A_310, %dma_start3A_311] : memref<4x128x128xf32, #tpu.memory_space<vmem>> -> memref<1x128x128xf32, #tpu.memory_space<vmem>>
    %dma_start3A_313 = tpu.memref_squeeze %dma_start3A_312 : memref<1x128x128xf32, #tpu.memory_space<vmem>> -> memref<128x128xf32, #tpu.memory_space<vmem>>
    %dma_start3A_314 = arith.constant 0 : i32
    %dma_start3A_315 = tpu.memref_slice %arg12[%dma_start3A_308, %dma_start3A_314] : memref<8x128xi32, #tpu.memory_space<vmem>> -> memref<1x128xi32, #tpu.memory_space<vmem>>
    %dma_start3A_316 = tpu.memref_squeeze %dma_start3A_315 : memref<1x128xi32, #tpu.memory_space<vmem>> -> memref<128xi32, #tpu.memory_space<vmem>>
    %dma_start3A_317 = arith.constant 0 : i32
    %dma_start3A_318 = arith.constant 0 : i32
    %dma_start3A_319 = tpu.memref_slice %arg10[%dma_start3A_317, %dma_start3A_318] : memref<200x128xf32, #tpu.memory_space<vmem_shared>> -> memref<200x128xf32, #tpu.memory_space<vmem_shared>>
    tpu.enqueue_indirect_dma source(%dma_start3A_319 : memref<200x128xf32, #tpu.memory_space<vmem_shared>>) target(%dma_start3A_313 : memref<128x128xf32, #tpu.memory_space<vmem>>) offsets(%dma_start3A_316 : memref<128xi32, #tpu.memory_space<vmem>>) semaphore(%arg15 : memref<!tpu.dma_semaphore, #tpu.memory_space<semaphore_mem>>)
    %dma_wait3A_320 = arith.constant 5 : i32
    %dma_wait3A_321 = arith.constant 1 : i32
    %dma_wait3A_322 = arith.constant 0 : i32
    %dma_wait3A_323 = arith.constant 0 : i32
    %dma_wait3A_324 = tpu.memref_slice %arg13[%dma_wait3A_321, %dma_wait3A_322, %dma_wait3A_323] : memref<4x128x128xf32, #tpu.memory_space<vmem>> -> memref<1x128x128xf32, #tpu.memory_space<vmem>>
    %dma_wait3A_325 = tpu.memref_squeeze %dma_wait3A_324 : memref<1x128x128xf32, #tpu.memory_space<vmem>> -> memref<128x128xf32, #tpu.memory_space<vmem>>
    %dma_wait3A_326 = arith.constant 0 : i32
    %dma_wait3A_327 = tpu.memref_slice %arg12[%dma_wait3A_320, %dma_wait3A_326] : memref<8x128xi32, #tpu.memory_space<vmem>> -> memref<1x128xi32, #tpu.memory_space<vmem>>
    %dma_wait3A_328 = tpu.memref_squeeze %dma_wait3A_327 : memref<1x128xi32, #tpu.memory_space<vmem>> -> memref<128xi32, #tpu.memory_space<vmem>>
    %dma_wait3A_329 = arith.constant 0 : i32
    %dma_wait3A_330 = arith.constant 0 : i32
    %dma_wait3A_331 = tpu.memref_slice %arg10[%dma_wait3A_329, %dma_wait3A_330] : memref<200x128xf32, #tpu.memory_space<vmem_shared>> -> memref<200x128xf32, #tpu.memory_space<vmem_shared>>
    tpu.wait_indirect_dma semaphore(%arg15 : memref<!tpu.dma_semaphore, #tpu.memory_space<semaphore_mem>>) src(%dma_wait3A_331 : memref<200x128xf32, #tpu.memory_space<vmem_shared>>) dst(%dma_wait3A_325 : memref<128x128xf32, #tpu.memory_space<vmem>>)
    %mul3A_332 = arith.constant 1024 : i32
    %mul3A_333 = arith.muli %add3A, %mul3A_332 : i32
    %add3A_334 = arith.constant 640 : i32
    %add3A_335 = arith.addi %mul3A_333, %add3A_334 : i32
    %dma_start3A_336 = arith.constant 1 : i32
    %dma_start3A_337 = arith.constant 0 : i32
    %dma_start3A_338 = arith.constant 0 : i32
    %dma_start3A_339 = tpu.memref_slice %arg13[%dma_start3A_336, %dma_start3A_337, %dma_start3A_338] : memref<4x128x128xf32, #tpu.memory_space<vmem>> -> memref<1x128x128xf32, #tpu.memory_space<vmem>>
    %dma_start3A_340 = tpu.memref_squeeze %dma_start3A_339 : memref<1x128x128xf32, #tpu.memory_space<vmem>> -> memref<128x128xf32, #tpu.memory_space<vmem>>
    %dma_start3A_341 = arith.constant 0 : i32
    %dma_start3A_342 = tpu.memref_slice %arg7[%add3A_335, %dma_start3A_341] : memref<32768x128xf32, #tpu.memory_space<hbm>> -> memref<128x128xf32, #tpu.memory_space<hbm>>
    %dma_start3A_343 = arith.constant 0 : i32
    %dma_start3A_344 = tpu.memref_slice %arg7[%add3A_335, %dma_start3A_343] : memref<32768x128xf32, #tpu.memory_space<hbm>> -> memref<128x128xf32, #tpu.memory_space<hbm>>
    %dma_start3A_345 = arith.constant 0 : i32
    %dma_start3A_346 = arith.constant 0 : i32
    %dma_start3A_347 = tpu.memref_slice %arg13[%dma_start3A_336, %dma_start3A_345, %dma_start3A_346] : memref<4x128x128xf32, #tpu.memory_space<vmem>> -> memref<1x128x128xf32, #tpu.memory_space<vmem>>
    %dma_start3A_348 = tpu.memref_squeeze %dma_start3A_347 : memref<1x128x128xf32, #tpu.memory_space<vmem>> -> memref<128x128xf32, #tpu.memory_space<vmem>>
    tpu.enqueue_dma source(%dma_start3A_348 : memref<128x128xf32, #tpu.memory_space<vmem>>) target(%dma_start3A_344 : memref<128x128xf32, #tpu.memory_space<hbm>>) target_semaphore(%arg16 : memref<!tpu.dma_semaphore, #tpu.memory_space<semaphore_mem>>)
    %scan3A_349 = arith.constant 0 : i32
    %scan3A_350 = arith.constant 4 : i32
    %scan3A_351 = arith.addi %scan3A_349, %scan3A_350 : i32
    %scan3A_352 = arith.constant 1 : i32
    scf.for %scan3A_489 = %scan3A_349 to %scan3A_351 step %scan3A_352  : i32 {
      %add3A_490 = arith.constant 28 : i32
      %add3A_491 = arith.addi %add3A_490, %scan3A_489 : i32
      %mul3A_492 = arith.constant 16 : i32
      %mul3A_493 = arith.muli %mul3A_492, %add3A_491 : i32
      %add3A_494 = vector.broadcast %mul3A_493 : i32 to vector<16xi32>
      %add3A_495 = arith.addi %add3A_494, %iota3A : vector<16xi32>
      %mul3A_496 = arith.constant 16 : i32
      %mul3A_497 = arith.muli %mul3A_496, %add3A_491 : i32
      %get3A = arith.index_cast %mul3A_497 : i32 to index
      %get3A_498 = tpu.vector_load %arg8[%get3A] {strides = array<i32>} : memref<512xf32, #tpu.memory_space<vmem>>, vector<16xf32>,
      %mul3A_499 = arith.constant 16 : i32
      %mul3A_500 = arith.muli %mul3A_499, %add3A_491 : i32
      %get3A_501 = arith.index_cast %mul3A_500 : i32 to index
      %get3A_502 = tpu.vector_load %arg9[%get3A_501] {strides = array<i32>} : memref<512xf32, #tpu.memory_space<vmem>>, vector<16xf32>,
      %sub3A = arith.constant -1.047400e+01 : f32
      %sub3A_503 = vector.broadcast %sub3A : f32 to vector<16xf32>
      %sub3A_504 = arith.subf %get3A_502, %sub3A_503 : vector<16xf32>
      %mul3A_505 = arith.constant 2.33000469 : f32
      %mul3A_506 = vector.broadcast %mul3A_505 : f32 to vector<16xf32>
      %mul3A_507 = arith.mulf %sub3A_504, %mul3A_506 : vector<16xf32>
      %max3A = arith.constant -1.000000e+00 : f32
      %max3A_508 = vector.broadcast %max3A : f32 to vector<16xf32>
      %max3A_509 = arith.maximumf %mul3A_507, %max3A_508 : vector<16xf32>
      %min3A = arith.constant 1.000000e+02 : f32
      %min3A_510 = vector.broadcast %min3A : f32 to vector<16xf32>
      %min3A_511 = arith.minimumf %max3A_509, %min3A_510 : vector<16xf32>
      %convert_element_type3A_512 = arith.fptosi %min3A_511 : vector<16xf32> to vector<16xi32>
      %add3A_513 = arith.constant 1 : i32
      %add3A_514 = vector.broadcast %add3A_513 : i32 to vector<16xi32>
      %add3A_515 = arith.addi %convert_element_type3A_512, %add3A_514 : vector<16xi32>
      %max3A_516 = arith.constant 0 : i32
      %max3A_517 = vector.broadcast %max3A_516 : i32 to vector<16xi32>
      %max3A_518 = arith.maxsi %add3A_515, %max3A_517 : vector<16xi32>
      %min3A_519 = arith.constant 99 : i32
      %min3A_520 = vector.broadcast %min3A_519 : i32 to vector<16xi32>
      %min3A_521 = arith.minsi %max3A_518, %min3A_520 : vector<16xi32>
      %add3A_522 = arith.constant 0 : i32
      %add3A_523 = vector.broadcast %add3A_522 : i32 to vector<16xi32>
      %add3A_524 = arith.addi %min3A_521, %add3A_523 : vector<16xi32>
      %gather3A = tpu.vector_load_idx %arg11[%add3A_524] : memref<256xf32, #tpu.memory_space<vmem>>[vector<16xi32>], vector<16xf32>,
      %add3A_525 = arith.constant 0 : i32
      %add3A_526 = vector.broadcast %add3A_525 : i32 to vector<16xi32>
      %add3A_527 = arith.addi %min3A_521, %add3A_526 : vector<16xi32>
      %add3A_528 = arith.constant 1 : i32
      %add3A_529 = vector.broadcast %add3A_528 : i32 to vector<16xi32>
      %add3A_530 = arith.addi %add3A_527, %add3A_529 : vector<16xi32>
      %gather3A_531 = tpu.vector_load_idx %arg11[%add3A_530] : memref<256xf32, #tpu.memory_space<vmem>>[vector<16xi32>], vector<16xf32>,
      %broadcast_in_dim3A = arith.constant 1 : i32
      %broadcast_in_dim3A_532 = vector.broadcast %broadcast_in_dim3A : i32 to vector<16xi32>
      %broadcast_in_dim3A_533 = arith.constant 0 : i32
      %broadcast_in_dim3A_534 = vector.broadcast %broadcast_in_dim3A_533 : i32 to vector<16xi32>
      %sub3A_535 = arith.constant 1 : i32
      %sub3A_536 = vector.broadcast %sub3A_535 : i32 to vector<16xi32>
      %sub3A_537 = arith.subi %min3A_521, %sub3A_536 : vector<16xi32>
      %ge3A = arith.cmpf oge, %get3A_502, %gather3A : vector<16xf32>
      %select_n3A = arith.select %ge3A, %broadcast_in_dim3A_532, %broadcast_in_dim3A_534 : vector<16xi1>, vector<16xi32>
      %add3A_538 = arith.addi %sub3A_537, %select_n3A : vector<16xi32>
      %ge3A_539 = arith.cmpf oge, %get3A_502, %gather3A_531 : vector<16xf32>
      %select_n3A_540 = arith.select %ge3A_539, %broadcast_in_dim3A_532, %broadcast_in_dim3A_534 : vector<16xi1>, vector<16xi32>
      %add3A_541 = arith.addi %add3A_538, %select_n3A_540 : vector<16xi32>
      %max3A_542 = arith.constant 0 : i32
      %max3A_543 = vector.broadcast %max3A_542 : i32 to vector<16xi32>
      %max3A_544 = arith.maxsi %add3A_541, %max3A_543 : vector<16xi32>
      %min3A_545 = arith.constant 99 : i32
      %min3A_546 = vector.broadcast %min3A_545 : i32 to vector<16xi32>
      %min3A_547 = arith.minsi %max3A_544, %min3A_546 : vector<16xi32>
      %sub3A_548 = arith.constant 3.683800e+01 : f32
      %sub3A_549 = vector.broadcast %sub3A_548 : f32 to vector<16xf32>
      %sub3A_550 = arith.subf %get3A_498, %sub3A_549 : vector<16xf32>
      %mul3A_551 = arith.constant 2.94701385 : f32
      %mul3A_552 = vector.broadcast %mul3A_551 : f32 to vector<16xf32>
      %mul3A_553 = arith.mulf %sub3A_550, %mul3A_552 : vector<16xf32>
      %max3A_554 = arith.constant -1.000000e+00 : f32
      %max3A_555 = vector.broadcast %max3A_554 : f32 to vector<16xf32>
      %max3A_556 = arith.maximumf %mul3A_553, %max3A_555 : vector<16xf32>
      %min3A_557 = arith.constant 1.000000e+02 : f32
      %min3A_558 = vector.broadcast %min3A_557 : f32 to vector<16xf32>
      %min3A_559 = arith.minimumf %max3A_556, %min3A_558 : vector<16xf32>
      %convert_element_type3A_560 = arith.fptosi %min3A_559 : vector<16xf32> to vector<16xi32>
      %add3A_561 = arith.constant 1 : i32
      %add3A_562 = vector.broadcast %add3A_561 : i32 to vector<16xi32>
      %add3A_563 = arith.addi %convert_element_type3A_560, %add3A_562 : vector<16xi32>
      %max3A_564 = arith.constant 0 : i32
      %max3A_565 = vector.broadcast %max3A_564 : i32 to vector<16xi32>
      %max3A_566 = arith.maxsi %add3A_563, %max3A_565 : vector<16xi32>
      %min3A_567 = arith.constant 99 : i32
      %min3A_568 = vector.broadcast %min3A_567 : i32 to vector<16xi32>
      %min3A_569 = arith.minsi %max3A_566, %min3A_568 : vector<16xi32>
      %add3A_570 = arith.constant 128 : i32
      %add3A_571 = vector.broadcast %add3A_570 : i32 to vector<16xi32>
      %add3A_572 = arith.addi %min3A_569, %add3A_571 : vector<16xi32>
      %gather3A_573 = tpu.vector_load_idx %arg11[%add3A_572] : memref<256xf32, #tpu.memory_space<vmem>>[vector<16xi32>], vector<16xf32>,
      %add3A_574 = arith.constant 128 : i32
      %add3A_575 = vector.broadcast %add3A_574 : i32 to vector<16xi32>
      %add3A_576 = arith.addi %min3A_569, %add3A_575 : vector<16xi32>
      %add3A_577 = arith.constant 1 : i32
      %add3A_578 = vector.broadcast %add3A_577 : i32 to vector<16xi32>
      %add3A_579 = arith.addi %add3A_576, %add3A_578 : vector<16xi32>
      %gather3A_580 = tpu.vector_load_idx %arg11[%add3A_579] : memref<256xf32, #tpu.memory_space<vmem>>[vector<16xi32>], vector<16xf32>,
      %broadcast_in_dim3A_581 = arith.constant 1 : i32
      %broadcast_in_dim3A_582 = vector.broadcast %broadcast_in_dim3A_581 : i32 to vector<16xi32>
      %broadcast_in_dim3A_583 = arith.constant 0 : i32
      %broadcast_in_dim3A_584 = vector.broadcast %broadcast_in_dim3A_583 : i32 to vector<16xi32>
      %sub3A_585 = arith.constant 1 : i32
      %sub3A_586 = vector.broadcast %sub3A_585 : i32 to vector<16xi32>
      %sub3A_587 = arith.subi %min3A_569, %sub3A_586 : vector<16xi32>
      %ge3A_588 = arith.cmpf oge, %get3A_498, %gather3A_573 : vector<16xf32>
      %select_n3A_589 = arith.select %ge3A_588, %broadcast_in_dim3A_582, %broadcast_in_dim3A_584 : vector<16xi1>, vector<16xi32>
      %add3A_590 = arith.addi %sub3A_587, %select_n3A_589 : vector<16xi32>
      %ge3A_591 = arith.cmpf oge, %get3A_498, %gather3A_580 : vector<16xf32>
      %select_n3A_592 = arith.select %ge3A_591, %broadcast_in_dim3A_582, %broadcast_in_dim3A_584 : vector<16xi1>, vector<16xi32>
      %add3A_593 = arith.addi %add3A_590, %select_n3A_592 : vector<16xi32>
      %max3A_594 = arith.constant 0 : i32
      %max3A_595 = vector.broadcast %max3A_594 : i32 to vector<16xi32>
      %max3A_596 = arith.maxsi %add3A_593, %max3A_595 : vector<16xi32>
      %min3A_597 = arith.constant 99 : i32
      %min3A_598 = vector.broadcast %min3A_597 : i32 to vector<16xi32>
      %min3A_599 = arith.minsi %max3A_596, %min3A_598 : vector<16xi32>
      %shift_right_arithmetic3A = arith.constant 3 : i32
      %shift_right_arithmetic3A_600 = vector.broadcast %shift_right_arithmetic3A : i32 to vector<16xi32>
      %shift_right_arithmetic3A_601 = arith.shrsi %add3A_495, %shift_right_arithmetic3A_600 : vector<16xi32>
      %shift_left3A = arith.constant 4 : i32
      %shift_left3A_602 = vector.broadcast %shift_left3A : i32 to vector<16xi32>
      %shift_left3A_603 = arith.shli %shift_right_arithmetic3A_601, %shift_left3A_602 : vector<16xi32>
      %and3A = arith.constant 7 : i32
      %and3A_604 = vector.broadcast %and3A : i32 to vector<16xi32>
      %and3A_605 = arith.andi %add3A_495, %and3A_604 : vector<16xi32>
      %add3A_606 = arith.addi %shift_left3A_603, %and3A_605 : vector<16xi32>
      %shift_right_arithmetic3A_607 = arith.constant 7 : i32
      %shift_right_arithmetic3A_608 = vector.broadcast %shift_right_arithmetic3A_607 : i32 to vector<16xi32>
      %shift_right_arithmetic3A_609 = arith.shrsi %add3A_606, %shift_right_arithmetic3A_608 : vector<16xi32>
      %and3A_610 = arith.constant 127 : i32
      %and3A_611 = vector.broadcast %and3A_610 : i32 to vector<16xi32>
      %and3A_612 = arith.andi %add3A_606, %and3A_611 : vector<16xi32>
      tpu.vector_store_idx %arg12[%shift_right_arithmetic3A_609, %and3A_612], %min3A_547 : memref<8x128xi32, #tpu.memory_space<vmem>>[vector<16xi32>, vector<16xi32>], vector<16xi32>,
      %add3A_613 = arith.constant 8 : i32
      %add3A_614 = vector.broadcast %add3A_613 : i32 to vector<16xi32>
      %add3A_615 = arith.addi %add3A_606, %add3A_614 : vector<16xi32>
      %shift_right_arithmetic3A_616 = arith.constant 7 : i32
      %shift_right_arithmetic3A_617 = vector.broadcast %shift_right_arithmetic3A_616 : i32 to vector<16xi32>
      %shift_right_arithmetic3A_618 = arith.shrsi %add3A_615, %shift_right_arithmetic3A_617 : vector<16xi32>
      %add3A_619 = arith.constant 8 : i32
      %add3A_620 = vector.broadcast %add3A_619 : i32 to vector<16xi32>
      %add3A_621 = arith.addi %add3A_606, %add3A_620 : vector<16xi32>
      %and3A_622 = arith.constant 127 : i32
      %and3A_623 = vector.broadcast %and3A_622 : i32 to vector<16xi32>
      %and3A_624 = arith.andi %add3A_621, %and3A_623 : vector<16xi32>
      %add3A_625 = arith.constant 100 : i32
      %add3A_626 = vector.broadcast %add3A_625 : i32 to vector<16xi32>
      %add3A_627 = arith.addi %min3A_599, %add3A_626 : vector<16xi32>
      tpu.vector_store_idx %arg12[%shift_right_arithmetic3A_618, %and3A_624], %add3A_627 : memref<8x128xi32, #tpu.memory_space<vmem>>[vector<16xi32>, vector<16xi32>], vector<16xi32>,
    }
    %scan3A_353 = arith.constant 4 : i32
    %dma_wait3A_354 = arith.constant 3 : i32
    %dma_wait3A_355 = arith.constant 0 : i32
    %dma_wait3A_356 = arith.constant 0 : i32
    %dma_wait3A_357 = tpu.memref_slice %arg13[%dma_wait3A_354, %dma_wait3A_355, %dma_wait3A_356] : memref<4x128x128xf32, #tpu.memory_space<vmem>> -> memref<1x128x128xf32, #tpu.memory_space<vmem>>
    %dma_wait3A_358 = tpu.memref_squeeze %dma_wait3A_357 : memref<1x128x128xf32, #tpu.memory_space<vmem>> -> memref<128x128xf32, #tpu.memory_space<vmem>>
    %dma_wait3A_359 = arith.constant 0 : i32
    %dma_wait3A_360 = tpu.memref_slice %arg7[%add3A_217, %dma_wait3A_359] : memref<32768x128xf32, #tpu.memory_space<hbm>> -> memref<128x128xf32, #tpu.memory_space<hbm>>
    %dma_wait3A_361 = arith.constant 0 : i32
    %dma_wait3A_362 = tpu.memref_slice %arg7[%add3A_217, %dma_wait3A_361] : memref<32768x128xf32, #tpu.memory_space<hbm>> -> memref<128x128xf32, #tpu.memory_space<hbm>>
    %dma_wait3A_363 = arith.constant 0 : i32
    %dma_wait3A_364 = arith.constant 0 : i32
    %dma_wait3A_365 = tpu.memref_slice %arg13[%dma_wait3A_354, %dma_wait3A_363, %dma_wait3A_364] : memref<4x128x128xf32, #tpu.memory_space<vmem>> -> memref<1x128x128xf32, #tpu.memory_space<vmem>>
    %dma_wait3A_366 = tpu.memref_squeeze %dma_wait3A_365 : memref<1x128x128xf32, #tpu.memory_space<vmem>> -> memref<128x128xf32, #tpu.memory_space<vmem>>
    tpu.wait_dma2 semaphore(%arg16 : memref<!tpu.dma_semaphore, #tpu.memory_space<semaphore_mem>>) src(%dma_wait3A_366 : memref<128x128xf32, #tpu.memory_space<vmem>>) dst(%dma_wait3A_362 : memref<128x128xf32, #tpu.memory_space<hbm>>)
    %dma_start3A_367 = arith.constant 7 : i32
    %dma_start3A_368 = arith.constant 3 : i32
    %dma_start3A_369 = arith.constant 0 : i32
    %dma_start3A_370 = arith.constant 0 : i32
    %dma_start3A_371 = tpu.memref_slice %arg13[%dma_start3A_368, %dma_start3A_369, %dma_start3A_370] : memref<4x128x128xf32, #tpu.memory_space<vmem>> -> memref<1x128x128xf32, #tpu.memory_space<vmem>>
    %dma_start3A_372 = tpu.memref_squeeze %dma_start3A_371 : memref<1x128x128xf32, #tpu.memory_space<vmem>> -> memref<128x128xf32, #tpu.memory_space<vmem>>
    %dma_start3A_373 = arith.constant 0 : i32
    %dma_start3A_374 = tpu.memref_slice %arg12[%dma_start3A_367, %dma_start3A_373] : memref<8x128xi32, #tpu.memory_space<vmem>> -> memref<1x128xi32, #tpu.memory_space<vmem>>
    %dma_start3A_375 = tpu.memref_squeeze %dma_start3A_374 : memref<1x128xi32, #tpu.memory_space<vmem>> -> memref<128xi32, #tpu.memory_space<vmem>>
    %dma_start3A_376 = arith.constant 0 : i32
    %dma_start3A_377 = arith.constant 0 : i32
    %dma_start3A_378 = tpu.memref_slice %arg10[%dma_start3A_376, %dma_start3A_377] : memref<200x128xf32, #tpu.memory_space<vmem_shared>> -> memref<200x128xf32, #tpu.memory_space<vmem_shared>>
    tpu.enqueue_indirect_dma source(%dma_start3A_378 : memref<200x128xf32, #tpu.memory_space<vmem_shared>>) target(%dma_start3A_372 : memref<128x128xf32, #tpu.memory_space<vmem>>) offsets(%dma_start3A_375 : memref<128xi32, #tpu.memory_space<vmem>>) semaphore(%arg15 : memref<!tpu.dma_semaphore, #tpu.memory_space<semaphore_mem>>)
    %dma_wait3A_379 = arith.constant 6 : i32
    %dma_wait3A_380 = arith.constant 2 : i32
    %dma_wait3A_381 = arith.constant 0 : i32
    %dma_wait3A_382 = arith.constant 0 : i32
    %dma_wait3A_383 = tpu.memref_slice %arg13[%dma_wait3A_380, %dma_wait3A_381, %dma_wait3A_382] : memref<4x128x128xf32, #tpu.memory_space<vmem>> -> memref<1x128x128xf32, #tpu.memory_space<vmem>>
    %dma_wait3A_384 = tpu.memref_squeeze %dma_wait3A_383 : memref<1x128x128xf32, #tpu.memory_space<vmem>> -> memref<128x128xf32, #tpu.memory_space<vmem>>
    %dma_wait3A_385 = arith.constant 0 : i32
    %dma_wait3A_386 = tpu.memref_slice %arg12[%dma_wait3A_379, %dma_wait3A_385] : memref<8x128xi32, #tpu.memory_space<vmem>> -> memref<1x128xi32, #tpu.memory_space<vmem>>
    %dma_wait3A_387 = tpu.memref_squeeze %dma_wait3A_386 : memref<1x128xi32, #tpu.memory_space<vmem>> -> memref<128xi32, #tpu.memory_space<vmem>>
    %dma_wait3A_388 = arith.constant 0 : i32
    %dma_wait3A_389 = arith.constant 0 : i32
    %dma_wait3A_390 = tpu.memref_slice %arg10[%dma_wait3A_388, %dma_wait3A_389] : memref<200x128xf32, #tpu.memory_space<vmem_shared>> -> memref<200x128xf32, #tpu.memory_space<vmem_shared>>
    tpu.wait_indirect_dma semaphore(%arg15 : memref<!tpu.dma_semaphore, #tpu.memory_space<semaphore_mem>>) src(%dma_wait3A_390 : memref<200x128xf32, #tpu.memory_space<vmem_shared>>) dst(%dma_wait3A_384 : memref<128x128xf32, #tpu.memory_space<vmem>>)
    %mul3A_391 = arith.constant 1024 : i32
    %mul3A_392 = arith.muli %add3A, %mul3A_391 : i32
    %add3A_393 = arith.constant 768 : i32
    %add3A_394 = arith.addi %mul3A_392, %add3A_393 : i32
    %dma_start3A_395 = arith.constant 2 : i32
    %dma_start3A_396 = arith.constant 0 : i32
    %dma_start3A_397 = arith.constant 0 : i32
    %dma_start3A_398 = tpu.memref_slice %arg13[%dma_start3A_395, %dma_start3A_396, %dma_start3A_397] : memref<4x128x128xf32, #tpu.memory_space<vmem>> -> memref<1x128x128xf32, #tpu.memory_space<vmem>>
    %dma_start3A_399 = tpu.memref_squeeze %dma_start3A_398 : memref<1x128x128xf32, #tpu.memory_space<vmem>> -> memref<128x128xf32, #tpu.memory_space<vmem>>
    %dma_start3A_400 = arith.constant 0 : i32
    %dma_start3A_401 = tpu.memref_slice %arg7[%add3A_394, %dma_start3A_400] : memref<32768x128xf32, #tpu.memory_space<hbm>> -> memref<128x128xf32, #tpu.memory_space<hbm>>
    %dma_start3A_402 = arith.constant 0 : i32
    %dma_start3A_403 = tpu.memref_slice %arg7[%add3A_394, %dma_start3A_402] : memref<32768x128xf32, #tpu.memory_space<hbm>> -> memref<128x128xf32, #tpu.memory_space<hbm>>
    %dma_start3A_404 = arith.constant 0 : i32
    %dma_start3A_405 = arith.constant 0 : i32
    %dma_start3A_406 = tpu.memref_slice %arg13[%dma_start3A_395, %dma_start3A_404, %dma_start3A_405] : memref<4x128x128xf32, #tpu.memory_space<vmem>> -> memref<1x128x128xf32, #tpu.memory_space<vmem>>
    %dma_start3A_407 = tpu.memref_squeeze %dma_start3A_406 : memref<1x128x128xf32, #tpu.memory_space<vmem>> -> memref<128x128xf32, #tpu.memory_space<vmem>>
    tpu.enqueue_dma source(%dma_start3A_407 : memref<128x128xf32, #tpu.memory_space<vmem>>) target(%dma_start3A_403 : memref<128x128xf32, #tpu.memory_space<hbm>>) target_semaphore(%arg16 : memref<!tpu.dma_semaphore, #tpu.memory_space<semaphore_mem>>)
    %dma_wait3A_408 = arith.constant 7 : i32
    %dma_wait3A_409 = arith.constant 3 : i32
    %dma_wait3A_410 = arith.constant 0 : i32
    %dma_wait3A_411 = arith.constant 0 : i32
    %dma_wait3A_412 = tpu.memref_slice %arg13[%dma_wait3A_409, %dma_wait3A_410, %dma_wait3A_411] : memref<4x128x128xf32, #tpu.memory_space<vmem>> -> memref<1x128x128xf32, #tpu.memory_space<vmem>>
    %dma_wait3A_413 = tpu.memref_squeeze %dma_wait3A_412 : memref<1x128x128xf32, #tpu.memory_space<vmem>> -> memref<128x128xf32, #tpu.memory_space<vmem>>
    %dma_wait3A_414 = arith.constant 0 : i32
    %dma_wait3A_415 = tpu.memref_slice %arg12[%dma_wait3A_408, %dma_wait3A_414] : memref<8x128xi32, #tpu.memory_space<vmem>> -> memref<1x128xi32, #tpu.memory_space<vmem>>
    %dma_wait3A_416 = tpu.memref_squeeze %dma_wait3A_415 : memref<1x128xi32, #tpu.memory_space<vmem>> -> memref<128xi32, #tpu.memory_space<vmem>>
    %dma_wait3A_417 = arith.constant 0 : i32
    %dma_wait3A_418 = arith.constant 0 : i32
    %dma_wait3A_419 = tpu.memref_slice %arg10[%dma_wait3A_417, %dma_wait3A_418] : memref<200x128xf32, #tpu.memory_space<vmem_shared>> -> memref<200x128xf32, #tpu.memory_space<vmem_shared>>
    tpu.wait_indirect_dma semaphore(%arg15 : memref<!tpu.dma_semaphore, #tpu.memory_space<semaphore_mem>>) src(%dma_wait3A_419 : memref<200x128xf32, #tpu.memory_space<vmem_shared>>) dst(%dma_wait3A_413 : memref<128x128xf32, #tpu.memory_space<vmem>>)
    %mul3A_420 = arith.constant 1024 : i32
    %mul3A_421 = arith.muli %add3A, %mul3A_420 : i32
    %add3A_422 = arith.constant 896 : i32
    %add3A_423 = arith.addi %mul3A_421, %add3A_422 : i32
    %dma_start3A_424 = arith.constant 3 : i32
    %dma_start3A_425 = arith.constant 0 : i32
    %dma_start3A_426 = arith.constant 0 : i32
    %dma_start3A_427 = tpu.memref_slice %arg13[%dma_start3A_424, %dma_start3A_425, %dma_start3A_426] : memref<4x128x128xf32, #tpu.memory_space<vmem>> -> memref<1x128x128xf32, #tpu.memory_space<vmem>>
    %dma_start3A_428 = tpu.memref_squeeze %dma_start3A_427 : memref<1x128x128xf32, #tpu.memory_space<vmem>> -> memref<128x128xf32, #tpu.memory_space<vmem>>
    %dma_start3A_429 = arith.constant 0 : i32
    %dma_start3A_430 = tpu.memref_slice %arg7[%add3A_423, %dma_start3A_429] : memref<32768x128xf32, #tpu.memory_space<hbm>> -> memref<128x128xf32, #tpu.memory_space<hbm>>
    %dma_start3A_431 = arith.constant 0 : i32
    %dma_start3A_432 = tpu.memref_slice %arg7[%add3A_423, %dma_start3A_431] : memref<32768x128xf32, #tpu.memory_space<hbm>> -> memref<128x128xf32, #tpu.memory_space<hbm>>
    %dma_start3A_433 = arith.constant 0 : i32
    %dma_start3A_434 = arith.constant 0 : i32
    %dma_start3A_435 = tpu.memref_slice %arg13[%dma_start3A_424, %dma_start3A_433, %dma_start3A_434] : memref<4x128x128xf32, #tpu.memory_space<vmem>> -> memref<1x128x128xf32, #tpu.memory_space<vmem>>
    %dma_start3A_436 = tpu.memref_squeeze %dma_start3A_435 : memref<1x128x128xf32, #tpu.memory_space<vmem>> -> memref<128x128xf32, #tpu.memory_space<vmem>>
    tpu.enqueue_dma source(%dma_start3A_436 : memref<128x128xf32, #tpu.memory_space<vmem>>) target(%dma_start3A_432 : memref<128x128xf32, #tpu.memory_space<hbm>>) target_semaphore(%arg16 : memref<!tpu.dma_semaphore, #tpu.memory_space<semaphore_mem>>)
    %dma_wait3A_437 = arith.constant 0 : i32
    %dma_wait3A_438 = arith.constant 0 : i32
    %dma_wait3A_439 = arith.constant 0 : i32
    %dma_wait3A_440 = tpu.memref_slice %arg13[%dma_wait3A_437, %dma_wait3A_438, %dma_wait3A_439] : memref<4x128x128xf32, #tpu.memory_space<vmem>> -> memref<1x128x128xf32, #tpu.memory_space<vmem>>
    %dma_wait3A_441 = tpu.memref_squeeze %dma_wait3A_440 : memref<1x128x128xf32, #tpu.memory_space<vmem>> -> memref<128x128xf32, #tpu.memory_space<vmem>>
    %dma_wait3A_442 = arith.constant 0 : i32
    %dma_wait3A_443 = tpu.memref_slice %arg7[%add3A_276, %dma_wait3A_442] : memref<32768x128xf32, #tpu.memory_space<hbm>> -> memref<128x128xf32, #tpu.memory_space<hbm>>
    %dma_wait3A_444 = arith.constant 0 : i32
    %dma_wait3A_445 = tpu.memref_slice %arg7[%add3A_276, %dma_wait3A_444] : memref<32768x128xf32, #tpu.memory_space<hbm>> -> memref<128x128xf32, #tpu.memory_space<hbm>>
    %dma_wait3A_446 = arith.constant 0 : i32
    %dma_wait3A_447 = arith.constant 0 : i32
    %dma_wait3A_448 = tpu.memref_slice %arg13[%dma_wait3A_437, %dma_wait3A_446, %dma_wait3A_447] : memref<4x128x128xf32, #tpu.memory_space<vmem>> -> memref<1x128x128xf32, #tpu.memory_space<vmem>>
    %dma_wait3A_449 = tpu.memref_squeeze %dma_wait3A_448 : memref<1x128x128xf32, #tpu.memory_space<vmem>> -> memref<128x128xf32, #tpu.memory_space<vmem>>
    tpu.wait_dma2 semaphore(%arg16 : memref<!tpu.dma_semaphore, #tpu.memory_space<semaphore_mem>>) src(%dma_wait3A_449 : memref<128x128xf32, #tpu.memory_space<vmem>>) dst(%dma_wait3A_445 : memref<128x128xf32, #tpu.memory_space<hbm>>)
    %dma_wait3A_450 = arith.constant 1 : i32
    %dma_wait3A_451 = arith.constant 0 : i32
    %dma_wait3A_452 = arith.constant 0 : i32
    %dma_wait3A_453 = tpu.memref_slice %arg13[%dma_wait3A_450, %dma_wait3A_451, %dma_wait3A_452] : memref<4x128x128xf32, #tpu.memory_space<vmem>> -> memref<1x128x128xf32, #tpu.memory_space<vmem>>
    %dma_wait3A_454 = tpu.memref_squeeze %dma_wait3A_453 : memref<1x128x128xf32, #tpu.memory_space<vmem>> -> memref<128x128xf32, #tpu.memory_space<vmem>>
    %dma_wait3A_455 = arith.constant 0 : i32
    %dma_wait3A_456 = tpu.memref_slice %arg7[%add3A_335, %dma_wait3A_455] : memref<32768x128xf32, #tpu.memory_space<hbm>> -> memref<128x128xf32, #tpu.memory_space<hbm>>
    %dma_wait3A_457 = arith.constant 0 : i32
    %dma_wait3A_458 = tpu.memref_slice %arg7[%add3A_335, %dma_wait3A_457] : memref<32768x128xf32, #tpu.memory_space<hbm>> -> memref<128x128xf32, #tpu.memory_space<hbm>>
    %dma_wait3A_459 = arith.constant 0 : i32
    %dma_wait3A_460 = arith.constant 0 : i32
    %dma_wait3A_461 = tpu.memref_slice %arg13[%dma_wait3A_450, %dma_wait3A_459, %dma_wait3A_460] : memref<4x128x128xf32, #tpu.memory_space<vmem>> -> memref<1x128x128xf32, #tpu.memory_space<vmem>>
    %dma_wait3A_462 = tpu.memref_squeeze %dma_wait3A_461 : memref<1x128x128xf32, #tpu.memory_space<vmem>> -> memref<128x128xf32, #tpu.memory_space<vmem>>
    tpu.wait_dma2 semaphore(%arg16 : memref<!tpu.dma_semaphore, #tpu.memory_space<semaphore_mem>>) src(%dma_wait3A_462 : memref<128x128xf32, #tpu.memory_space<vmem>>) dst(%dma_wait3A_458 : memref<128x128xf32, #tpu.memory_space<hbm>>)
    %dma_wait3A_463 = arith.constant 2 : i32
    %dma_wait3A_464 = arith.constant 0 : i32
    %dma_wait3A_465 = arith.constant 0 : i32
    %dma_wait3A_466 = tpu.memref_slice %arg13[%dma_wait3A_463, %dma_wait3A_464, %dma_wait3A_465] : memref<4x128x128xf32, #tpu.memory_space<vmem>> -> memref<1x128x128xf32, #tpu.memory_space<vmem>>
    %dma_wait3A_467 = tpu.memref_squeeze %dma_wait3A_466 : memref<1x128x128xf32, #tpu.memory_space<vmem>> -> memref<128x128xf32, #tpu.memory_space<vmem>>
    %dma_wait3A_468 = arith.constant 0 : i32
    %dma_wait3A_469 = tpu.memref_slice %arg7[%add3A_394, %dma_wait3A_468] : memref<32768x128xf32, #tpu.memory_space<hbm>> -> memref<128x128xf32, #tpu.memory_space<hbm>>
    %dma_wait3A_470 = arith.constant 0 : i32
    %dma_wait3A_471 = tpu.memref_slice %arg7[%add3A_394, %dma_wait3A_470] : memref<32768x128xf32, #tpu.memory_space<hbm>> -> memref<128x128xf32, #tpu.memory_space<hbm>>
    %dma_wait3A_472 = arith.constant 0 : i32
    %dma_wait3A_473 = arith.constant 0 : i32
    %dma_wait3A_474 = tpu.memref_slice %arg13[%dma_wait3A_463, %dma_wait3A_472, %dma_wait3A_473] : memref<4x128x128xf32, #tpu.memory_space<vmem>> -> memref<1x128x128xf32, #tpu.memory_space<vmem>>
    %dma_wait3A_475 = tpu.memref_squeeze %dma_wait3A_474 : memref<1x128x128xf32, #tpu.memory_space<vmem>> -> memref<128x128xf32, #tpu.memory_space<vmem>>
    tpu.wait_dma2 semaphore(%arg16 : memref<!tpu.dma_semaphore, #tpu.memory_space<semaphore_mem>>) src(%dma_wait3A_475 : memref<128x128xf32, #tpu.memory_space<vmem>>) dst(%dma_wait3A_471 : memref<128x128xf32, #tpu.memory_space<hbm>>)
    %dma_wait3A_476 = arith.constant 3 : i32
    %dma_wait3A_477 = arith.constant 0 : i32
    %dma_wait3A_478 = arith.constant 0 : i32
    %dma_wait3A_479 = tpu.memref_slice %arg13[%dma_wait3A_476, %dma_wait3A_477, %dma_wait3A_478] : memref<4x128x128xf32, #tpu.memory_space<vmem>> -> memref<1x128x128xf32, #tpu.memory_space<vmem>>
    %dma_wait3A_480 = tpu.memref_squeeze %dma_wait3A_479 : memref<1x128x128xf32, #tpu.memory_space<vmem>> -> memref<128x128xf32, #tpu.memory_space<vmem>>
    %dma_wait3A_481 = arith.constant 0 : i32
    %dma_wait3A_482 = tpu.memref_slice %arg7[%add3A_423, %dma_wait3A_481] : memref<32768x128xf32, #tpu.memory_space<hbm>> -> memref<128x128xf32, #tpu.memory_space<hbm>>
    %dma_wait3A_483 = arith.constant 0 : i32
    %dma_wait3A_484 = tpu.memref_slice %arg7[%add3A_423, %dma_wait3A_483] : memref<32768x128xf32, #tpu.memory_space<hbm>> -> memref<128x128xf32, #tpu.memory_space<hbm>>
    %dma_wait3A_485 = arith.constant 0 : i32
    %dma_wait3A_486 = arith.constant 0 : i32
    %dma_wait3A_487 = tpu.memref_slice %arg13[%dma_wait3A_476, %dma_wait3A_485, %dma_wait3A_486] : memref<4x128x128xf32, #tpu.memory_space<vmem>> -> memref<1x128x128xf32, #tpu.memory_space<vmem>>
    %dma_wait3A_488 = tpu.memref_squeeze %dma_wait3A_487 : memref<1x128x128xf32, #tpu.memory_space<vmem>> -> memref<128x128xf32, #tpu.memory_space<vmem>>
    tpu.wait_dma2 semaphore(%arg16 : memref<!tpu.dma_semaphore, #tpu.memory_space<semaphore_mem>>) src(%dma_wait3A_488 : memref<128x128xf32, #tpu.memory_space<vmem>>) dst(%dma_wait3A_484 : memref<128x128xf32, #tpu.memory_space<hbm>>)
    return
  }
}

</mosaic_0001>

<sc_bundles>
// kernel: _sc_embed.3.cloned.1.call-start
scs
__scs_entry_jumppad:
0x0: {  	(pc) =	sbr.rel $0x88, $3  }
0x1: {  	(tag) =	ssettag $0x0;
	lr =	simm.s32 $0x1  }
0x2: {  	[smem:$0x3F9C] =	sst lr;
	_ =	strace $0xD0000000  }
0x3: {  	_ = 	snop  }
0x4: {  	_ = 	snop  }
0x5: {  	_ = 	snop  }
0x6: {  	_ = 	snop  }
0x7: {  	_ = 	snop  }
__scs_overlays_trampoline_lowered:
0x8: {  	[smem:$0x3FAB] =	sst s0  }
0x9: {  	[smem:$0x3FAC] =	sst s1  }
0xa: {  	[smem:$0x3FAD] =	sst s2  }
0xb: {  	[smem:$0x3FAE] =	sst s3  }
0xc: {  	[smem:$0x3FAF] =	sst s4  }
0xd: {  	[smem:$0x3FB0] =	sst s5  }
0xe: {  	[smem:$0x3FB1] =	sst s6  }
0xf: {  	[smem:$0x3FB2] =	sst s7  }
0x10: {  	[smem:$0x3FB3] =	sst s8  }
0x11: {  	[smem:$0x3FB4] =	sst s9;
	s0 =	simm.s32 @!p0 $0x0  }
0x12: {  	s1 =	sld [smem:$0x3F9A];
	s0 =	simm.s32 @p0 $0x1  }
0x13: {  	[smem:$0x3FB5] =	sst s0;
	s0 =	simm.s32 @!p1 $0x0  }
0x14: {  	s2 =	sld [smem:$0x3F99];
	s0 =	simm.s32 @p1 $0x1  }
0x15: {  	[smem:$0x3FB6] =	sst s0;
	s0 =	simm.s32 @!p2 $0x0  }
0x16: {  	s3 =	sld [smem:$0x3FDB];
	s0 =	simm.s32 @p2 $0x1  }
0x17: {  	s4 =	simm.s32 $0x1BF5;
	[smem:$0x3FB8] =	sst s0  }
0x18: {  	s0 =	sld [smem:$0x3F9B];
	_ =	swait.ge [sflag:s4], $0x0  }
0x19: {  	s7 =	sld [smem:$0x3F9C]  }
0x1a: {  	s8 =	sadd.s32 $0xFFFFE003, lr  }
0x1b: {  	s9 =	sadd.s32 $0xFFFFFEF7, lr;
	s5 =	simm.s32 $0xFFFFFFFF;
	p2 =	slt.u32 s8, $0xFFFFF086  }
0x1c: {  	p1 =	slt.u32 s9, $0xF7A;
	s5 =	simm.s32 @!p2 $0x0  }
0x1d: {  	s5 =	simm.s32 @p1 $0x1;
	p0 =	seq.s32 s7, s2  }
0x1e: {  	s7 =	smul.u32 @!p0 $0xF7A, s2;
	p2 =	seq.s32 @!p0 s5, $0x0  }
0x1f: {  	s9 =	smul.u32 $0xF7A, s1;
	s8 =	simm.s32 @!p0 $0x1BF5;
	p2 =	por !p2, p0  }
0x20: {  	[sflag:s8] =	ssyncset.s32 @!p0 $0xFFFFF086;
	s6 =	sadd.s32 @!p0 s3, s7;
	s7 =	simm.s32 @!p0 $0x108  }
0x21: {  	s3 =	sadd.s32 s3, s9;
	s6 =	sadd.s32 @!p0 $0x88, s6;
	s7 =	simm.s32 @p2 $0x1082  }
0x22: {  	[simem:s7], [sflag:s8] =	dma.local @!p0 [hbm:s6], $0xF7A  }
0x23: {  	s9 =	sor.u32 $0xD0000000, s2;
	s6 =	simm.s32 $0x108;
	_ =	swait.ge @!p0 [sflag:s8], $0x0  }
0x24: {  	s3 =	sadd.s32 $0x88, s3;
	s6 =	simm.s32 @!p1 $0x1082;
	[sflag:s4] =	ssyncset.s32 $0xFFFFF086  }
0x25: {  	[simem:s6], [sflag:s4] =	dma.local [hbm:s3], $0xF7A  }
0x26: {  	[smem:$0x3F9C] =	sst s1;
	(tag) =	ssettag s2;
	_ =	strace s9  }
0x27: {  	s1 =	sld [smem:$0x3FAC]  }
0x28: {  	s2 =	sld [smem:$0x3FAD]  }
0x29: {  	s4 =	sld [smem:$0x3FAF]  }
0x2a: {  	p0 =	seq.s32 s5, $0x0;
	s5 =	sld [smem:$0x3FB0]  }
0x2b: {  	s6 =	sld [smem:$0x3FB1]  }
0x2c: {  	s7 =	sld [smem:$0x3FB2]  }
0x2d: {  	s3 =	simm.s32 $0x108;
	s8 =	sld [smem:$0x3FB3]  }
0x2e: {  	s3 =	simm.s32 @!p0 $0x1082;
	s9 =	sld [smem:$0x3FB4]  }
0x2f: {  	lr =	sadd.s32 s0, s3;
	s0 =	sld [smem:$0x3FAB]  }
0x30: {  	s3 =	sld [smem:$0x3FAE]  }
0x31: {  	[smem:$0x3FB7] =	sst s10  }
0x32: {  	s10 =	sld [smem:$0x3FB5];
	_ =	sdelay $0x3  }
0x33: {  	p0 =	seq.s32 s10, $0x1;
	s10 =	sld [smem:$0x3FB7];
	_ =	sdelay $0x3  }
0x34: {  	[smem:$0x3FB7] =	sst s10  }
0x35: {  	s10 =	sld [smem:$0x3FB6];
	_ =	sdelay $0x3  }
0x36: {  	p1 =	seq.s32 s10, $0x1;
	s10 =	sld [smem:$0x3FB7];
	_ =	sdelay $0x3  }
0x37: {  	[smem:$0x3FB7] =	sst s10  }
0x38: {  	s10 =	sld [smem:$0x3FB8]  }
0x39: {  	_ = 	snop;
	(pc) =	sbr.ind lr, $3  }
0x3a: {  	_ = 	snop  }
0x3b: {  	_ = 	snop  }
0x3c: {  	p2 =	seq.s32 s10, $0x1;
	s10 =	sld [smem:$0x3FB7]  }
0x3d: {  	_ =	shalt  }
0x3e: {  	_ =	shalt  }
0x3f: {  	_ =	shalt  }
0x40: {  	_ =	shalt  }
0x41: {  	_ =	shalt  }
0x42: {  	_ =	shalt  }
0x43: {  	_ =	shalt  }
0x44: {  	_ =	shalt  }
0x45: {  	_ =	shalt  }
0x46: {  	_ =	shalt  }
0x47: {  	_ =	shalt  }
0x48: {  	_ =	shalt  }
0x49: {  	_ =	shalt  }
0x4a: {  	_ =	shalt  }
0x4b: {  	_ =	shalt  }
0x4c: {  	_ =	shalt  }
0x4d: {  	_ =	shalt  }
0x4e: {  	_ =	shalt  }
0x4f: {  	_ =	shalt  }
0x50: {  	_ =	shalt  }
0x51: {  	_ =	shalt  }
0x52: {  	_ =	shalt  }
0x53: {  	_ =	shalt  }
0x54: {  	_ =	shalt  }
0x55: {  	_ =	shalt  }
0x56: {  	_ =	shalt  }
0x57: {  	_ =	shalt  }
0x58: {  	_ =	shalt  }
0x59: {  	_ =	shalt  }
0x5a: {  	_ =	shalt  }
0x5b: {  	_ =	shalt  }
0x5c: {  	_ =	shalt  }
0x5d: {  	_ =	shalt  }
0x5e: {  	_ =	shalt  }
0x5f: {  	_ =	shalt  }
0x60: {  	_ =	shalt  }
0x61: {  	_ =	shalt  }
0x62: {  	_ =	shalt  }
0x63: {  	_ =	shalt  }
0x64: {  	_ =	shalt  }
0x65: {  	_ =	shalt  }
0x66: {  	_ =	shalt  }
0x67: {  	_ =	shalt  }
0x68: {  	_ =	shalt  }
0x69: {  	_ =	shalt  }
0x6a: {  	_ =	shalt  }
0x6b: {  	_ =	shalt  }
0x6c: {  	_ =	shalt  }
0x6d: {  	_ =	shalt  }
0x6e: {  	_ =	shalt  }
0x6f: {  	_ =	shalt  }
0x70: {  	_ =	shalt  }
0x71: {  	_ =	shalt  }
0x72: {  	_ =	shalt  }
0x73: {  	_ =	shalt  }
0x74: {  	_ =	shalt  }
0x75: {  	_ =	shalt  }
0x76: {  	_ =	shalt  }
0x77: {  	_ =	shalt  }
0x78: {  	_ =	shalt  }
0x79: {  	_ =	shalt  }
0x7a: {  	_ =	shalt  }
0x7b: {  	_ =	shalt  }
0x7c: {  	_ =	shalt  }
0x7d: {  	_ =	shalt  }
0x7e: {  	_ =	shalt  }
0x7f: {  	_ =	shalt  }
0x80: {  	_ =	shalt  }
0x81: {  	_ =	shalt  }
0x82: {  	_ =	shalt  }
0x83: {  	_ =	shalt  }
0x84: {  	_ =	shalt  }
0x85: {  	_ =	shalt  }
0x86: {  	_ =	shalt  }
0x87: {  	_ =	shalt  }
.Lfunc_end0:
.L_simem_size_0:
called_computation_lowered:
.L_overlay_start_0:
0x88: {  	s2 =	sld [smem:$0x3FD9]  }
0x89: {  	s3 =	sld [smem:$0x3FFE];
	_ =	sdelay $0x1  }
0x8a: {  	s1 =	srdreg.scid  }
0x8b: {  	s0 =	sand.u32 $0x1, s1  }
0x8c: {  	s18 =	sshll.u32 s0, $0xA;
	s2 =	sadd.s32 s3, s2  }
0x8d: {  	s2 =	sadd.s32 s2, s18  }
0x8e: {  	[smem:$0x3FC3] =	sst s2  }
0x8f: {  	_ = 	snop  }
0x90: {  	s2 =	sld [smem:$0x3FC9]  }
0x91: {  	s19 =	sld [smem:$0x3FC8]  }
0x92: {  	s4 =	sld [smem:$0x3FC7]  }
0x93: {  	s5 =	sld [smem:$0x3FC6]  }
0x94: {  	s6 =	sld [smem:$0x3FC5]  }
0x95: {  	s7 =	sld [smem:$0x3FD0];
	(tm) =	ssettm $0x1  }
0x96: {  	s8 =	sld [smem:$0x3FFB];
	_ =	sdelay $0x3  }
0x97: {  	_ =	strace s8  }
0x98: {  	s8 =	sld [smem:$0x3FFC];
	_ =	sdelay $0x3  }
0x99: {  	_ =	strace s8  }
0x9a: {  	s8 =	sld [smem:$0x3FFD];
	_ =	sdelay $0x3  }
0x9b: {  	_ =	strace s8  }
0x9c: {  	_ =	strace $0x8FFFFFFF  }
0x9d: {  	s20 =	sld [smem:$0x3FDB];
	_ =	sdelay $0x1  }
0x9e: {  	s9 =	simm.s32 $_scs_section_size  }
0x9f: {  	s10 =	simm.s32 $_size__tile_overlayer_lowered;
	s11 =	simm.s32 $_tile_overlayer_lowered  }
0xa0: {  	s23 =	simm.s32 $0x1BFF;
	s22 =	sshll.u32 s11, $0x1;
	s8 =	sadd.s32 s9, s20  }
0xa1: {  	s12 =	simm.s32 $0x0;
	s21 =	sshll.u32 s10, $0x1;
	s10 =	sadd.s32 s22, s8  }
0xa2: {  	[timem:s12], [sflag:s23] =	dma.local [hbm:s10], s21  }
0xa3: {  	_ =	swait.ge [sflag:s23], s21  }
0xa4: {  	s9 =	ssub.s32 $0x0, s21;
	[sflag:s23] =	ssyncset.done $0x0  }
0xa5: {  	[sflag:s23] =	ssyncadd.s32 s9;
	_ =	sdelay $0x1  }
0xa6: {  	s24 =	simm.s32 $0x1B8B  }
0xa7: {  	_ =	swait.ge [sflag:s24], $0x1  }
0xa8: {  	[sflag:s24] =	ssyncset.done $0x0  }
0xa9: {  	s25 =	simm.s32 $0x1B8E;
	[sflag:s24] =	ssyncadd.s32 $0xFFFFFFFF  }
0xaa: {  	s26 =	simm.s32 $execute0_lowered;
	[smem:$0x3FD2] =	sst s25  }
0xab: {  	s9 =	sshll.u32 s26, $0x1;
	_ =	strace $0x80000046;
	[dreg:$0x1] =	wrdreg $0xFFFFFFFF  }
0xac: {  	s28 =	simm.s32 $_size_execute0_lowered;
	s8 =	sadd.s32 s8, s9;
	[dreg:$0x0] =	wrdreg $0x0  }
0xad: {  	s9 =	sshll.u32 s28, $0x1;
	[dreg:$0x2] =	wrdreg s8  }
0xae: {  	[dreg:$0x3] =	wrdreg s9  }
0xaf: {  	[dreg:$0x4] =	wrdreg $0xC0  }
0xb0: {  	_ =	task [dreg:s12], $0x5FFFF  }
0xb1: {  	[dreg:$0x1] =	wrdreg $0xFFFFFFFF  }
0xb2: {  	[dreg:$0x0] =	wrdreg $0x60  }
0xb3: {  	[dreg:$0x2] =	wrdreg s2  }
0xb4: {  	[dreg:$0x3] =	wrdreg s19  }
0xb5: {  	[dreg:$0x4] =	wrdreg s4  }
0xb6: {  	[dreg:$0x5] =	wrdreg s5  }
0xb7: {  	[dreg:$0x6] =	wrdreg s6  }
0xb8: {  	[dreg:$0x7] =	wrdreg s7  }
0xb9: {  	[dreg:$0x8] =	wrdreg $0x4000  }
0xba: {  	[dreg:$0x9] =	wrdreg $0x9  }
0xbb: {  	_ =	task.clear_ibuf [dreg:s12], $0xAFFFF;
	_ =	strace $0x90000046  }
0xbc: {  	s29 =	simm.s32 $0x9;
	_ =	strace $0x80000048  }
0xbd: {  	_ =	swait.ge [sflag:s29], $0x1  }
0xbe: {  	[sflag:s29] =	ssyncadd.s32 $0xFFFFFFFF  }
0xbf: {  	_ =	strace $0x90000048  }
0xc0: {  	_ =	sfence  }
0xc1: {  	s30 =	sld [smem:$0x0];
	_ =	sdelay $0x2  }
0xc2: {  	s31 =	sshll.u32 s1, $0xD;
	s1 =	sshrl.u32 s1, $0x2  }
0xc3: {  	s3 =	sand.u32 $0x4000, s31;
	s1 =	sadd.s32 s1, s30  }
0xc4: {  	s0 =	sor.u32 s3, s0;
	s1 =	sshll.u32 s1, $0x11  }
0xc5: {  	s0 =	sor.u32 s1, s0  }
0xc6: {  	s0 =	sadd.s32 $0x8F2B, s0  }
0xc7: {  	[sflag:s0] =	ssyncadd.remote.s32 $0x1  }
0xc8: {  	_ =	sfence.sel $0xFFFF  }
0xc9: {  	[dreg:$0x0] =	wrdreg $0xFFFFFFFF;
	(pc) =	sbr.abs _section_cstart, $3  }
0xca: {  	[dreg:$0x1] =	wrdreg $0xFFFFFFFF  }
0xcb: {  	_ =	task.clear_ibuf [dreg:s12], $0x2FFFF;
	_ =	strace $0x9FFFFFFF  }
0xcc: {  	(tm) =	ssettm $0x7FFFFFFF  }
0xcd: {  	_ =	shalt  }
tec
execute0_lowered:
.L_overlay_start_1:
0x0: {  	(tag) =	ssettag $0x1  }
0x1: {  	s0 =	rddreg [dreg:$0x0]  }
0x2: {  	s1 =	rddreg [dreg:$0x1]  }
0x3: {  	s2 =	rddreg [dreg:$0x5]  }
0x4: {  	s4 =	rddreg [dreg:$0x6];
	s3 =	srdreg.scid  }
0x5: {  	s17 =	stileid.u32;
	s5 =	simm.s32 $0x0;
	s18 =	simm.s32 $0xA40  }
0x6: {  	s21 =	simm.s32 $0x4;
	s22 =	simm.s32 $0x1;
	s23 =	simm.s32 $0xB40  }
0x7: {  	s28 =	simm.s32 $0x4F40;
	s29 =	simm.s32 $0x2;
	s31 =	simm.s32 $0x8F40  }
0x8: {  	s3 =	sand.u32 $0x1, s3;
	s6 =	sshll.u32 s17, $0x1;
	[smem:$0x7FF] =	sst s5  }
0x9: {  	s26 =	sadd.s32 $0x3200, s4;
	p0 =	seq.s32 s17, $0x1;
	p1 =	sne.s32 s17, $0x0  }
0xa: {  	s17 =	simm.s32 $0xEC0;
	s7 =	ssub.s32 $0x2, s3;
	s3 =	sor.u32 s3, s6  }
0xb: {  	_ =	strace $0x80000047;
	s30 =	sshrl.u32 s26, $0x3;
	s26 =	simm.s32 $0x0  }
0xc: {  	s24 =	sshrl.u32 s7, $0x1;
	s8 =	sshll.u32 s3, $0x6;
	s25 =	sshll.u32 s3, $0xE  }
0xd: {  	[dreg:$0x8] =	wrdreg s30;
	s3 =	simm.s32 $0xE40;
	s16 =	ssub.s32 s7, s24  }
0xe: {  	s6 =	sadd.s32 s0, s8;
	s7 =	sadd.s32 s1, s8;
	s8 =	sadd.s32 s2, s25  }
0xf: {  	s24 =	simm.s32 $0x80;
	s25 =	simm.s32 $0xF40;
	s1 =	simm.s32 $0xCF40  }
0x10: {  	s2 =	simm.s32 $0x3;
	s9 =	sadd.s32 $0x800, s8;
	s10 =	sadd.s32 $0x1000, s8  }
0x11: {  	v0 =	vlaneseq.u32;
	v2 =	vimm.s32 $0x0;
	s11 =	sadd.s32 $0x1800, s8;
	s12 =	sadd.s32 $0x2000, s8;
	s13 =	sadd.s32 $0x2800, s8  }
0x12: {  	v1 =	vmul.u32 $0x2, v0;
	v3 =	vand.u32 $0x7, v0;
	v4 =	vor.u32 $0x8, v0;
	s14 =	sadd.s32 $0x3000, s8;
	s15 =	sadd.s32 $0x3800, s8;
	s16 =	smax.u32 s16, $0x1  }
.LBB2_1:
0x13: {  	[tilespmem:s5], [sflag:$0x1] =	stream.linear.gather [hbm4b:s6+s5], $0x200, $0x38;
	[tilespmem:$0x10F40] =	vst v63  }
.Ltmp0:
0x14: {  	_ = 	snop;
	(pc) =	sbr.rel @p0 .LBB2_4-.Ltmp0, $4  }
0x15: {  	s0 =	simm.s32 $0x200  }
0x16: {  	[tilespmem:s0], [sflag:$0x1] =	stream.linear.gather [hbm4b:s7+s5], $0x200, $0x38;
	[tilespmem:$0x10F40] =	vst v63  }
0x17: {  	s30 =	rddreg [dreg:$0x4]  }
0x18: {  	[tilespmem:s18], [sflag:$0x1] =	stream.linear.gather [hbm4b:s30+s5], $0x100, $0x38;
	[tilespmem:$0x10F40] =	vst v63  }
.Ltmp1:
0x19: {  	(pc) =	sbr.rel @p1 .LBB2_6-.Ltmp1, $1  }
0x1a: {  	_ =	sdelay $0x3  }
.Ltmp2:
0x1b: {  	(pc) =	sbr.rel .LBB2_5-.Ltmp2, $3  }
0x1c: {  	_ =	sdelay $0x1  }
0x1d: {  	s0 =	sshrl.u32 s4, $0x3;
	s19 =	rddreg [dreg:$0x2];
	s20 =	simm.s32 $0x1C04  }
0x1e: {  	[spmem:s0], [sflag:s20] =	dma.local [hbm:s19], $0x640  }
.LBB2_4:
0x1f: {  	s0 =	rddreg [dreg:$0x3]  }
0x20: {  	s19 =	rddreg [dreg:$0x8];
	s20 =	simm.s32 $0x1C44  }
0x21: {  	[spmem:s19], [sflag:s20] =	dma.local [hbm:s0], $0x640  }
.LBB2_5:
0x22: {  	_ =	swait.ge [sflag:s21], $0x640  }
0x23: {  	[sflag:s21] =	ssyncset.done $0x0  }
0x24: {  	[sflag:s21] =	ssyncadd.s32 $0xFFFFF9C0  }
.LBB2_6:
0x25: {  	_ =	swait.ge [sflag:s22], $0x200  }
0x26: {  	[sflag:s22] =	ssyncset.done $0x0  }
0x27: {  	[sflag:s22] =	ssyncadd.s32 $0xFFFFFE00  }
0x28: {  	_ =	swait.ge [sflag:s22], $0x200  }
0x29: {  	[sflag:s22] =	ssyncset.done $0x0  }
0x2a: {  	[sflag:s22] =	ssyncadd.s32 $0xFFFFFE00  }
0x2b: {  	_ =	swait.ge [sflag:s22], $0x100  }
0x2c: {  	[sflag:s22] =	ssyncset.done $0x0  }
0x2d: {  	s0 =	simm.s32 $0x200;
	[sflag:s22] =	ssyncadd.s32 $0xFFFFFF00  }
0x2e: {  	s30 =	simm.s32 $0x0;
	v7 =	vld [tilespmem:s0+$0x0]  }
0x2f: {  	v9 =	vld [tilespmem:s30+$0x0];
	_ =	sdelay $0x3  }
0x30: {  	v5 =	vadd.f32 $1.047400000e+01, v7  }
0x31: {  	v6 =	vadd.f32 $-3.683800130e+01, v9  }
0x32: {  	v5 =	vmul.f32 $2.330004690e+00, v5  }
0x33: {  	v6 =	vmul.f32 $2.947013850e+00, v6  }
0x34: {  	v5 =	vmax.f32 v5, $-1.000000000e+00  }
0x35: {  	v6 =	vmax.f32 v6, $-1.000000000e+00;
	v5 =	vmin.f32 v5, $1.000000000e+02  }
0x36: {  	v6 =	vmin.f32 v6, $1.000000000e+02;
	v5 =	vtrunc.f32 v5  }
0x37: {  	v6 =	vtrunc.f32 v6;
	v5 =	vcvt.f32.s32 v5  }
0x38: {  	v6 =	vcvt.f32.s32 v6  }
0x39: {  	v5 =	vadd.s32 $0x1, v5  }
0x3a: {  	v6 =	vadd.s32 $0x1, v6;
	vm0 =	vgt.s32 v5, $0x0  }
0x3b: {  	vm12 =	vgt.s32 v6, $0x0;
	v5 =	vnsel vm0, $0x0, v5  }
0x3c: {  	v6 =	vnsel vm12, $0x0, v6;
	v5 =	vmin.u32 v5, $0x63  }
0x3d: {  	v6 =	vmin.u32 v6, $0x63;
	v8 =	vadd.s32 $0x1, v5  }
0x3e: {  	v10 =	vor.u32 $0x80, v6  }
0x3f: {  	v11 =	vadd.s32 $0x81, v6;
	_ =	sdelay $0x1  }
0x40: {  	v12 =	vld.idx.msk [tilespmem:v5+s18+$0x0], $0xffff  }
0x41: {  	v8 =	vld.idx.msk [tilespmem:v8+s18+$0x0], $0xffff  }
0x42: {  	v10 =	vld.idx.msk [tilespmem:v10+s18+$0x0], $0xffff  }
0x43: {  	v11 =	vld.idx.msk [tilespmem:v11+s18+$0x0], $0xffff  }
0x44: {  	v13 =	vmov s30  }
0x45: {  	v13 =	vshll.u32 v13, $0x1  }
0x46: {  	v62 =	vor.u32 v1, v13;
	vm13 =	vge.f32 v7, v12  }
0x47: {  	vm0 =	vmneg vm13;
	vm1 =	vge.f32 v7, v8;
	v8 =	vand.u32 $0x70, v62  }
0x48: {  	vm14 =	vge.f32 v9, v10;
	vm15 =	vge.f32 v9, v11;
	v63 =	vsel vm0, $0xFFFFFFFF, v2  }
0x49: {  	v7 =	vor.u32 v4, v8;
	v10 =	vsel vm1, $0x1, v2;
	vm0 =	vmneg vm14  }
0x4a: {  	s20 =	simm.s32 $0x10;
	v9 =	vadd.s32 v10, v63;
	v10 =	vsel vm15, $0x1, v2;
	v11 =	vsel vm0, $0xFFFFFFFF, v2  }
.LBB2_7:
0x4b: {  	p2 =	sne.s32 s20, $0x30;
	v10 =	vadd.s32 v10, v11;
	v8 =	vor.u32 v3, v8;
	s30 =	sadd.s32 $0x10, s30;
	s0 =	sadd.s32 $0x10, s0  }
0x4c: {  	v5 =	vadd.s32 v5, v9;
	s19 =	smov.u32 s20;
	s20 =	sadd.s32 $0x10, s20;
	v6 =	vadd.s32 v6, v10  }
0x4d: {  	vm0 =	vgt.s32 v5, $0x0;
	vm1 =	vgt.s32 v6, $0x0  }
0x4e: {  	v5 =	vnsel vm0, $0x0, v5;
	v6 =	vnsel vm1, $0x0, v6  }
0x4f: {  	v5 =	vmin.u32 v5, $0x63;
	v6 =	vmin.u32 v6, $0x63  }
0x50: {  	[tilespmem:v8+s23+$0x0] =	vst.idx.msk $0xffff, v5;
	v5 =	vadd.s32 $0x64, v6  }
0x51: {  	[tilespmem:v7+s23+$0x0] =	vst.idx.msk $0xffff, v5  }
0x52: {  	v7 =	vld [tilespmem:s0+$0x0]  }
0x53: {  	v9 =	vld [tilespmem:s30+$0x0];
	_ =	sdelay $0x3  }
0x54: {  	v5 =	vadd.f32 $1.047400000e+01, v7  }
0x55: {  	v6 =	vadd.f32 $-3.683800130e+01, v9  }
0x56: {  	v5 =	vmul.f32 $2.330004690e+00, v5  }
0x57: {  	v6 =	vmul.f32 $2.947013850e+00, v6  }
0x58: {  	v5 =	vmax.f32 v5, $-1.000000000e+00  }
0x59: {  	v5 =	vmin.f32 v5, $1.000000000e+02;
	v6 =	vmax.f32 v6, $-1.000000000e+00  }
0x5a: {  	v5 =	vtrunc.f32 v5;
	v6 =	vmin.f32 v6, $1.000000000e+02  }
0x5b: {  	v5 =	vcvt.f32.s32 v5;
	v6 =	vtrunc.f32 v6  }
0x5c: {  	v6 =	vcvt.f32.s32 v6  }
0x5d: {  	v5 =	vadd.s32 $0x1, v5  }
0x5e: {  	vm0 =	vgt.s32 v5, $0x0;
	v6 =	vadd.s32 $0x1, v6  }
0x5f: {  	v5 =	vnsel vm0, $0x0, v5;
	vm0 =	vgt.s32 v6, $0x0  }
0x60: {  	v5 =	vmin.u32 v5, $0x63;
	v6 =	vnsel vm0, $0x0, v6  }
0x61: {  	v8 =	vadd.s32 $0x1, v5;
	v6 =	vmin.u32 v6, $0x63  }
0x62: {  	v10 =	vor.u32 $0x80, v6;
	v11 =	vadd.s32 $0x81, v6;
	_ =	sdelay $0x2  }
0x63: {  	v12 =	vld.idx.msk [tilespmem:v5+s18+$0x0], $0xffff  }
0x64: {  	v8 =	vld.idx.msk [tilespmem:v8+s18+$0x0], $0xffff  }
0x65: {  	v10 =	vld.idx.msk [tilespmem:v10+s18+$0x0], $0xffff  }
0x66: {  	v11 =	vld.idx.msk [tilespmem:v11+s18+$0x0], $0xffff  }
0x67: {  	v13 =	vmov s19  }
0x68: {  	v13 =	vshll.u32 v13, $0x1  }
.Ltmp3:
0x69: {  	vm0 =	vge.f32 v7, v12;
	v12 =	vor.u32 v1, v13;
	(pc) =	sbr.rel @p2 .LBB2_7-.Ltmp3, $4  }
0x6a: {  	vm0 =	vmneg vm0;
	vm1 =	vge.f32 v7, v8;
	v8 =	vand.u32 $0x70, v12  }
0x6b: {  	v12 =	vsel vm0, $0xFFFFFFFF, v2;
	vm0 =	vge.f32 v9, v10;
	v7 =	vor.u32 v4, v8  }
0x6c: {  	v10 =	vsel vm1, $0x1, v2;
	vm0 =	vmneg vm0;
	vm1 =	vge.f32 v9, v11  }
0x6d: {  	v9 =	vadd.s32 v10, v12;
	v10 =	vsel vm1, $0x1, v2;
	v11 =	vsel vm0, $0xFFFFFFFF, v2  }
0x6e: {  	v10 =	vadd.s32 v10, v11;
	v8 =	vor.u32 v3, v8  }
0x6f: {  	v5 =	vadd.s32 v5, v9;
	v6 =	vadd.s32 v6, v10  }
0x70: {  	vm0 =	vgt.s32 v5, $0x0;
	vm1 =	vgt.s32 v6, $0x0  }
0x71: {  	v5 =	vnsel vm0, $0x0, v5;
	v6 =	vnsel vm1, $0x0, v6  }
0x72: {  	v5 =	vmin.u32 v5, $0x63;
	v6 =	vmin.u32 v6, $0x63  }
0x73: {  	[tilespmem:v8+s23+$0x0] =	vst.idx.msk $0xffff, v5;
	v5 =	vadd.s32 $0x64, v6  }
0x74: {  	[tilespmem:v7+s23+$0x0] =	vst.idx.msk $0xffff, v5  }
0x75: {  	s30 =	simm.s32 $0x240;
	[bflag:$0x0] =	sbarrier.arrive $0xFFFF  }
0x76: {  	[tilespmem:s25], [sflag:$0x2] =	stream.indirect.gather [spmem:s4], $0x80, s23, s24, $0xb8;
	[tilespmem:$0x10F40] =	vst v63  }
0x77: {  	s0 =	simm.s32 $0x40;
	v8 =	vld [tilespmem:s30+$0x0]  }
0x78: {  	v10 =	vld [tilespmem:s0+$0x0];
	_ =	sdelay $0x3  }
0x79: {  	v5 =	vadd.f32 $1.047400000e+01, v8  }
0x7a: {  	v6 =	vadd.f32 $-3.683800130e+01, v10  }
0x7b: {  	v5 =	vmul.f32 $2.330004690e+00, v5  }
0x7c: {  	v6 =	vmul.f32 $2.947013850e+00, v6  }
0x7d: {  	v5 =	vmax.f32 v5, $-1.000000000e+00  }
0x7e: {  	v6 =	vmax.f32 v6, $-1.000000000e+00;
	v5 =	vmin.f32 v5, $1.000000000e+02  }
0x7f: {  	v6 =	vmin.f32 v6, $1.000000000e+02;
	v5 =	vtrunc.f32 v5  }
0x80: {  	v6 =	vtrunc.f32 v6;
	v5 =	vcvt.f32.s32 v5  }
0x81: {  	v6 =	vcvt.f32.s32 v6  }
0x82: {  	v5 =	vadd.s32 $0x1, v5  }
0x83: {  	v6 =	vadd.s32 $0x1, v6;
	vm10 =	vgt.s32 v5, $0x0  }
0x84: {  	vm11 =	vgt.s32 v6, $0x0;
	v5 =	vnsel vm10, $0x0, v5  }
0x85: {  	v6 =	vnsel vm11, $0x0, v6;
	v5 =	vmin.u32 v5, $0x63  }
0x86: {  	v6 =	vmin.u32 v6, $0x63;
	v7 =	vadd.s32 $0x1, v5  }
0x87: {  	v9 =	vor.u32 $0x80, v6  }
0x88: {  	v11 =	vadd.s32 $0x81, v6;
	_ =	sdelay $0x1  }
0x89: {  	v12 =	vld.idx.msk [tilespmem:v5+s18+$0x0], $0xffff  }
0x8a: {  	v13 =	vld.idx.msk [tilespmem:v7+s18+$0x0], $0xffff  }
0x8b: {  	v7 =	vmov s0;
	v14 =	vld.idx.msk [tilespmem:v9+s18+$0x0], $0xffff  }
0x8c: {  	v11 =	vld.idx.msk [tilespmem:v11+s18+$0x0], $0xffff;
	v7 =	vshll.u32 v7, $0x1  }
0x8d: {  	v7 =	vor.u32 v1, v7  }
0x8e: {  	v9 =	vand.u32 $0x7FFFFFF0, v7;
	v7 =	vand.u32 $0x7FFFFF80, v7  }
0x8f: {  	vm12 =	vge.f32 v8, v12;
	v12 =	vor.u32 v0, v9;
	v15 =	vor.u32 v4, v9  }
0x90: {  	vm0 =	vmneg vm12;
	vm13 =	vge.f32 v8, v13;
	v9 =	vand.u32 $0x77, v12  }
0x91: {  	vm14 =	vge.f32 v10, v14;
	v8 =	vand.u32 $0x7F, v15;
	vm15 =	vge.f32 v10, v11  }
0x92: {  	v12 =	vsel vm0, $0xFFFFFFFF, v2;
	v13 =	vsel vm13, $0x1, v2;
	vm0 =	vmneg vm14  }
0x93: {  	s20 =	simm.s32 $0x50;
	v11 =	vsel vm15, $0x1, v2;
	v10 =	vadd.s32 v13, v12;
	v12 =	vsel vm0, $0xFFFFFFFF, v2  }
.LBB2_9:
0x94: {  	p2 =	sne.s32 s20, $0x70;
	v11 =	vadd.s32 v11, v12;
	v9 =	vor.u32 v7, v9;
	s0 =	sadd.s32 $0x10, s0;
	s30 =	sadd.s32 $0x10, s30  }
0x95: {  	v5 =	vadd.s32 v5, v10;
	v7 =	vor.u32 v7, v8;
	s19 =	smov.u32 s20;
	s20 =	sadd.s32 $0x10, s20;
	v6 =	vadd.s32 v6, v11  }
0x96: {  	vm0 =	vgt.s32 v5, $0x0;
	vm1 =	vgt.s32 v6, $0x0  }
0x97: {  	v5 =	vnsel vm0, $0x0, v5;
	v6 =	vnsel vm1, $0x0, v6  }
0x98: {  	v5 =	vmin.u32 v5, $0x63;
	v6 =	vmin.u32 v6, $0x63  }
0x99: {  	[tilespmem:v9+s23+$0x0] =	vst.idx.msk $0xffff, v5;
	v5 =	vadd.s32 $0x64, v6  }
0x9a: {  	[tilespmem:v7+s23+$0x0] =	vst.idx.msk $0xffff, v5  }
0x9b: {  	v8 =	vld [tilespmem:s30+$0x0]  }
0x9c: {  	v10 =	vld [tilespmem:s0+$0x0];
	_ =	sdelay $0x3  }
0x9d: {  	v5 =	vadd.f32 $1.047400000e+01, v8  }
0x9e: {  	v6 =	vadd.f32 $-3.683800130e+01, v10  }
0x9f: {  	v5 =	vmul.f32 $2.330004690e+00, v5  }
0xa0: {  	v6 =	vmul.f32 $2.947013850e+00, v6  }
0xa1: {  	v5 =	vmax.f32 v5, $-1.000000000e+00  }
0xa2: {  	v5 =	vmin.f32 v5, $1.000000000e+02;
	v6 =	vmax.f32 v6, $-1.000000000e+00  }
0xa3: {  	v5 =	vtrunc.f32 v5;
	v6 =	vmin.f32 v6, $1.000000000e+02  }
0xa4: {  	v5 =	vcvt.f32.s32 v5;
	v6 =	vtrunc.f32 v6  }
0xa5: {  	v6 =	vcvt.f32.s32 v6  }
0xa6: {  	v5 =	vadd.s32 $0x1, v5  }
0xa7: {  	vm0 =	vgt.s32 v5, $0x0;
	v6 =	vadd.s32 $0x1, v6  }
0xa8: {  	v5 =	vnsel vm0, $0x0, v5;
	vm0 =	vgt.s32 v6, $0x0  }
0xa9: {  	v5 =	vmin.u32 v5, $0x63;
	v6 =	vnsel vm0, $0x0, v6  }
0xaa: {  	v7 =	vadd.s32 $0x1, v5;
	v6 =	vmin.u32 v6, $0x63  }
0xab: {  	v9 =	vor.u32 $0x80, v6;
	v11 =	vadd.s32 $0x81, v6;
	_ =	sdelay $0x2  }
0xac: {  	v12 =	vld.idx.msk [tilespmem:v5+s18+$0x0], $0xffff  }
0xad: {  	v13 =	vld.idx.msk [tilespmem:v7+s18+$0x0], $0xffff  }
0xae: {  	v7 =	vmov s19;
	v14 =	vld.idx.msk [tilespmem:v9+s18+$0x0], $0xffff  }
0xaf: {  	v7 =	vshll.u32 v7, $0x1;
	v11 =	vld.idx.msk [tilespmem:v11+s18+$0x0], $0xffff  }
0xb0: {  	v7 =	vor.u32 v1, v7  }
0xb1: {  	v9 =	vand.u32 $0x7FFFFFF0, v7;
	v7 =	vand.u32 $0x7FFFFF80, v7  }
.Ltmp4:
0xb2: {  	vm0 =	vge.f32 v8, v12;
	v12 =	vor.u32 v0, v9;
	v15 =	vor.u32 v4, v9;
	(pc) =	sbr.rel @p2 .LBB2_9-.Ltmp4, $4  }
0xb3: {  	vm0 =	vmneg vm0;
	vm1 =	vge.f32 v8, v13;
	v9 =	vand.u32 $0x77, v12  }
0xb4: {  	v8 =	vand.u32 $0x7F, v15;
	v12 =	vsel vm0, $0xFFFFFFFF, v2;
	vm0 =	vge.f32 v10, v14  }
0xb5: {  	v13 =	vsel vm1, $0x1, v2;
	vm0 =	vmneg vm0;
	vm1 =	vge.f32 v10, v11  }
0xb6: {  	v10 =	vadd.s32 v13, v12;
	v11 =	vsel vm1, $0x1, v2;
	v12 =	vsel vm0, $0xFFFFFFFF, v2  }
0xb7: {  	v11 =	vadd.s32 v11, v12;
	v9 =	vor.u32 v7, v9  }
0xb8: {  	v5 =	vadd.s32 v5, v10;
	v7 =	vor.u32 v7, v8;
	v6 =	vadd.s32 v6, v11  }
0xb9: {  	vm0 =	vgt.s32 v5, $0x0;
	vm1 =	vgt.s32 v6, $0x0  }
0xba: {  	v5 =	vnsel vm0, $0x0, v5;
	v6 =	vnsel vm1, $0x0, v6  }
0xbb: {  	v5 =	vmin.u32 v5, $0x63;
	v6 =	vmin.u32 v6, $0x63  }
0xbc: {  	[tilespmem:v9+s23+$0x0] =	vst.idx.msk $0xffff, v5;
	v5 =	vadd.s32 $0x64, v6  }
0xbd: {  	s30 =	simm.s32 $0x80;
	s0 =	simm.s32 $0xBC0;
	[tilespmem:v7+s23+$0x0] =	vst.idx.msk $0xffff, v5  }
0xbe: {  	[tilespmem:s28], [sflag:$0x2] =	stream.indirect.gather [spmem:s4], $0x80, s0, s30, $0xb8;
	[tilespmem:$0x10F40] =	vst v63  }
0xbf: {  	_ =	swait.ge [sflag:s29], $0x4000  }
0xc0: {  	[sflag:s29] =	ssyncset.done $0x0  }
0xc1: {  	s0 =	simm.s32 $0x280;
	[sflag:s29] =	ssyncadd.s32 $0xFFFFC000  }
0xc2: {  	[hbm4b:s8+s5] =	stream.linear.scatter [tilespmem:s25], [sflag:$0x3], $0x4000, $0x38;
	[tilespmem:$0x10F40] =	vst v63  }
0xc3: {  	v8 =	vld [tilespmem:s0+$0x0]  }
0xc4: {  	v10 =	vld [tilespmem:s30+$0x0];
	_ =	sdelay $0x3  }
0xc5: {  	v5 =	vadd.f32 $1.047400000e+01, v8  }
0xc6: {  	v6 =	vadd.f32 $-3.683800130e+01, v10  }
0xc7: {  	v5 =	vmul.f32 $2.330004690e+00, v5  }
0xc8: {  	v6 =	vmul.f32 $2.947013850e+00, v6  }
0xc9: {  	v5 =	vmax.f32 v5, $-1.000000000e+00  }
0xca: {  	v6 =	vmax.f32 v6, $-1.000000000e+00;
	v5 =	vmin.f32 v5, $1.000000000e+02  }
0xcb: {  	v6 =	vmin.f32 v6, $1.000000000e+02;
	v5 =	vtrunc.f32 v5  }
0xcc: {  	v6 =	vtrunc.f32 v6;
	v5 =	vcvt.f32.s32 v5  }
0xcd: {  	v6 =	vcvt.f32.s32 v6  }
0xce: {  	v5 =	vadd.s32 $0x1, v5  }
0xcf: {  	v6 =	vadd.s32 $0x1, v6;
	vm10 =	vgt.s32 v5, $0x0  }
0xd0: {  	vm11 =	vgt.s32 v6, $0x0;
	v5 =	vnsel vm10, $0x0, v5  }
0xd1: {  	v6 =	vnsel vm11, $0x0, v6;
	v5 =	vmin.u32 v5, $0x63  }
0xd2: {  	v6 =	vmin.u32 v6, $0x63;
	v7 =	vadd.s32 $0x1, v5  }
0xd3: {  	v9 =	vor.u32 $0x80, v6  }
0xd4: {  	v11 =	vadd.s32 $0x81, v6;
	_ =	sdelay $0x1  }
0xd5: {  	v12 =	vld.idx.msk [tilespmem:v5+s18+$0x0], $0xffff  }
0xd6: {  	v13 =	vld.idx.msk [tilespmem:v7+s18+$0x0], $0xffff  }
0xd7: {  	v7 =	vmov s30;
	v14 =	vld.idx.msk [tilespmem:v9+s18+$0x0], $0xffff  }
0xd8: {  	v11 =	vld.idx.msk [tilespmem:v11+s18+$0x0], $0xffff;
	v7 =	vshll.u32 v7, $0x1  }
0xd9: {  	v7 =	vor.u32 v1, v7  }
0xda: {  	v9 =	vand.u32 $0x7FFFFFF0, v7;
	v7 =	vand.u32 $0x7FFFFF80, v7  }
0xdb: {  	vm12 =	vge.f32 v8, v12;
	v12 =	vor.u32 v0, v9;
	v15 =	vor.u32 v4, v9  }
0xdc: {  	vm0 =	vmneg vm12;
	vm13 =	vge.f32 v8, v13;
	v9 =	vand.u32 $0x77, v12  }
0xdd: {  	vm14 =	vge.f32 v10, v14;
	v8 =	vand.u32 $0x7F, v15;
	vm15 =	vge.f32 v10, v11  }
0xde: {  	v12 =	vsel vm0, $0xFFFFFFFF, v2;
	v13 =	vsel vm13, $0x1, v2;
	vm0 =	vmneg vm14  }
0xdf: {  	s20 =	simm.s32 $0x90;
	v11 =	vsel vm15, $0x1, v2;
	v10 =	vadd.s32 v13, v12;
	v12 =	vsel vm0, $0xFFFFFFFF, v2  }
.LBB2_11:
0xe0: {  	p2 =	sne.s32 s20, $0xB0;
	v11 =	vadd.s32 v11, v12;
	v9 =	vor.u32 v7, v9;
	s30 =	sadd.s32 $0x10, s30;
	s0 =	sadd.s32 $0x10, s0  }
0xe1: {  	v5 =	vadd.s32 v5, v10;
	v7 =	vor.u32 v7, v8;
	s19 =	smov.u32 s20;
	s20 =	sadd.s32 $0x10, s20;
	v6 =	vadd.s32 v6, v11  }
0xe2: {  	vm0 =	vgt.s32 v5, $0x0;
	vm1 =	vgt.s32 v6, $0x0  }
0xe3: {  	v5 =	vnsel vm0, $0x0, v5;
	v6 =	vnsel vm1, $0x0, v6  }
0xe4: {  	v5 =	vmin.u32 v5, $0x63;
	v6 =	vmin.u32 v6, $0x63  }
0xe5: {  	[tilespmem:v9+s23+$0x0] =	vst.idx.msk $0xffff, v5;
	v5 =	vadd.s32 $0x64, v6  }
0xe6: {  	[tilespmem:v7+s23+$0x0] =	vst.idx.msk $0xffff, v5  }
0xe7: {  	v8 =	vld [tilespmem:s0+$0x0]  }
0xe8: {  	v10 =	vld [tilespmem:s30+$0x0];
	_ =	sdelay $0x3  }
0xe9: {  	v5 =	vadd.f32 $1.047400000e+01, v8  }
0xea: {  	v6 =	vadd.f32 $-3.683800130e+01, v10  }
0xeb: {  	v5 =	vmul.f32 $2.330004690e+00, v5  }
0xec: {  	v6 =	vmul.f32 $2.947013850e+00, v6  }
0xed: {  	v5 =	vmax.f32 v5, $-1.000000000e+00  }
0xee: {  	v5 =	vmin.f32 v5, $1.000000000e+02;
	v6 =	vmax.f32 v6, $-1.000000000e+00  }
0xef: {  	v5 =	vtrunc.f32 v5;
	v6 =	vmin.f32 v6, $1.000000000e+02  }
0xf0: {  	v5 =	vcvt.f32.s32 v5;
	v6 =	vtrunc.f32 v6  }
0xf1: {  	v6 =	vcvt.f32.s32 v6  }
0xf2: {  	v5 =	vadd.s32 $0x1, v5  }
0xf3: {  	vm0 =	vgt.s32 v5, $0x0;
	v6 =	vadd.s32 $0x1, v6  }
0xf4: {  	v5 =	vnsel vm0, $0x0, v5;
	vm0 =	vgt.s32 v6, $0x0  }
0xf5: {  	v5 =	vmin.u32 v5, $0x63;
	v6 =	vnsel vm0, $0x0, v6  }
0xf6: {  	v7 =	vadd.s32 $0x1, v5;
	v6 =	vmin.u32 v6, $0x63  }
0xf7: {  	v9 =	vor.u32 $0x80, v6;
	v11 =	vadd.s32 $0x81, v6;
	_ =	sdelay $0x2  }
0xf8: {  	v12 =	vld.idx.msk [tilespmem:v5+s18+$0x0], $0xffff  }
0xf9: {  	v13 =	vld.idx.msk [tilespmem:v7+s18+$0x0], $0xffff  }
0xfa: {  	v7 =	vmov s19;
	v14 =	vld.idx.msk [tilespmem:v9+s18+$0x0], $0xffff  }
0xfb: {  	v7 =	vshll.u32 v7, $0x1;
	v11 =	vld.idx.msk [tilespmem:v11+s18+$0x0], $0xffff  }
0xfc: {  	v7 =	vor.u32 v1, v7  }
0xfd: {  	v9 =	vand.u32 $0x7FFFFFF0, v7;
	v7 =	vand.u32 $0x7FFFFF80, v7  }
.Ltmp5:
0xfe: {  	vm0 =	vge.f32 v8, v12;
	v12 =	vor.u32 v0, v9;
	v15 =	vor.u32 v4, v9;
	(pc) =	sbr.rel @p2 .LBB2_11-.Ltmp5, $4  }
0xff: {  	vm0 =	vmneg vm0;
	vm1 =	vge.f32 v8, v13;
	v9 =	vand.u32 $0x77, v12  }
0x100: {  	v8 =	vand.u32 $0x7F, v15;
	v12 =	vsel vm0, $0xFFFFFFFF, v2;
	vm0 =	vge.f32 v10, v14  }
0x101: {  	v13 =	vsel vm1, $0x1, v2;
	vm0 =	vmneg vm0;
	vm1 =	vge.f32 v10, v11  }
0x102: {  	v10 =	vadd.s32 v13, v12;
	v11 =	vsel vm1, $0x1, v2;
	v12 =	vsel vm0, $0xFFFFFFFF, v2  }
0x103: {  	v11 =	vadd.s32 v11, v12;
	v9 =	vor.u32 v7, v9  }
0x104: {  	v5 =	vadd.s32 v5, v10;
	v7 =	vor.u32 v7, v8;
	v6 =	vadd.s32 v6, v11  }
0x105: {  	vm0 =	vgt.s32 v5, $0x0;
	vm1 =	vgt.s32 v6, $0x0  }
0x106: {  	v5 =	vnsel vm0, $0x0, v5;
	v6 =	vnsel vm1, $0x0, v6  }
0x107: {  	v5 =	vmin.u32 v5, $0x63;
	v6 =	vmin.u32 v6, $0x63  }
0x108: {  	[tilespmem:v9+s23+$0x0] =	vst.idx.msk $0xffff, v5;
	v5 =	vadd.s32 $0x64, v6  }
0x109: {  	s0 =	simm.s32 $0xC40;
	[tilespmem:v7+s23+$0x0] =	vst.idx.msk $0xffff, v5  }
0x10a: {  	[tilespmem:s31], [sflag:$0x2] =	stream.indirect.gather [spmem:s4], $0x80, s0, s24, $0xb8;
	[tilespmem:$0x10F40] =	vst v63  }
0x10b: {  	_ =	swait.ge [sflag:s29], $0x4000  }
0x10c: {  	[sflag:s29] =	ssyncset.done $0x0  }
0x10d: {  	s30 =	simm.s32 $0x2C0;
	[sflag:s29] =	ssyncadd.s32 $0xFFFFC000  }
0x10e: {  	[hbm4b:s9+s5] =	stream.linear.scatter [tilespmem:s28], [sflag:$0x3], $0x4000, $0x38;
	[tilespmem:$0x10F40] =	vst v63  }
0x10f: {  	s0 =	simm.s32 $0xC0;
	v8 =	vld [tilespmem:s30+$0x0]  }
0x110: {  	v10 =	vld [tilespmem:s0+$0x0];
	_ =	sdelay $0x3  }
0x111: {  	v5 =	vadd.f32 $1.047400000e+01, v8  }
0x112: {  	v6 =	vadd.f32 $-3.683800130e+01, v10  }
0x113: {  	v5 =	vmul.f32 $2.330004690e+00, v5  }
0x114: {  	v6 =	vmul.f32 $2.947013850e+00, v6  }
0x115: {  	v5 =	vmax.f32 v5, $-1.000000000e+00  }
0x116: {  	v6 =	vmax.f32 v6, $-1.000000000e+00;
	v5 =	vmin.f32 v5, $1.000000000e+02  }
0x117: {  	v6 =	vmin.f32 v6, $1.000000000e+02;
	v5 =	vtrunc.f32 v5  }
0x118: {  	v6 =	vtrunc.f32 v6;
	v5 =	vcvt.f32.s32 v5  }
0x119: {  	v6 =	vcvt.f32.s32 v6  }
0x11a: {  	v5 =	vadd.s32 $0x1, v5  }
0x11b: {  	v6 =	vadd.s32 $0x1, v6;
	vm10 =	vgt.s32 v5, $0x0  }
0x11c: {  	vm11 =	vgt.s32 v6, $0x0;
	v5 =	vnsel vm10, $0x0, v5  }
0x11d: {  	v6 =	vnsel vm11, $0x0, v6;
	v5 =	vmin.u32 v5, $0x63  }
0x11e: {  	v6 =	vmin.u32 v6, $0x63;
	v7 =	vadd.s32 $0x1, v5  }
0x11f: {  	v9 =	vor.u32 $0x80, v6  }
0x120: {  	v11 =	vadd.s32 $0x81, v6;
	_ =	sdelay $0x1  }
0x121: {  	v12 =	vld.idx.msk [tilespmem:v5+s18+$0x0], $0xffff  }
0x122: {  	v13 =	vld.idx.msk [tilespmem:v7+s18+$0x0], $0xffff  }
0x123: {  	v7 =	vmov s0;
	v14 =	vld.idx.msk [tilespmem:v9+s18+$0x0], $0xffff  }
0x124: {  	v11 =	vld.idx.msk [tilespmem:v11+s18+$0x0], $0xffff;
	v7 =	vshll.u32 v7, $0x1  }
0x125: {  	v7 =	vor.u32 v1, v7  }
0x126: {  	v9 =	vand.u32 $0x7FFFFFF0, v7;
	v7 =	vand.u32 $0x7FFFFF80, v7  }
0x127: {  	vm12 =	vge.f32 v8, v12;
	v12 =	vor.u32 v0, v9;
	v15 =	vor.u32 v4, v9  }
0x128: {  	vm0 =	vmneg vm12;
	vm13 =	vge.f32 v8, v13;
	v9 =	vand.u32 $0x77, v12  }
0x129: {  	vm14 =	vge.f32 v10, v14;
	v8 =	vand.u32 $0x7F, v15;
	vm15 =	vge.f32 v10, v11  }
0x12a: {  	v12 =	vsel vm0, $0xFFFFFFFF, v2;
	v13 =	vsel vm13, $0x1, v2;
	vm0 =	vmneg vm14  }
0x12b: {  	s20 =	simm.s32 $0xD0;
	v11 =	vsel vm15, $0x1, v2;
	v10 =	vadd.s32 v13, v12;
	v12 =	vsel vm0, $0xFFFFFFFF, v2  }
.LBB2_13:
0x12c: {  	p2 =	sne.s32 s20, $0xF0;
	v11 =	vadd.s32 v11, v12;
	v9 =	vor.u32 v7, v9;
	s0 =	sadd.s32 $0x10, s0;
	s30 =	sadd.s32 $0x10, s30  }
0x12d: {  	v5 =	vadd.s32 v5, v10;
	v7 =	vor.u32 v7, v8;
	s19 =	smov.u32 s20;
	s20 =	sadd.s32 $0x10, s20;
	v6 =	vadd.s32 v6, v11  }
0x12e: {  	vm0 =	vgt.s32 v5, $0x0;
	vm1 =	vgt.s32 v6, $0x0  }
0x12f: {  	v5 =	vnsel vm0, $0x0, v5;
	v6 =	vnsel vm1, $0x0, v6  }
0x130: {  	v5 =	vmin.u32 v5, $0x63;
	v6 =	vmin.u32 v6, $0x63  }
0x131: {  	[tilespmem:v9+s23+$0x0] =	vst.idx.msk $0xffff, v5;
	v5 =	vadd.s32 $0x64, v6  }
0x132: {  	[tilespmem:v7+s23+$0x0] =	vst.idx.msk $0xffff, v5  }
0x133: {  	v8 =	vld [tilespmem:s30+$0x0]  }
0x134: {  	v10 =	vld [tilespmem:s0+$0x0];
	_ =	sdelay $0x3  }
0x135: {  	v5 =	vadd.f32 $1.047400000e+01, v8  }
0x136: {  	v6 =	vadd.f32 $-3.683800130e+01, v10  }
0x137: {  	v5 =	vmul.f32 $2.330004690e+00, v5  }
0x138: {  	v6 =	vmul.f32 $2.947013850e+00, v6  }
0x139: {  	v5 =	vmax.f32 v5, $-1.000000000e+00  }
0x13a: {  	v5 =	vmin.f32 v5, $1.000000000e+02;
	v6 =	vmax.f32 v6, $-1.000000000e+00  }
0x13b: {  	v5 =	vtrunc.f32 v5;
	v6 =	vmin.f32 v6, $1.000000000e+02  }
0x13c: {  	v5 =	vcvt.f32.s32 v5;
	v6 =	vtrunc.f32 v6  }
0x13d: {  	v6 =	vcvt.f32.s32 v6  }
0x13e: {  	v5 =	vadd.s32 $0x1, v5  }
0x13f: {  	vm0 =	vgt.s32 v5, $0x0;
	v6 =	vadd.s32 $0x1, v6  }
0x140: {  	v5 =	vnsel vm0, $0x0, v5;
	vm0 =	vgt.s32 v6, $0x0  }
0x141: {  	v5 =	vmin.u32 v5, $0x63;
	v6 =	vnsel vm0, $0x0, v6  }
0x142: {  	v7 =	vadd.s32 $0x1, v5;
	v6 =	vmin.u32 v6, $0x63  }
0x143: {  	v9 =	vor.u32 $0x80, v6;
	v11 =	vadd.s32 $0x81, v6;
	_ =	sdelay $0x2  }
0x144: {  	v12 =	vld.idx.msk [tilespmem:v5+s18+$0x0], $0xffff  }
0x145: {  	v13 =	vld.idx.msk [tilespmem:v7+s18+$0x0], $0xffff  }
0x146: {  	v7 =	vmov s19;
	v14 =	vld.idx.msk [tilespmem:v9+s18+$0x0], $0xffff  }
0x147: {  	v7 =	vshll.u32 v7, $0x1;
	v11 =	vld.idx.msk [tilespmem:v11+s18+$0x0], $0xffff  }
0x148: {  	v7 =	vor.u32 v1, v7  }
0x149: {  	v9 =	vand.u32 $0x7FFFFFF0, v7;
	v7 =	vand.u32 $0x7FFFFF80, v7  }
.Ltmp6:
0x14a: {  	vm0 =	vge.f32 v8, v12;
	v12 =	vor.u32 v0, v9;
	v15 =	vor.u32 v4, v9;
	(pc) =	sbr.rel @p2 .LBB2_13-.Ltmp6, $4  }
0x14b: {  	vm0 =	vmneg vm0;
	vm1 =	vge.f32 v8, v13;
	v9 =	vand.u32 $0x77, v12  }
0x14c: {  	v8 =	vand.u32 $0x7F, v15;
	v12 =	vsel vm0, $0xFFFFFFFF, v2;
	vm0 =	vge.f32 v10, v14  }
0x14d: {  	v13 =	vsel vm1, $0x1, v2;
	vm0 =	vmneg vm0;
	vm1 =	vge.f32 v10, v11  }
0x14e: {  	v10 =	vadd.s32 v13, v12;
	v11 =	vsel vm1, $0x1, v2;
	v12 =	vsel vm0, $0xFFFFFFFF, v2  }
0x14f: {  	v11 =	vadd.s32 v11, v12;
	v9 =	vor.u32 v7, v9  }
0x150: {  	v5 =	vadd.s32 v5, v10;
	v7 =	vor.u32 v7, v8;
	v6 =	vadd.s32 v6, v11  }
0x151: {  	vm0 =	vgt.s32 v5, $0x0;
	vm1 =	vgt.s32 v6, $0x0  }
0x152: {  	v5 =	vnsel vm0, $0x0, v5;
	v6 =	vnsel vm1, $0x0, v6  }
0x153: {  	v5 =	vmin.u32 v5, $0x63;
	v6 =	vmin.u32 v6, $0x63  }
0x154: {  	[tilespmem:v9+s23+$0x0] =	vst.idx.msk $0xffff, v5;
	v5 =	vadd.s32 $0x64, v6  }
0x155: {  	s0 =	simm.s32 $0xCC0;
	[tilespmem:v7+s23+$0x0] =	vst.idx.msk $0xffff, v5  }
0x156: {  	[tilespmem:s1], [sflag:$0x2] =	stream.indirect.gather [spmem:s4], $0x80, s0, s24, $0xb8;
	[tilespmem:$0x10F40] =	vst v63  }
0x157: {  	_ =	swait.ge [sflag:s29], $0x4000  }
0x158: {  	[sflag:s29] =	ssyncset.done $0x0  }
0x159: {  	s30 =	simm.s32 $0x300;
	[sflag:s29] =	ssyncadd.s32 $0xFFFFC000  }
0x15a: {  	[hbm4b:s10+s5] =	stream.linear.scatter [tilespmem:s31], [sflag:$0x3], $0x4000, $0x38;
	[tilespmem:$0x10F40] =	vst v63  }
0x15b: {  	s0 =	simm.s32 $0x100;
	v8 =	vld [tilespmem:s30+$0x0]  }
0x15c: {  	v10 =	vld [tilespmem:s0+$0x0];
	_ =	sdelay $0x3  }
0x15d: {  	v5 =	vadd.f32 $1.047400000e+01, v8  }
0x15e: {  	v6 =	vadd.f32 $-3.683800130e+01, v10  }
0x15f: {  	v5 =	vmul.f32 $2.330004690e+00, v5  }
0x160: {  	v6 =	vmul.f32 $2.947013850e+00, v6  }
0x161: {  	v5 =	vmax.f32 v5, $-1.000000000e+00  }
0x162: {  	v6 =	vmax.f32 v6, $-1.000000000e+00;
	v5 =	vmin.f32 v5, $1.000000000e+02  }
0x163: {  	v6 =	vmin.f32 v6, $1.000000000e+02;
	v5 =	vtrunc.f32 v5  }
0x164: {  	v6 =	vtrunc.f32 v6;
	v5 =	vcvt.f32.s32 v5  }
0x165: {  	v6 =	vcvt.f32.s32 v6  }
0x166: {  	v5 =	vadd.s32 $0x1, v5  }
0x167: {  	v6 =	vadd.s32 $0x1, v6;
	vm10 =	vgt.s32 v5, $0x0  }
0x168: {  	vm11 =	vgt.s32 v6, $0x0;
	v5 =	vnsel vm10, $0x0, v5  }
0x169: {  	v6 =	vnsel vm11, $0x0, v6;
	v5 =	vmin.u32 v5, $0x63  }
0x16a: {  	v6 =	vmin.u32 v6, $0x63;
	v7 =	vadd.s32 $0x1, v5  }
0x16b: {  	v9 =	vor.u32 $0x80, v6  }
0x16c: {  	v11 =	vadd.s32 $0x81, v6;
	_ =	sdelay $0x1  }
0x16d: {  	v12 =	vld.idx.msk [tilespmem:v5+s18+$0x0], $0xffff  }
0x16e: {  	v13 =	vld.idx.msk [tilespmem:v7+s18+$0x0], $0xffff  }
0x16f: {  	v7 =	vmov s0;
	v14 =	vld.idx.msk [tilespmem:v9+s18+$0x0], $0xffff  }
0x170: {  	v11 =	vld.idx.msk [tilespmem:v11+s18+$0x0], $0xffff;
	v7 =	vshll.u32 v7, $0x1  }
0x171: {  	v7 =	vor.u32 v1, v7  }
0x172: {  	v9 =	vand.u32 $0x7FFFFFF0, v7;
	v7 =	vand.u32 $0x7FFFFF80, v7  }
0x173: {  	vm12 =	vge.f32 v8, v12;
	v12 =	vor.u32 v0, v9;
	v15 =	vor.u32 v4, v9  }
0x174: {  	vm0 =	vmneg vm12;
	vm13 =	vge.f32 v8, v13;
	v9 =	vand.u32 $0x77, v12  }
0x175: {  	vm14 =	vge.f32 v10, v14;
	v8 =	vand.u32 $0x7F, v15;
	vm15 =	vge.f32 v10, v11  }
0x176: {  	v12 =	vsel vm0, $0xFFFFFFFF, v2;
	v13 =	vsel vm13, $0x1, v2;
	vm0 =	vmneg vm14  }
0x177: {  	s20 =	simm.s32 $0x110;
	v11 =	vsel vm15, $0x1, v2;
	v10 =	vadd.s32 v13, v12;
	v12 =	vsel vm0, $0xFFFFFFFF, v2  }
.LBB2_15:
0x178: {  	p2 =	sne.s32 s20, $0x130;
	v11 =	vadd.s32 v11, v12;
	v9 =	vor.u32 v7, v9;
	s0 =	sadd.s32 $0x10, s0;
	s30 =	sadd.s32 $0x10, s30  }
0x179: {  	v5 =	vadd.s32 v5, v10;
	v7 =	vor.u32 v7, v8;
	s19 =	smov.u32 s20;
	s20 =	sadd.s32 $0x10, s20;
	v6 =	vadd.s32 v6, v11  }
0x17a: {  	vm0 =	vgt.s32 v5, $0x0;
	vm1 =	vgt.s32 v6, $0x0  }
0x17b: {  	v5 =	vnsel vm0, $0x0, v5;
	v6 =	vnsel vm1, $0x0, v6  }
0x17c: {  	v5 =	vmin.u32 v5, $0x63;
	v6 =	vmin.u32 v6, $0x63  }
0x17d: {  	[tilespmem:v9+s23+$0x0] =	vst.idx.msk $0xffff, v5;
	v5 =	vadd.s32 $0x64, v6  }
0x17e: {  	[tilespmem:v7+s23+$0x0] =	vst.idx.msk $0xffff, v5  }
0x17f: {  	v8 =	vld [tilespmem:s30+$0x0]  }
0x180: {  	v10 =	vld [tilespmem:s0+$0x0];
	_ =	sdelay $0x3  }
0x181: {  	v5 =	vadd.f32 $1.047400000e+01, v8  }
0x182: {  	v6 =	vadd.f32 $-3.683800130e+01, v10  }
0x183: {  	v5 =	vmul.f32 $2.330004690e+00, v5  }
0x184: {  	v6 =	vmul.f32 $2.947013850e+00, v6  }
0x185: {  	v5 =	vmax.f32 v5, $-1.000000000e+00  }
0x186: {  	v5 =	vmin.f32 v5, $1.000000000e+02;
	v6 =	vmax.f32 v6, $-1.000000000e+00  }
0x187: {  	v5 =	vtrunc.f32 v5;
	v6 =	vmin.f32 v6, $1.000000000e+02  }
0x188: {  	v5 =	vcvt.f32.s32 v5;
	v6 =	vtrunc.f32 v6  }
0x189: {  	v6 =	vcvt.f32.s32 v6  }
0x18a: {  	v5 =	vadd.s32 $0x1, v5  }
0x18b: {  	vm0 =	vgt.s32 v5, $0x0;
	v6 =	vadd.s32 $0x1, v6  }
0x18c: {  	v5 =	vnsel vm0, $0x0, v5;
	vm0 =	vgt.s32 v6, $0x0  }
0x18d: {  	v5 =	vmin.u32 v5, $0x63;
	v6 =	vnsel vm0, $0x0, v6  }
0x18e: {  	v7 =	vadd.s32 $0x1, v5;
	v6 =	vmin.u32 v6, $0x63  }
0x18f: {  	v9 =	vor.u32 $0x80, v6;
	v11 =	vadd.s32 $0x81, v6;
	_ =	sdelay $0x2  }
0x190: {  	v12 =	vld.idx.msk [tilespmem:v5+s18+$0x0], $0xffff  }
0x191: {  	v13 =	vld.idx.msk [tilespmem:v7+s18+$0x0], $0xffff  }
0x192: {  	v7 =	vmov s19;
	v14 =	vld.idx.msk [tilespmem:v9+s18+$0x0], $0xffff  }
0x193: {  	v7 =	vshll.u32 v7, $0x1;
	v11 =	vld.idx.msk [tilespmem:v11+s18+$0x0], $0xffff  }
0x194: {  	v7 =	vor.u32 v1, v7  }
0x195: {  	v9 =	vand.u32 $0x7FFFFFF0, v7;
	v7 =	vand.u32 $0x7FFFFF80, v7  }
.Ltmp7:
0x196: {  	vm0 =	vge.f32 v8, v12;
	v12 =	vor.u32 v0, v9;
	v15 =	vor.u32 v4, v9;
	(pc) =	sbr.rel @p2 .LBB2_15-.Ltmp7, $4  }
0x197: {  	vm0 =	vmneg vm0;
	vm1 =	vge.f32 v8, v13;
	v9 =	vand.u32 $0x77, v12  }
0x198: {  	v8 =	vand.u32 $0x7F, v15;
	v12 =	vsel vm0, $0xFFFFFFFF, v2;
	vm0 =	vge.f32 v10, v14  }
0x199: {  	v13 =	vsel vm1, $0x1, v2;
	vm0 =	vmneg vm0;
	vm1 =	vge.f32 v10, v11  }
0x19a: {  	v10 =	vadd.s32 v13, v12;
	v11 =	vsel vm1, $0x1, v2;
	v12 =	vsel vm0, $0xFFFFFFFF, v2  }
0x19b: {  	v11 =	vadd.s32 v11, v12;
	v9 =	vor.u32 v7, v9  }
0x19c: {  	v5 =	vadd.s32 v5, v10;
	v7 =	vor.u32 v7, v8;
	v6 =	vadd.s32 v6, v11  }
0x19d: {  	vm0 =	vgt.s32 v5, $0x0;
	vm1 =	vgt.s32 v6, $0x0  }
0x19e: {  	v5 =	vnsel vm0, $0x0, v5;
	v6 =	vnsel vm1, $0x0, v6  }
0x19f: {  	v5 =	vmin.u32 v5, $0x63;
	v6 =	vmin.u32 v6, $0x63  }
0x1a0: {  	[tilespmem:v9+s23+$0x0] =	vst.idx.msk $0xffff, v5;
	v5 =	vadd.s32 $0x64, v6  }
0x1a1: {  	[tilespmem:v7+s23+$0x0] =	vst.idx.msk $0xffff, v5  }
0x1a2: {  	_ =	swait.ge [sflag:s2], $0x4000  }
0x1a3: {  	[sflag:s2] =	ssyncset.done $0x0  }
0x1a4: {  	s0 =	simm.s32 $0xD40;
	[sflag:s2] =	ssyncadd.s32 $0xFFFFC000  }
0x1a5: {  	[tilespmem:s25], [sflag:$0x2] =	stream.indirect.gather [spmem:s4], $0x80, s0, s24, $0xb8;
	[tilespmem:$0x10F40] =	vst v63  }
0x1a6: {  	_ =	swait.ge [sflag:s29], $0x4000  }
0x1a7: {  	[sflag:s29] =	ssyncset.done $0x0  }
0x1a8: {  	s30 =	simm.s32 $0x340;
	[sflag:s29] =	ssyncadd.s32 $0xFFFFC000  }
0x1a9: {  	[hbm4b:s11+s5] =	stream.linear.scatter [tilespmem:s1], [sflag:$0x3], $0x4000, $0x38;
	[tilespmem:$0x10F40] =	vst v63  }
0x1aa: {  	s0 =	simm.s32 $0x140;
	v8 =	vld [tilespmem:s30+$0x0]  }
0x1ab: {  	v10 =	vld [tilespmem:s0+$0x0];
	_ =	sdelay $0x3  }
0x1ac: {  	v5 =	vadd.f32 $1.047400000e+01, v8  }
0x1ad: {  	v6 =	vadd.f32 $-3.683800130e+01, v10  }
0x1ae: {  	v5 =	vmul.f32 $2.330004690e+00, v5  }
0x1af: {  	v6 =	vmul.f32 $2.947013850e+00, v6  }
0x1b0: {  	v5 =	vmax.f32 v5, $-1.000000000e+00  }
0x1b1: {  	v6 =	vmax.f32 v6, $-1.000000000e+00;
	v5 =	vmin.f32 v5, $1.000000000e+02  }
0x1b2: {  	v6 =	vmin.f32 v6, $1.000000000e+02;
	v5 =	vtrunc.f32 v5  }
0x1b3: {  	v6 =	vtrunc.f32 v6;
	v5 =	vcvt.f32.s32 v5  }
0x1b4: {  	v6 =	vcvt.f32.s32 v6  }
0x1b5: {  	v5 =	vadd.s32 $0x1, v5  }
0x1b6: {  	v6 =	vadd.s32 $0x1, v6;
	vm10 =	vgt.s32 v5, $0x0  }
0x1b7: {  	vm11 =	vgt.s32 v6, $0x0;
	v5 =	vnsel vm10, $0x0, v5  }
0x1b8: {  	v6 =	vnsel vm11, $0x0, v6;
	v5 =	vmin.u32 v5, $0x63  }
0x1b9: {  	v6 =	vmin.u32 v6, $0x63;
	v7 =	vadd.s32 $0x1, v5  }
0x1ba: {  	v9 =	vor.u32 $0x80, v6  }
0x1bb: {  	v11 =	vadd.s32 $0x81, v6;
	_ =	sdelay $0x1  }
0x1bc: {  	v12 =	vld.idx.msk [tilespmem:v5+s18+$0x0], $0xffff  }
0x1bd: {  	v13 =	vld.idx.msk [tilespmem:v7+s18+$0x0], $0xffff  }
0x1be: {  	v7 =	vmov s0;
	v14 =	vld.idx.msk [tilespmem:v9+s18+$0x0], $0xffff  }
0x1bf: {  	v11 =	vld.idx.msk [tilespmem:v11+s18+$0x0], $0xffff;
	v7 =	vshll.u32 v7, $0x1  }
0x1c0: {  	v7 =	vor.u32 v1, v7  }
0x1c1: {  	v9 =	vand.u32 $0x7FFFFFF0, v7;
	v7 =	vand.u32 $0x7FFFFF80, v7  }
0x1c2: {  	vm12 =	vge.f32 v8, v12;
	v12 =	vor.u32 v0, v9;
	v15 =	vor.u32 v4, v9  }
0x1c3: {  	vm0 =	vmneg vm12;
	vm13 =	vge.f32 v8, v13;
	v9 =	vand.u32 $0x77, v12  }
0x1c4: {  	vm14 =	vge.f32 v10, v14;
	v8 =	vand.u32 $0x7F, v15;
	vm15 =	vge.f32 v10, v11  }
0x1c5: {  	v12 =	vsel vm0, $0xFFFFFFFF, v2;
	v13 =	vsel vm13, $0x1, v2;
	vm0 =	vmneg vm14  }
0x1c6: {  	s20 =	simm.s32 $0x150;
	v11 =	vsel vm15, $0x1, v2;
	v10 =	vadd.s32 v13, v12;
	v12 =	vsel vm0, $0xFFFFFFFF, v2  }
.LBB2_17:
0x1c7: {  	p2 =	sne.s32 s20, $0x170;
	v11 =	vadd.s32 v11, v12;
	v9 =	vor.u32 v7, v9;
	s0 =	sadd.s32 $0x10, s0;
	s30 =	sadd.s32 $0x10, s30  }
0x1c8: {  	v5 =	vadd.s32 v5, v10;
	v7 =	vor.u32 v7, v8;
	s19 =	smov.u32 s20;
	s20 =	sadd.s32 $0x10, s20;
	v6 =	vadd.s32 v6, v11  }
0x1c9: {  	vm0 =	vgt.s32 v5, $0x0;
	vm1 =	vgt.s32 v6, $0x0  }
0x1ca: {  	v5 =	vnsel vm0, $0x0, v5;
	v6 =	vnsel vm1, $0x0, v6  }
0x1cb: {  	v5 =	vmin.u32 v5, $0x63;
	v6 =	vmin.u32 v6, $0x63  }
0x1cc: {  	[tilespmem:v9+s23+$0x0] =	vst.idx.msk $0xffff, v5;
	v5 =	vadd.s32 $0x64, v6  }
0x1cd: {  	[tilespmem:v7+s23+$0x0] =	vst.idx.msk $0xffff, v5  }
0x1ce: {  	v8 =	vld [tilespmem:s30+$0x0]  }
0x1cf: {  	v10 =	vld [tilespmem:s0+$0x0];
	_ =	sdelay $0x3  }
0x1d0: {  	v5 =	vadd.f32 $1.047400000e+01, v8  }
0x1d1: {  	v6 =	vadd.f32 $-3.683800130e+01, v10  }
0x1d2: {  	v5 =	vmul.f32 $2.330004690e+00, v5  }
0x1d3: {  	v6 =	vmul.f32 $2.947013850e+00, v6  }
0x1d4: {  	v5 =	vmax.f32 v5, $-1.000000000e+00  }
0x1d5: {  	v5 =	vmin.f32 v5, $1.000000000e+02;
	v6 =	vmax.f32 v6, $-1.000000000e+00  }
0x1d6: {  	v5 =	vtrunc.f32 v5;
	v6 =	vmin.f32 v6, $1.000000000e+02  }
0x1d7: {  	v5 =	vcvt.f32.s32 v5;
	v6 =	vtrunc.f32 v6  }
0x1d8: {  	v6 =	vcvt.f32.s32 v6  }
0x1d9: {  	v5 =	vadd.s32 $0x1, v5  }
0x1da: {  	vm0 =	vgt.s32 v5, $0x0;
	v6 =	vadd.s32 $0x1, v6  }
0x1db: {  	v5 =	vnsel vm0, $0x0, v5;
	vm0 =	vgt.s32 v6, $0x0  }
0x1dc: {  	v5 =	vmin.u32 v5, $0x63;
	v6 =	vnsel vm0, $0x0, v6  }
0x1dd: {  	v7 =	vadd.s32 $0x1, v5;
	v6 =	vmin.u32 v6, $0x63  }
0x1de: {  	v9 =	vor.u32 $0x80, v6;
	v11 =	vadd.s32 $0x81, v6;
	_ =	sdelay $0x2  }
0x1df: {  	v12 =	vld.idx.msk [tilespmem:v5+s18+$0x0], $0xffff  }
0x1e0: {  	v13 =	vld.idx.msk [tilespmem:v7+s18+$0x0], $0xffff  }
0x1e1: {  	v7 =	vmov s19;
	v14 =	vld.idx.msk [tilespmem:v9+s18+$0x0], $0xffff  }
0x1e2: {  	v7 =	vshll.u32 v7, $0x1;
	v11 =	vld.idx.msk [tilespmem:v11+s18+$0x0], $0xffff  }
0x1e3: {  	v7 =	vor.u32 v1, v7  }
0x1e4: {  	v9 =	vand.u32 $0x7FFFFFF0, v7;
	v7 =	vand.u32 $0x7FFFFF80, v7  }
.Ltmp8:
0x1e5: {  	vm0 =	vge.f32 v8, v12;
	v12 =	vor.u32 v0, v9;
	v15 =	vor.u32 v4, v9;
	(pc) =	sbr.rel @p2 .LBB2_17-.Ltmp8, $4  }
0x1e6: {  	vm0 =	vmneg vm0;
	vm1 =	vge.f32 v8, v13;
	v9 =	vand.u32 $0x77, v12  }
0x1e7: {  	v8 =	vand.u32 $0x7F, v15;
	v12 =	vsel vm0, $0xFFFFFFFF, v2;
	vm0 =	vge.f32 v10, v14  }
0x1e8: {  	v13 =	vsel vm1, $0x1, v2;
	vm0 =	vmneg vm0;
	vm1 =	vge.f32 v10, v11  }
0x1e9: {  	v10 =	vadd.s32 v13, v12;
	v11 =	vsel vm1, $0x1, v2;
	v12 =	vsel vm0, $0xFFFFFFFF, v2  }
0x1ea: {  	v11 =	vadd.s32 v11, v12;
	v9 =	vor.u32 v7, v9  }
0x1eb: {  	v5 =	vadd.s32 v5, v10;
	v7 =	vor.u32 v7, v8;
	v6 =	vadd.s32 v6, v11  }
0x1ec: {  	vm0 =	vgt.s32 v5, $0x0;
	vm1 =	vgt.s32 v6, $0x0  }
0x1ed: {  	v5 =	vnsel vm0, $0x0, v5;
	v6 =	vnsel vm1, $0x0, v6  }
0x1ee: {  	v5 =	vmin.u32 v5, $0x63;
	v6 =	vmin.u32 v6, $0x63  }
0x1ef: {  	[tilespmem:v9+s23+$0x0] =	vst.idx.msk $0xffff, v5;
	v5 =	vadd.s32 $0x64, v6  }
0x1f0: {  	[tilespmem:v7+s23+$0x0] =	vst.idx.msk $0xffff, v5  }
0x1f1: {  	_ =	swait.ge [sflag:s2], $0x4000  }
0x1f2: {  	[sflag:s2] =	ssyncset.done $0x0  }
0x1f3: {  	s0 =	simm.s32 $0xDC0;
	[sflag:s2] =	ssyncadd.s32 $0xFFFFC000  }
0x1f4: {  	[tilespmem:s28], [sflag:$0x2] =	stream.indirect.gather [spmem:s4], $0x80, s0, s24, $0xb8;
	[tilespmem:$0x10F40] =	vst v63  }
0x1f5: {  	_ =	swait.ge [sflag:s29], $0x4000  }
0x1f6: {  	[sflag:s29] =	ssyncset.done $0x0  }
0x1f7: {  	s30 =	simm.s32 $0x380;
	[sflag:s29] =	ssyncadd.s32 $0xFFFFC000  }
0x1f8: {  	[hbm4b:s12+s5] =	stream.linear.scatter [tilespmem:s25], [sflag:$0x3], $0x4000, $0x38;
	[tilespmem:$0x10F40] =	vst v63  }
0x1f9: {  	s0 =	simm.s32 $0x180;
	v8 =	vld [tilespmem:s30+$0x0]  }
0x1fa: {  	v10 =	vld [tilespmem:s0+$0x0];
	_ =	sdelay $0x3  }
0x1fb: {  	v5 =	vadd.f32 $1.047400000e+01, v8  }
0x1fc: {  	v6 =	vadd.f32 $-3.683800130e+01, v10  }
0x1fd: {  	v5 =	vmul.f32 $2.330004690e+00, v5  }
0x1fe: {  	v6 =	vmul.f32 $2.947013850e+00, v6  }
0x1ff: {  	v5 =	vmax.f32 v5, $-1.000000000e+00  }
0x200: {  	v6 =	vmax.f32 v6, $-1.000000000e+00;
	v5 =	vmin.f32 v5, $1.000000000e+02  }
0x201: {  	v6 =	vmin.f32 v6, $1.000000000e+02;
	v5 =	vtrunc.f32 v5  }
0x202: {  	v6 =	vtrunc.f32 v6;
	v5 =	vcvt.f32.s32 v5  }
0x203: {  	v6 =	vcvt.f32.s32 v6  }
0x204: {  	v5 =	vadd.s32 $0x1, v5  }
0x205: {  	v6 =	vadd.s32 $0x1, v6;
	vm10 =	vgt.s32 v5, $0x0  }
0x206: {  	vm11 =	vgt.s32 v6, $0x0;
	v5 =	vnsel vm10, $0x0, v5  }
0x207: {  	v6 =	vnsel vm11, $0x0, v6;
	v5 =	vmin.u32 v5, $0x63  }
0x208: {  	v6 =	vmin.u32 v6, $0x63;
	v7 =	vadd.s32 $0x1, v5  }
0x209: {  	v9 =	vor.u32 $0x80, v6  }
0x20a: {  	v11 =	vadd.s32 $0x81, v6;
	_ =	sdelay $0x1  }
0x20b: {  	v12 =	vld.idx.msk [tilespmem:v5+s18+$0x0], $0xffff  }
0x20c: {  	v13 =	vld.idx.msk [tilespmem:v7+s18+$0x0], $0xffff  }
0x20d: {  	v7 =	vmov s0;
	v14 =	vld.idx.msk [tilespmem:v9+s18+$0x0], $0xffff  }
0x20e: {  	v11 =	vld.idx.msk [tilespmem:v11+s18+$0x0], $0xffff;
	v7 =	vshll.u32 v7, $0x1  }
0x20f: {  	v7 =	vor.u32 v1, v7  }
0x210: {  	v9 =	vand.u32 $0x7FFFFFF0, v7;
	v7 =	vand.u32 $0x7FFFFF80, v7  }
0x211: {  	vm12 =	vge.f32 v8, v12;
	v12 =	vor.u32 v0, v9;
	v15 =	vor.u32 v4, v9  }
0x212: {  	vm0 =	vmneg vm12;
	vm13 =	vge.f32 v8, v13;
	v9 =	vand.u32 $0x77, v12  }
0x213: {  	vm14 =	vge.f32 v10, v14;
	v8 =	vand.u32 $0x7F, v15;
	vm15 =	vge.f32 v10, v11  }
0x214: {  	v12 =	vsel vm0, $0xFFFFFFFF, v2;
	v13 =	vsel vm13, $0x1, v2;
	vm0 =	vmneg vm14  }
0x215: {  	s20 =	simm.s32 $0x190;
	v11 =	vsel vm15, $0x1, v2;
	v10 =	vadd.s32 v13, v12;
	v12 =	vsel vm0, $0xFFFFFFFF, v2  }
.LBB2_19:
0x216: {  	p2 =	sne.s32 s20, $0x1B0;
	v11 =	vadd.s32 v11, v12;
	v9 =	vor.u32 v7, v9;
	s0 =	sadd.s32 $0x10, s0;
	s30 =	sadd.s32 $0x10, s30  }
0x217: {  	v5 =	vadd.s32 v5, v10;
	v7 =	vor.u32 v7, v8;
	s19 =	smov.u32 s20;
	s20 =	sadd.s32 $0x10, s20;
	v6 =	vadd.s32 v6, v11  }
0x218: {  	vm0 =	vgt.s32 v5, $0x0;
	vm1 =	vgt.s32 v6, $0x0  }
0x219: {  	v5 =	vnsel vm0, $0x0, v5;
	v6 =	vnsel vm1, $0x0, v6  }
0x21a: {  	v5 =	vmin.u32 v5, $0x63;
	v6 =	vmin.u32 v6, $0x63  }
0x21b: {  	[tilespmem:v9+s23+$0x0] =	vst.idx.msk $0xffff, v5;
	v5 =	vadd.s32 $0x64, v6  }
0x21c: {  	[tilespmem:v7+s23+$0x0] =	vst.idx.msk $0xffff, v5  }
0x21d: {  	v8 =	vld [tilespmem:s30+$0x0]  }
0x21e: {  	v10 =	vld [tilespmem:s0+$0x0];
	_ =	sdelay $0x3  }
0x21f: {  	v5 =	vadd.f32 $1.047400000e+01, v8  }
0x220: {  	v6 =	vadd.f32 $-3.683800130e+01, v10  }
0x221: {  	v5 =	vmul.f32 $2.330004690e+00, v5  }
0x222: {  	v6 =	vmul.f32 $2.947013850e+00, v6  }
0x223: {  	v5 =	vmax.f32 v5, $-1.000000000e+00  }
0x224: {  	v5 =	vmin.f32 v5, $1.000000000e+02;
	v6 =	vmax.f32 v6, $-1.000000000e+00  }
0x225: {  	v5 =	vtrunc.f32 v5;
	v6 =	vmin.f32 v6, $1.000000000e+02  }
0x226: {  	v5 =	vcvt.f32.s32 v5;
	v6 =	vtrunc.f32 v6  }
0x227: {  	v6 =	vcvt.f32.s32 v6  }
0x228: {  	v5 =	vadd.s32 $0x1, v5  }
0x229: {  	vm0 =	vgt.s32 v5, $0x0;
	v6 =	vadd.s32 $0x1, v6  }
0x22a: {  	v5 =	vnsel vm0, $0x0, v5;
	vm0 =	vgt.s32 v6, $0x0  }
0x22b: {  	v5 =	vmin.u32 v5, $0x63;
	v6 =	vnsel vm0, $0x0, v6  }
0x22c: {  	v7 =	vadd.s32 $0x1, v5;
	v6 =	vmin.u32 v6, $0x63  }
0x22d: {  	v9 =	vor.u32 $0x80, v6;
	v11 =	vadd.s32 $0x81, v6;
	_ =	sdelay $0x2  }
0x22e: {  	v12 =	vld.idx.msk [tilespmem:v5+s18+$0x0], $0xffff  }
0x22f: {  	v13 =	vld.idx.msk [tilespmem:v7+s18+$0x0], $0xffff  }
0x230: {  	v7 =	vmov s19;
	v14 =	vld.idx.msk [tilespmem:v9+s18+$0x0], $0xffff  }
0x231: {  	v7 =	vshll.u32 v7, $0x1;
	v11 =	vld.idx.msk [tilespmem:v11+s18+$0x0], $0xffff  }
0x232: {  	v7 =	vor.u32 v1, v7  }
0x233: {  	v9 =	vand.u32 $0x7FFFFFF0, v7;
	v7 =	vand.u32 $0x7FFFFF80, v7  }
.Ltmp9:
0x234: {  	vm0 =	vge.f32 v8, v12;
	v12 =	vor.u32 v0, v9;
	v15 =	vor.u32 v4, v9;
	(pc) =	sbr.rel @p2 .LBB2_19-.Ltmp9, $4  }
0x235: {  	vm0 =	vmneg vm0;
	vm1 =	vge.f32 v8, v13;
	v9 =	vand.u32 $0x77, v12  }
0x236: {  	v8 =	vand.u32 $0x7F, v15;
	v12 =	vsel vm0, $0xFFFFFFFF, v2;
	vm0 =	vge.f32 v10, v14  }
0x237: {  	v13 =	vsel vm1, $0x1, v2;
	vm0 =	vmneg vm0;
	vm1 =	vge.f32 v10, v11  }
0x238: {  	v10 =	vadd.s32 v13, v12;
	v11 =	vsel vm1, $0x1, v2;
	v12 =	vsel vm0, $0xFFFFFFFF, v2  }
0x239: {  	v11 =	vadd.s32 v11, v12;
	v9 =	vor.u32 v7, v9  }
0x23a: {  	v5 =	vadd.s32 v5, v10;
	v7 =	vor.u32 v7, v8;
	v6 =	vadd.s32 v6, v11  }
0x23b: {  	vm0 =	vgt.s32 v5, $0x0;
	vm1 =	vgt.s32 v6, $0x0  }
0x23c: {  	v5 =	vnsel vm0, $0x0, v5;
	v6 =	vnsel vm1, $0x0, v6  }
0x23d: {  	v5 =	vmin.u32 v5, $0x63;
	v6 =	vmin.u32 v6, $0x63  }
0x23e: {  	[tilespmem:v9+s23+$0x0] =	vst.idx.msk $0xffff, v5;
	v5 =	vadd.s32 $0x64, v6  }
0x23f: {  	[tilespmem:v7+s23+$0x0] =	vst.idx.msk $0xffff, v5  }
0x240: {  	_ =	swait.ge [sflag:s2], $0x4000  }
0x241: {  	[sflag:s2] =	ssyncset.done $0x0  }
0x242: {  	[sflag:s2] =	ssyncadd.s32 $0xFFFFC000  }
0x243: {  	[tilespmem:s31], [sflag:$0x2] =	stream.indirect.gather [spmem:s4], $0x80, s3, s24, $0xb8;
	[tilespmem:$0x10F40] =	vst v63  }
0x244: {  	_ =	swait.ge [sflag:s29], $0x4000  }
0x245: {  	[sflag:s29] =	ssyncset.done $0x0  }
0x246: {  	s30 =	simm.s32 $0x3C0;
	[sflag:s29] =	ssyncadd.s32 $0xFFFFC000  }
0x247: {  	[hbm4b:s13+s5] =	stream.linear.scatter [tilespmem:s28], [sflag:$0x3], $0x4000, $0x38;
	[tilespmem:$0x10F40] =	vst v63  }
0x248: {  	s0 =	simm.s32 $0x1C0;
	v8 =	vld [tilespmem:s30+$0x0]  }
0x249: {  	v10 =	vld [tilespmem:s0+$0x0];
	_ =	sdelay $0x3  }
0x24a: {  	v5 =	vadd.f32 $1.047400000e+01, v8  }
0x24b: {  	v6 =	vadd.f32 $-3.683800130e+01, v10  }
0x24c: {  	v5 =	vmul.f32 $2.330004690e+00, v5  }
0x24d: {  	v6 =	vmul.f32 $2.947013850e+00, v6  }
0x24e: {  	v5 =	vmax.f32 v5, $-1.000000000e+00  }
0x24f: {  	v6 =	vmax.f32 v6, $-1.000000000e+00;
	v5 =	vmin.f32 v5, $1.000000000e+02  }
0x250: {  	v6 =	vmin.f32 v6, $1.000000000e+02;
	v5 =	vtrunc.f32 v5  }
0x251: {  	v6 =	vtrunc.f32 v6;
	v5 =	vcvt.f32.s32 v5  }
0x252: {  	v6 =	vcvt.f32.s32 v6  }
0x253: {  	v5 =	vadd.s32 $0x1, v5  }
0x254: {  	v6 =	vadd.s32 $0x1, v6;
	vm10 =	vgt.s32 v5, $0x0  }
0x255: {  	vm11 =	vgt.s32 v6, $0x0;
	v5 =	vnsel vm10, $0x0, v5  }
0x256: {  	v6 =	vnsel vm11, $0x0, v6;
	v5 =	vmin.u32 v5, $0x63  }
0x257: {  	v6 =	vmin.u32 v6, $0x63;
	v7 =	vadd.s32 $0x1, v5  }
0x258: {  	v9 =	vor.u32 $0x80, v6  }
0x259: {  	v11 =	vadd.s32 $0x81, v6;
	_ =	sdelay $0x1  }
0x25a: {  	v12 =	vld.idx.msk [tilespmem:v5+s18+$0x0], $0xffff  }
0x25b: {  	v13 =	vld.idx.msk [tilespmem:v7+s18+$0x0], $0xffff  }
0x25c: {  	v7 =	vmov s0;
	v14 =	vld.idx.msk [tilespmem:v9+s18+$0x0], $0xffff  }
0x25d: {  	v11 =	vld.idx.msk [tilespmem:v11+s18+$0x0], $0xffff;
	v7 =	vshll.u32 v7, $0x1  }
0x25e: {  	v7 =	vor.u32 v1, v7  }
0x25f: {  	v9 =	vand.u32 $0x7FFFFFF0, v7;
	v7 =	vand.u32 $0x7FFFFF80, v7  }
0x260: {  	vm12 =	vge.f32 v8, v12;
	v12 =	vor.u32 v0, v9;
	v15 =	vor.u32 v4, v9  }
0x261: {  	vm0 =	vmneg vm12;
	vm13 =	vge.f32 v8, v13;
	v9 =	vand.u32 $0x77, v12  }
0x262: {  	vm14 =	vge.f32 v10, v14;
	v8 =	vand.u32 $0x7F, v15;
	vm15 =	vge.f32 v10, v11  }
0x263: {  	v12 =	vsel vm0, $0xFFFFFFFF, v2;
	v13 =	vsel vm13, $0x1, v2;
	vm0 =	vmneg vm14  }
0x264: {  	s20 =	simm.s32 $0x1D0;
	v11 =	vsel vm15, $0x1, v2;
	v10 =	vadd.s32 v13, v12;
	v12 =	vsel vm0, $0xFFFFFFFF, v2  }
.LBB2_21:
0x265: {  	p2 =	sne.s32 s20, $0x1F0;
	v11 =	vadd.s32 v11, v12;
	v9 =	vor.u32 v7, v9;
	s0 =	sadd.s32 $0x10, s0;
	s30 =	sadd.s32 $0x10, s30  }
0x266: {  	v5 =	vadd.s32 v5, v10;
	v7 =	vor.u32 v7, v8;
	s19 =	smov.u32 s20;
	s20 =	sadd.s32 $0x10, s20;
	v6 =	vadd.s32 v6, v11  }
0x267: {  	vm0 =	vgt.s32 v5, $0x0;
	vm1 =	vgt.s32 v6, $0x0  }
0x268: {  	v5 =	vnsel vm0, $0x0, v5;
	v6 =	vnsel vm1, $0x0, v6  }
0x269: {  	v5 =	vmin.u32 v5, $0x63;
	v6 =	vmin.u32 v6, $0x63  }
0x26a: {  	[tilespmem:v9+s23+$0x0] =	vst.idx.msk $0xffff, v5;
	v5 =	vadd.s32 $0x64, v6  }
0x26b: {  	[tilespmem:v7+s23+$0x0] =	vst.idx.msk $0xffff, v5  }
0x26c: {  	v8 =	vld [tilespmem:s30+$0x0]  }
0x26d: {  	v10 =	vld [tilespmem:s0+$0x0];
	_ =	sdelay $0x3  }
0x26e: {  	v5 =	vadd.f32 $1.047400000e+01, v8  }
0x26f: {  	v6 =	vadd.f32 $-3.683800130e+01, v10  }
0x270: {  	v5 =	vmul.f32 $2.330004690e+00, v5  }
0x271: {  	v6 =	vmul.f32 $2.947013850e+00, v6  }
0x272: {  	v5 =	vmax.f32 v5, $-1.000000000e+00  }
0x273: {  	v5 =	vmin.f32 v5, $1.000000000e+02;
	v6 =	vmax.f32 v6, $-1.000000000e+00  }
0x274: {  	v5 =	vtrunc.f32 v5;
	v6 =	vmin.f32 v6, $1.000000000e+02  }
0x275: {  	v5 =	vcvt.f32.s32 v5;
	v6 =	vtrunc.f32 v6  }
0x276: {  	v6 =	vcvt.f32.s32 v6  }
0x277: {  	v5 =	vadd.s32 $0x1, v5  }
0x278: {  	vm0 =	vgt.s32 v5, $0x0;
	v6 =	vadd.s32 $0x1, v6  }
0x279: {  	v5 =	vnsel vm0, $0x0, v5;
	vm0 =	vgt.s32 v6, $0x0  }
0x27a: {  	v5 =	vmin.u32 v5, $0x63;
	v6 =	vnsel vm0, $0x0, v6  }
0x27b: {  	v7 =	vadd.s32 $0x1, v5;
	v6 =	vmin.u32 v6, $0x63  }
0x27c: {  	v9 =	vor.u32 $0x80, v6;
	v11 =	vadd.s32 $0x81, v6;
	_ =	sdelay $0x2  }
0x27d: {  	v12 =	vld.idx.msk [tilespmem:v5+s18+$0x0], $0xffff  }
0x27e: {  	v13 =	vld.idx.msk [tilespmem:v7+s18+$0x0], $0xffff  }
0x27f: {  	v7 =	vmov s19;
	v14 =	vld.idx.msk [tilespmem:v9+s18+$0x0], $0xffff  }
0x280: {  	v7 =	vshll.u32 v7, $0x1;
	v11 =	vld.idx.msk [tilespmem:v11+s18+$0x0], $0xffff  }
0x281: {  	v7 =	vor.u32 v1, v7  }
0x282: {  	v9 =	vand.u32 $0x7FFFFFF0, v7;
	v7 =	vand.u32 $0x7FFFFF80, v7  }
.Ltmp10:
0x283: {  	vm0 =	vge.f32 v8, v12;
	v12 =	vor.u32 v0, v9;
	v15 =	vor.u32 v4, v9;
	(pc) =	sbr.rel @p2 .LBB2_21-.Ltmp10, $4  }
0x284: {  	vm0 =	vmneg vm0;
	vm1 =	vge.f32 v8, v13;
	v9 =	vand.u32 $0x77, v12  }
0x285: {  	v8 =	vand.u32 $0x7F, v15;
	v12 =	vsel vm0, $0xFFFFFFFF, v2;
	vm0 =	vge.f32 v10, v14  }
0x286: {  	v13 =	vsel vm1, $0x1, v2;
	vm0 =	vmneg vm0;
	vm1 =	vge.f32 v10, v11  }
0x287: {  	v10 =	vadd.s32 v13, v12;
	v11 =	vsel vm1, $0x1, v2;
	v12 =	vsel vm0, $0xFFFFFFFF, v2  }
0x288: {  	v11 =	vadd.s32 v11, v12;
	v9 =	vor.u32 v7, v9  }
0x289: {  	v5 =	vadd.s32 v5, v10;
	v7 =	vor.u32 v7, v8;
	v6 =	vadd.s32 v6, v11  }
0x28a: {  	vm0 =	vgt.s32 v5, $0x0;
	vm1 =	vgt.s32 v6, $0x0  }
0x28b: {  	v5 =	vnsel vm0, $0x0, v5;
	v6 =	vnsel vm1, $0x0, v6  }
0x28c: {  	v5 =	vmin.u32 v5, $0x63;
	v6 =	vmin.u32 v6, $0x63  }
0x28d: {  	[tilespmem:v9+s23+$0x0] =	vst.idx.msk $0xffff, v5;
	v5 =	vadd.s32 $0x64, v6  }
0x28e: {  	[tilespmem:v7+s23+$0x0] =	vst.idx.msk $0xffff, v5  }
0x28f: {  	_ =	swait.ge [sflag:s2], $0x4000  }
0x290: {  	[sflag:s2] =	ssyncset.done $0x0  }
0x291: {  	[sflag:s2] =	ssyncadd.s32 $0xFFFFC000  }
0x292: {  	[tilespmem:s1], [sflag:$0x2] =	stream.indirect.gather [spmem:s4], $0x80, s17, s24, $0xb8;
	[tilespmem:$0x10F40] =	vst v63  }
0x293: {  	_ =	swait.ge [sflag:s29], $0x4000  }
0x294: {  	[sflag:s29] =	ssyncset.done $0x0  }
0x295: {  	[sflag:s29] =	ssyncadd.s32 $0xFFFFC000  }
0x296: {  	[hbm4b:s14+s5] =	stream.linear.scatter [tilespmem:s31], [sflag:$0x3], $0x4000, $0x38;
	[tilespmem:$0x10F40] =	vst v63  }
0x297: {  	_ =	swait.ge [sflag:s29], $0x4000  }
0x298: {  	[sflag:s29] =	ssyncset.done $0x0  }
0x299: {  	[sflag:s29] =	ssyncadd.s32 $0xFFFFC000  }
0x29a: {  	[hbm4b:s15+s5] =	stream.linear.scatter [tilespmem:s1], [sflag:$0x3], $0x4000, $0x38;
	[tilespmem:$0x10F40] =	vst v63  }
0x29b: {  	_ =	swait.ge [sflag:s2], $0x4000  }
0x29c: {  	[sflag:s2] =	ssyncset.done $0x0  }
0x29d: {  	[sflag:s2] =	ssyncadd.s32 $0xFFFFC000  }
0x29e: {  	_ =	swait.ge [sflag:s2], $0x4000  }
0x29f: {  	[sflag:s2] =	ssyncset.done $0x0  }
0x2a0: {  	s26 =	sadd.s32 $0x1, s26;
	[sflag:s2] =	ssyncadd.s32 $0xFFFFC000  }
0x2a1: {  	p2 =	sne.s32 s26, s16;
	_ =	swait.ge [sflag:s2], $0x4000  }
.Ltmp11:
0x2a2: {  	[sflag:s2] =	ssyncset.done $0x0;
	(pc) =	sbr.rel @p2 .LBB2_1-.Ltmp11, $4  }
0x2a3: {  	[sflag:s2] =	ssyncadd.s32 $0xFFFFC000  }
0x2a4: {  	_ =	swait.ge [sflag:s2], $0x4000  }
0x2a5: {  	[sflag:s2] =	ssyncset.done $0x0  }
0x2a6: {  	[sflag:s2] =	ssyncadd.s32 $0xFFFFC000  }
0x2a7: {  	_ =	sfence.sel $0x180000  }
0x2a8: {  	[bflag:$0x0] =	sbarrier.arrive $0xFFFF  }
0x2a9: {  	_ =	strace $0x90000047  }
0x2aa: {  	[bflag:$0x2] =	sbarrier.arrive $0xFFFF  }
0x2ab: {  	s0 =	rddreg [dreg:$0x7]  }
0x2ac: {  	s0 =	sadd.s32 @!p1 $0x100000, s0  }
0x2ad: {  	[sflag:s0] =	ssyncadd.tile.s32 @!p1 $0x1;
	_ =	shalt  }
.Lfunc_end2:
_tile_overlayer_lowered:
.L_overlay_start_2:
0x2ae: {  	(tag) =	ssettag $0x2  }
0x2af: {  	s0 =	rddreg [dreg:$0x0];
	s2 =	stileid.u32  }
0x2b0: {  	s1 =	rddreg [dreg:$0x1];
	p0 =	sne.s32 s2, $0x0  }
0x2b1: {  	s3 =	rddreg [dreg:$0x2];
	[bflag:$0x3] =	sbarrier.arrive $0xFFFF;
	s2 =	simm.s32 @!p0 $0x1C04  }
0x2b2: {  	[timem:s3], [sflag:s2] =	dma.local @!p0 [hbm:s0], s1  }
0x2b3: {  	s0 =	simm.s32 @!p0 $0x4  }
0x2b4: {  	_ =	swait.ge @!p0 [sflag:s0], s1  }
0x2b5: {  	s1 =	ssub.s32 @!p0 $0x0, s1;
	[sflag:s0] =	ssyncset.done @!p0 $0x0  }
0x2b6: {  	[sflag:s0] =	ssyncadd.s32 @!p0 s1  }
0x2b7: {  	[bflag:$0x3] =	sbarrier.arrive $0xFFFF  }
0x2b8: {  	_ =	shalt  }

</sc_bundles>
